<compile_context>
chip_gen: v7x
topology: tpu7x:2x2x1
jax: 0.10.2.dev20260603
libtpu: 0.0.44.dev20260713+nightly
codegen_flags: <defaults>
</compile_context>

<pallas_src>
import functools

import jax
import jax.numpy as jnp
from jax import lax
from jax.experimental import pallas as pl
from jax.experimental.pallas import tpu as pltpu
from jax.experimental.pallas import tpu_sc as plsc

N = 10000
D = 128
NC = 2
NS = 16
NW = NC * NS
L = 16
CHUNK = 128
NP = 10240
STRIPE = NP // NS

_MESH = plsc.VectorSubcoreMesh(
    core_axis_name="c", subcore_axis_name="s", num_cores=NC, num_subcores=NS)


def _zeros16():
  return jnp.zeros((L,), jnp.float32)


_SPLAT_DNUMS = lax.GatherDimensionNumbers(
    offset_dims=(), collapsed_slice_dims=(0,), start_index_map=(0,))


def _lane_splat(vec, r):
  idx = jnp.full((L, 1), r, jnp.int32)
  return lax.gather(vec, idx, _SPLAT_DNUMS, slice_sizes=(1,),
                    mode=lax.GatherScatterMode.PROMISE_IN_BOUNDS)


def _make_deg_kernel(ch):
  @functools.partial(
      pl.kernel,
      out_type=jax.ShapeDtypeStruct((NC, NP), jnp.float32),
      mesh=_MESH,
      scratch_types=[
          pltpu.VMEM((CHUNK,), jnp.int32),
          pltpu.VMEM((CHUNK,), jnp.float32),
          pltpu.VMEM((STRIPE,), jnp.float32),
          pltpu.VMEM_SHARED((NP,), jnp.float32),
      ],
  )
  def deg_kernel(dst_hbm, ew_hbm, out_hbm, dst_v, ew_v, zbuf, acc):
    cid = lax.axis_index("c")
    sid = lax.axis_index("s")
    wid = cid * NS + sid

    def zb(i, carry):
      zbuf[pl.ds(i * L, L)] = _zeros16()
      return carry
    lax.fori_loop(0, STRIPE // L, zb, 0)
    pltpu.sync_copy(zbuf, acc.at[pl.ds(sid * STRIPE, STRIPE)])
    plsc.subcore_barrier()

    def body(k, carry):
      base = (wid * ch + k) * CHUNK
      pltpu.sync_copy(dst_hbm.at[pl.ds(base, CHUNK)], dst_v)
      pltpu.sync_copy(ew_hbm.at[pl.ds(base, CHUNK)], ew_v)
      pltpu.sync_copy(ew_v, acc.at[dst_v], add=True)
      return carry
    lax.fori_loop(0, ch, body, 0)
    plsc.subcore_barrier()
    pltpu.sync_copy(acc.at[pl.ds(sid * STRIPE, STRIPE)],
                    out_hbm.at[cid, pl.ds(sid * STRIPE, STRIPE)])

  return deg_kernel


def _make_msg_kernel(ch):
  @functools.partial(
      pl.kernel,
      out_type=jax.ShapeDtypeStruct((NC, NP, D), jnp.float32),
      mesh=_MESH,
      scratch_types=[
          pltpu.VMEM((CHUNK,), jnp.int32),
          pltpu.VMEM((CHUNK,), jnp.int32),
          pltpu.VMEM((CHUNK,), jnp.float32),
          pltpu.VMEM((CHUNK, D), jnp.float32),
          pltpu.SemaphoreType.DMA,
          pltpu.VMEM_SHARED((NP, D), jnp.float32),
      ],
  )
  def msg_kernel(src_hbm, dst_hbm, ew_hbm, h1_hbm, out_hbm,
                 src_v, dst_v, ew_v, rows, sem, acc):
    cid = lax.axis_index("c")
    sid = lax.axis_index("s")
    wid = cid * NS + sid

    def zr(r, carry):
      for j in range(D // L):
        rows[r, pl.ds(j * L, L)] = _zeros16()
      return carry
    lax.fori_loop(0, CHUNK, zr, 0)

    def zs(s, carry):
      pltpu.sync_copy(rows, acc.at[pl.ds(sid * STRIPE + s * CHUNK, CHUNK)])
      return carry
    lax.fori_loop(0, STRIPE // CHUNK, zs, 0)
    plsc.subcore_barrier()

    def body(k, carry):
      base = (wid * ch + k) * CHUNK
      pltpu.sync_copy(src_hbm.at[pl.ds(base, CHUNK)], src_v)
      pltpu.sync_copy(dst_hbm.at[pl.ds(base, CHUNK)], dst_v)
      pltpu.sync_copy(ew_hbm.at[pl.ds(base, CHUNK)], ew_v)
      pltpu.async_copy(h1_hbm.at[src_v], rows, sem).wait()

      def scale(e16, c2):
        ew16 = ew_v[pl.ds(e16 * L, L)]
        for r in range(L):
          srow = _lane_splat(ew16, r)
          row = e16 * L + r
          for j in range(D // L):
            rows[row, pl.ds(j * L, L)] = rows[row, pl.ds(j * L, L)] * srow
        return c2
      lax.fori_loop(0, CHUNK // L, scale, 0)

      pltpu.sync_copy(rows, acc.at[dst_v], add=True)
      return carry
    lax.fori_loop(0, ch, body, 0)
    plsc.subcore_barrier()

    pltpu.sync_copy(acc.at[pl.ds(sid * STRIPE, STRIPE)],
                    out_hbm.at[cid, pl.ds(sid * STRIPE, STRIPE)])

  return msg_kernel


_BR = 1024


def _tc_h1_body(x_ref, w_ref, d0_ref, d1_ref, h1_ref, dis_ref):
  deg = d0_ref[...] + d1_ref[...] + 1.0
  dis = lax.rsqrt(deg)
  h = jnp.dot(x_ref[...], w_ref[...], preferred_element_type=jnp.float32)
  h1_ref[...] = h * dis
  dis_ref[...] = dis


def _tc_h1(x_p, W, d0, d1):
  grid = (NP // _BR,)
  return pl.pallas_call(
      _tc_h1_body,
      grid=grid,
      in_specs=[
          pl.BlockSpec((_BR, D), lambda i: (i, 0)),
          pl.BlockSpec((D, D), lambda i: (0, 0)),
          pl.BlockSpec((_BR, 1), lambda i: (i, 0)),
          pl.BlockSpec((_BR, 1), lambda i: (i, 0)),
      ],
      out_specs=[
          pl.BlockSpec((_BR, D), lambda i: (i, 0)),
          pl.BlockSpec((_BR, 1), lambda i: (i, 0)),
      ],
      out_shape=[
          jax.ShapeDtypeStruct((NP, D), jnp.float32),
          jax.ShapeDtypeStruct((NP, 1), jnp.float32),
      ],
  )(x_p, W, d0, d1)


def _tc_head_body(a0_ref, a1_ref, h1_ref, dis_ref, b_ref, lw_ref, lb_ref,
                  o_ref):
  s = a0_ref[...] + a1_ref[...] + h1_ref[...]
  pre = s * dis_ref[...] + b_ref[...]
  z = jnp.maximum(pre, 0.0)
  y = jnp.dot(z, lw_ref[...], preferred_element_type=jnp.float32) + lb_ref[...]
  o_ref[...] = jax.nn.sigmoid(y)


def _tc_head(a0, a1, h1, dis, b2, lw, lb2):
  grid = (NP // _BR,)
  return pl.pallas_call(
      _tc_head_body,
      grid=grid,
      in_specs=[
          pl.BlockSpec((_BR, D), lambda i: (i, 0)),
          pl.BlockSpec((_BR, D), lambda i: (i, 0)),
          pl.BlockSpec((_BR, D), lambda i: (i, 0)),
          pl.BlockSpec((_BR, 1), lambda i: (i, 0)),
          pl.BlockSpec((1, D), lambda i: (0, 0)),
          pl.BlockSpec((D, 1), lambda i: (0, 0)),
          pl.BlockSpec((1, 1), lambda i: (0, 0)),
      ],
      out_specs=pl.BlockSpec((_BR, 1), lambda i: (i, 0)),
      out_shape=jax.ShapeDtypeStruct((NP, 1), jnp.float32),
  )(a0, a1, h1, dis, b2, lw, lb2)


@jax.jit
def kernel(x, edge_index, edge_weight, W, b, lin_w, lin_b):
  E = edge_weight.shape[0]
  ch = -(-E // (NW * CHUNK))
  EP = NW * ch * CHUNK
  pad = EP - E

  src = edge_index[0]
  dst = edge_index[1]
  if pad:
    src = jnp.concatenate([src, jnp.zeros((pad,), jnp.int32)])
    dst = jnp.concatenate([dst, jnp.zeros((pad,), jnp.int32)])
    ew = jnp.concatenate([edge_weight, jnp.zeros((pad,), jnp.float32)])
  else:
    ew = edge_weight
  x_p = jnp.pad(x, ((0, NP - N), (0, 0)))

  degp = _make_deg_kernel(ch)(dst, ew)
  d0 = degp[0][:, None]
  d1 = degp[1][:, None]
  h1, dis = _tc_h1(x_p, W, d0, d1)
  accp = _make_msg_kernel(ch)(src, dst, ew, h1)
  y = _tc_head(accp[0], accp[1], h1, dis,
               b.reshape(1, D), lin_w, lin_b.reshape(1, 1))
  return y[:N]

# --- scband reference (transcript-rebuilt; emitter-appended) ---
"""Pipeline reference for scband-gcnshallow-regression-29437705847601 (READ-ONLY COPY).

The authoritative reference and input builder live on the scoring server;
editing this copy changes nothing except your own understanding.
"""

import jax, jax.numpy as jnp
import numpy as np

N = 10000
E = 320000
D = 128


def setup_inputs(seed: int = 0) -> dict:
    key = jax.random.key(seed)
    k1, k2, k3, k4, k5, k6, k7 = jax.random.split(key, 7)
    x = jax.random.normal(k1, (N, D), dtype=jnp.float32)
    edge_index = jax.random.randint(k2, (2, E), 0, N, dtype=jnp.int32)
    edge_weight = jax.random.uniform(k3, (E,), dtype=jnp.float32)
    # GCNConv(128, 128) parameters (glorot weight, zero bias)
    lim = float(np.sqrt(6.0 / (D + D)))
    W = jax.random.uniform(k4, (D, D), minval=-lim, maxval=lim, dtype=jnp.float32)
    b = jnp.zeros((D,), dtype=jnp.float32)
    # nn.Linear(128, 1) parameters
    lim2 = float(1.0 / np.sqrt(D))
    lin_w = jax.random.uniform(k5, (D, 1), minval=-lim2, maxval=lim2, dtype=jnp.float32)
    lin_b = jax.random.uniform(k6, (1,), minval=-lim2, maxval=lim2, dtype=jnp.float32)
    return {"x": x, "edge_index": edge_index, "edge_weight": edge_weight,
            "W": W, "b": b, "lin_w": lin_w, "lin_b": lin_b}


def reference(x, edge_index, edge_weight, W, b, lin_w, lin_b):
    n = x.shape[0]
    src = edge_index[0]
    dst = edge_index[1]
    # --- GCNConv with gcn_norm: add self-loops (fill value 1.0) ---
    loop = jnp.arange(n, dtype=edge_index.dtype)
    src2 = jnp.concatenate([src, loop])
    dst2 = jnp.concatenate([dst, loop])
    ew2 = jnp.concatenate([edge_weight, jnp.ones((n,), dtype=x.dtype)])
    # symmetric normalization: deg computed over dst (col)
    deg = jnp.zeros((n,), dtype=x.dtype).at[dst2].add(ew2)
    deg_inv_sqrt = jnp.where(deg > 0, jax.lax.rsqrt(jnp.where(deg > 0, deg, 1.0)), 0.0)
    norm = deg_inv_sqrt[src2] * ew2 * deg_inv_sqrt[dst2]
    # linear transform then message passing (scatter-add at dst)
    h = x @ W
    msg = h[src2] * norm[:, None]
    out = jnp.zeros((n, h.shape[1]), dtype=x.dtype).at[dst2].add(msg)
    out = out + b
    # --- relu, linear head, sigmoid ---
    out = jax.nn.relu(out)
    out = out @ lin_w + lin_b
    return jax.nn.sigmoid(out)

if __name__ == "__main__":
    import jax
    _d = setup_inputs()
    print(jax.jit(kernel)(*tuple(_d.values())))

</pallas_src>

<mosaic_0001>
#map = affine_map<(d0, d1) -> (0)>
#map1 = affine_map<(d0, d1) -> (0, 0)>
module attributes {stable_mosaic.version = 14 : i64} {
  func.func @deg_kernel(%arg0: i32, %arg1: i32, %arg2: memref<323584xi32, #tpu.memory_space<hbm>>, %arg3: memref<323584xf32, #tpu.memory_space<hbm>>, %arg4: memref<2x10240xf32, #tpu.memory_space<hbm>>, %arg5: memref<128xi32, #tpu.memory_space<vmem>>, %arg6: memref<128xf32, #tpu.memory_space<vmem>>, %arg7: memref<640xf32, #tpu.memory_space<vmem>>, %arg8: memref<10240xf32, #tpu.memory_space<vmem_shared>>) attributes {dimension_semantics = [#tpu.dimension_semantics<core_parallel>, #tpu.dimension_semantics<subcore_parallel>], iteration_bounds = array<i64: 2, 16>, scalar_prefetch = 0 : i64, scratch_operands = 4 : i64, tpu.core_type = #tpu.core_type<sc_vector_subcore>, window_params = [{transform_indices = #map}, {transform_indices = #map}, {transform_indices = #map1}]} {
    %mul3A = arith.constant 16 : i32
    %mul3A_0 = arith.muli %arg0, %mul3A : i32
    %add3A = arith.addi %mul3A_0, %arg1 : i32
    %scan3A = arith.constant 0 : i32
    %scan3A_1 = arith.constant 0 : i32
    %scan3A_2 = arith.constant 40 : i32
    %scan3A_3 = arith.addi %scan3A_1, %scan3A_2 : i32
    %scan3A_4 = arith.constant 1 : i32
    scf.for %scan3A_19 = %scan3A_1 to %scan3A_3 step %scan3A_4  : i32 {
      %broadcast_in_dim3A = arith.constant 0.000000e+00 : f32
      %broadcast_in_dim3A_20 = vector.broadcast %broadcast_in_dim3A : f32 to vector<16xf32>
      %mul3A_21 = arith.constant 16 : i32
      %mul3A_22 = arith.muli %scan3A_19, %mul3A_21 : i32
      %swap3A = arith.index_cast %mul3A_22 : i32 to index
      %swap3A_23 = tpu.vector_load %arg7[%swap3A] {strides = array<i32>} : memref<640xf32, #tpu.memory_space<vmem>>, vector<16xf32>,
      %swap3A_24 = vector.shape_cast %swap3A_23 : vector<16xf32> to vector<16xf32>
      %swap3A_25 = vector.shape_cast %broadcast_in_dim3A_20 : vector<16xf32> to vector<16xf32>
      tpu.vector_store %arg7[%swap3A], %swap3A_25 {strides = array<i32>} : memref<640xf32, #tpu.memory_space<vmem>>, vector<16xf32>,
    }
    %scan3A_5 = arith.constant 40 : i32
    %mul3A_6 = arith.constant 640 : i32
    %mul3A_7 = arith.muli %arg1, %mul3A_6 : i32
    "tpu.region"() ({
      %run_scoped3A = tpu.sem_alloc : memref<!tpu.dma_semaphore, #tpu.memory_space<semaphore_mem>>
      %dma_start3A = tpu.memref_slice %arg8[%mul3A_7] : memref<10240xf32, #tpu.memory_space<vmem_shared>> -> memref<640xf32, #tpu.memory_space<vmem_shared>>
      %dma_start3A_19 = tpu.memref_slice %arg8[%mul3A_7] : memref<10240xf32, #tpu.memory_space<vmem_shared>> -> memref<640xf32, #tpu.memory_space<vmem_shared>>
      tpu.enqueue_dma source(%arg7 : memref<640xf32, #tpu.memory_space<vmem>>) target(%dma_start3A_19 : memref<640xf32, #tpu.memory_space<vmem_shared>>) target_semaphore(%run_scoped3A : memref<!tpu.dma_semaphore, #tpu.memory_space<semaphore_mem>>)
      %dma_wait3A = tpu.memref_slice %arg8[%mul3A_7] : memref<10240xf32, #tpu.memory_space<vmem_shared>> -> memref<640xf32, #tpu.memory_space<vmem_shared>>
      %dma_wait3A_20 = tpu.memref_slice %arg8[%mul3A_7] : memref<10240xf32, #tpu.memory_space<vmem_shared>> -> memref<640xf32, #tpu.memory_space<vmem_shared>>
      tpu.wait_dma2 semaphore(%run_scoped3A : memref<!tpu.dma_semaphore, #tpu.memory_space<semaphore_mem>>) src(%arg7 : memref<640xf32, #tpu.memory_space<vmem>>) dst(%dma_wait3A_20 : memref<640xf32, #tpu.memory_space<vmem_shared>>)
      tpu.yield
    }) : () -> ()
    %barrier3A = arith.constant 0 : index
    tpu.barrier barrier_id(%barrier3A)
    %scan3A_8 = arith.constant 0 : i32
    %scan3A_9 = arith.constant 0 : i32
    %scan3A_10 = arith.constant 79 : i32
    %scan3A_11 = arith.addi %scan3A_9, %scan3A_10 : i32
    %scan3A_12 = arith.constant 1 : i32
    scf.for %scan3A_19 = %scan3A_9 to %scan3A_11 step %scan3A_12  : i32 {
      %mul3A_20 = arith.constant 79 : i32
      %mul3A_21 = arith.muli %add3A, %mul3A_20 : i32
      %add3A_22 = arith.addi %mul3A_21, %scan3A_19 : i32
      %mul3A_23 = arith.constant 128 : i32
      %mul3A_24 = arith.muli %add3A_22, %mul3A_23 : i32
      "tpu.region"() ({
        %run_scoped3A = tpu.sem_alloc : memref<!tpu.dma_semaphore, #tpu.memory_space<semaphore_mem>>
        %dma_start3A = tpu.memref_slice %arg2[%mul3A_24] : memref<323584xi32, #tpu.memory_space<hbm>> -> memref<128xi32, #tpu.memory_space<hbm>>
        %dma_start3A_25 = tpu.memref_slice %arg2[%mul3A_24] : memref<323584xi32, #tpu.memory_space<hbm>> -> memref<128xi32, #tpu.memory_space<hbm>>
        tpu.enqueue_dma source(%dma_start3A_25 : memref<128xi32, #tpu.memory_space<hbm>>) target(%arg5 : memref<128xi32, #tpu.memory_space<vmem>>) target_semaphore(%run_scoped3A : memref<!tpu.dma_semaphore, #tpu.memory_space<semaphore_mem>>)
        %dma_wait3A = tpu.memref_slice %arg2[%mul3A_24] : memref<323584xi32, #tpu.memory_space<hbm>> -> memref<128xi32, #tpu.memory_space<hbm>>
        %dma_wait3A_26 = tpu.memref_slice %arg2[%mul3A_24] : memref<323584xi32, #tpu.memory_space<hbm>> -> memref<128xi32, #tpu.memory_space<hbm>>
        tpu.wait_dma2 semaphore(%run_scoped3A : memref<!tpu.dma_semaphore, #tpu.memory_space<semaphore_mem>>) src(%dma_wait3A_26 : memref<128xi32, #tpu.memory_space<hbm>>) dst(%arg5 : memref<128xi32, #tpu.memory_space<vmem>>)
        tpu.yield
      }) : () -> ()
      "tpu.region"() ({
        %run_scoped3A = tpu.sem_alloc : memref<!tpu.dma_semaphore, #tpu.memory_space<semaphore_mem>>
        %dma_start3A = tpu.memref_slice %arg3[%mul3A_24] : memref<323584xf32, #tpu.memory_space<hbm>> -> memref<128xf32, #tpu.memory_space<hbm>>
        %dma_start3A_25 = tpu.memref_slice %arg3[%mul3A_24] : memref<323584xf32, #tpu.memory_space<hbm>> -> memref<128xf32, #tpu.memory_space<hbm>>
        tpu.enqueue_dma source(%dma_start3A_25 : memref<128xf32, #tpu.memory_space<hbm>>) target(%arg6 : memref<128xf32, #tpu.memory_space<vmem>>) target_semaphore(%run_scoped3A : memref<!tpu.dma_semaphore, #tpu.memory_space<semaphore_mem>>)
        %dma_wait3A = tpu.memref_slice %arg3[%mul3A_24] : memref<323584xf32, #tpu.memory_space<hbm>> -> memref<128xf32, #tpu.memory_space<hbm>>
        %dma_wait3A_26 = tpu.memref_slice %arg3[%mul3A_24] : memref<323584xf32, #tpu.memory_space<hbm>> -> memref<128xf32, #tpu.memory_space<hbm>>
        tpu.wait_dma2 semaphore(%run_scoped3A : memref<!tpu.dma_semaphore, #tpu.memory_space<semaphore_mem>>) src(%dma_wait3A_26 : memref<128xf32, #tpu.memory_space<hbm>>) dst(%arg6 : memref<128xf32, #tpu.memory_space<vmem>>)
        tpu.yield
      }) : () -> ()
      "tpu.region"() ({
        %run_scoped3A = tpu.sem_alloc : memref<!tpu.dma_semaphore, #tpu.memory_space<semaphore_mem>>
        %dma_start3A = arith.constant 0 : i32
        %dma_start3A_25 = tpu.memref_slice %arg8[%dma_start3A] : memref<10240xf32, #tpu.memory_space<vmem_shared>> -> memref<10240xf32, #tpu.memory_space<vmem_shared>>
        tpu.enqueue_indirect_dma source(%arg6 : memref<128xf32, #tpu.memory_space<vmem>>) target(%dma_start3A_25 : memref<10240xf32, #tpu.memory_space<vmem_shared>>) offsets(%arg5 : memref<128xi32, #tpu.memory_space<vmem>>) semaphore(%run_scoped3A : memref<!tpu.dma_semaphore, #tpu.memory_space<semaphore_mem>>) {add = true}
        %dma_wait3A = arith.constant 0 : i32
        %dma_wait3A_26 = tpu.memref_slice %arg8[%dma_wait3A] : memref<10240xf32, #tpu.memory_space<vmem_shared>> -> memref<10240xf32, #tpu.memory_space<vmem_shared>>
        tpu.wait_indirect_dma semaphore(%run_scoped3A : memref<!tpu.dma_semaphore, #tpu.memory_space<semaphore_mem>>) src(%arg6 : memref<128xf32, #tpu.memory_space<vmem>>) dst(%dma_wait3A_26 : memref<10240xf32, #tpu.memory_space<vmem_shared>>)
        tpu.yield
      }) : () -> ()
    }
    %scan3A_13 = arith.constant 79 : i32
    %barrier3A_14 = arith.constant 0 : index
    tpu.barrier barrier_id(%barrier3A_14)
    %mul3A_15 = arith.constant 640 : i32
    %mul3A_16 = arith.muli %arg1, %mul3A_15 : i32
    %mul3A_17 = arith.constant 640 : i32
    %mul3A_18 = arith.muli %arg1, %mul3A_17 : i32
    "tpu.region"() ({
      %run_scoped3A = tpu.sem_alloc : memref<!tpu.dma_semaphore, #tpu.memory_space<semaphore_mem>>
      %dma_start3A = tpu.memref_slice %arg4[%arg0, %mul3A_18] : memref<2x10240xf32, #tpu.memory_space<hbm>> -> memref<1x640xf32, #tpu.memory_space<hbm>>
      %dma_start3A_19 = tpu.memref_squeeze %dma_start3A : memref<1x640xf32, #tpu.memory_space<hbm>> -> memref<640xf32, #tpu.memory_space<hbm>>
      %dma_start3A_20 = tpu.memref_slice %arg8[%mul3A_16] : memref<10240xf32, #tpu.memory_space<vmem_shared>> -> memref<640xf32, #tpu.memory_space<vmem_shared>>
      tpu.enqueue_dma source(%dma_start3A_20 : memref<640xf32, #tpu.memory_space<vmem_shared>>) target(%dma_start3A_19 : memref<640xf32, #tpu.memory_space<hbm>>) target_semaphore(%run_scoped3A : memref<!tpu.dma_semaphore, #tpu.memory_space<semaphore_mem>>)
      %dma_wait3A = tpu.memref_slice %arg4[%arg0, %mul3A_18] : memref<2x10240xf32, #tpu.memory_space<hbm>> -> memref<1x640xf32, #tpu.memory_space<hbm>>
      %dma_wait3A_21 = tpu.memref_squeeze %dma_wait3A : memref<1x640xf32, #tpu.memory_space<hbm>> -> memref<640xf32, #tpu.memory_space<hbm>>
      %dma_wait3A_22 = tpu.memref_slice %arg8[%mul3A_16] : memref<10240xf32, #tpu.memory_space<vmem_shared>> -> memref<640xf32, #tpu.memory_space<vmem_shared>>
      tpu.wait_dma2 semaphore(%run_scoped3A : memref<!tpu.dma_semaphore, #tpu.memory_space<semaphore_mem>>) src(%dma_wait3A_22 : memref<640xf32, #tpu.memory_space<vmem_shared>>) dst(%dma_wait3A_21 : memref<640xf32, #tpu.memory_space<hbm>>)
      tpu.yield
    }) : () -> ()
    return
  }
}

#map = affine_map<(d0, d1) -> (0)>
#map1 = affine_map<(d0, d1) -> (0, 0)>
#map2 = affine_map<(d0, d1) -> (0, 0, 0)>
module attributes {stable_mosaic.version = 14 : i64} {
  func.func @msg_kernel(%arg0: i32, %arg1: i32, %arg2: memref<323584xi32, #tpu.memory_space<hbm>>, %arg3: memref<323584xi32, #tpu.memory_space<hbm>>, %arg4: memref<323584xf32, #tpu.memory_space<hbm>>, %arg5: memref<10240x128xf32, #tpu.memory_space<hbm>>, %arg6: memref<2x10240x128xf32, #tpu.memory_space<hbm>>, %arg7: memref<128xi32, #tpu.memory_space<vmem>>, %arg8: memref<128xi32, #tpu.memory_space<vmem>>, %arg9: memref<128xf32, #tpu.memory_space<vmem>>, %arg10: memref<128x128xf32, #tpu.memory_space<vmem>>, %arg11: memref<!tpu.dma_semaphore, #tpu.memory_space<semaphore_mem>>, %arg12: memref<10240x128xf32, #tpu.memory_space<vmem_shared>>) attributes {dimension_semantics = [#tpu.dimension_semantics<core_parallel>, #tpu.dimension_semantics<subcore_parallel>], iteration_bounds = array<i64: 2, 16>, scalar_prefetch = 0 : i64, scratch_operands = 6 : i64, tpu.core_type = #tpu.core_type<sc_vector_subcore>, window_params = [{transform_indices = #map}, {transform_indices = #map}, {transform_indices = #map}, {transform_indices = #map1}, {transform_indices = #map2}]} {
    %mul3A = arith.constant 16 : i32
    %mul3A_0 = arith.muli %arg0, %mul3A : i32
    %add3A = arith.addi %mul3A_0, %arg1 : i32
    %scan3A = arith.constant 0 : i32
    %scan3A_1 = arith.constant 0 : i32
    %scan3A_2 = arith.constant 128 : i32
    %scan3A_3 = arith.addi %scan3A_1, %scan3A_2 : i32
    %scan3A_4 = arith.constant 1 : i32
    scf.for %scan3A_23 = %scan3A_1 to %scan3A_3 step %scan3A_4  : i32 {
      %broadcast_in_dim3A = arith.constant 0.000000e+00 : f32
      %broadcast_in_dim3A_24 = vector.broadcast %broadcast_in_dim3A : f32 to vector<16xf32>
      %swap3A = arith.index_cast %scan3A_23 : i32 to index
      %swap3A_25 = arith.constant 0 : index
      %swap3A_26 = tpu.vector_load %arg10[%swap3A, %swap3A_25] {strides = array<i32>} : memref<128x128xf32, #tpu.memory_space<vmem>>, vector<1x16xf32>,
      %swap3A_27 = vector.shape_cast %swap3A_26 : vector<1x16xf32> to vector<16xf32>
      %swap3A_28 = vector.shape_cast %broadcast_in_dim3A_24 : vector<16xf32> to vector<1x16xf32>
      tpu.vector_store %arg10[%swap3A, %swap3A_25], %swap3A_28 {strides = array<i32>} : memref<128x128xf32, #tpu.memory_space<vmem>>, vector<1x16xf32>,
      %broadcast_in_dim3A_29 = arith.constant 0.000000e+00 : f32
      %broadcast_in_dim3A_30 = vector.broadcast %broadcast_in_dim3A_29 : f32 to vector<16xf32>
      %swap3A_31 = arith.index_cast %scan3A_23 : i32 to index
      %swap3A_32 = arith.constant 16 : index
      %swap3A_33 = tpu.vector_load %arg10[%swap3A_31, %swap3A_32] {strides = array<i32>} : memref<128x128xf32, #tpu.memory_space<vmem>>, vector<1x16xf32>,
      %swap3A_34 = vector.shape_cast %swap3A_33 : vector<1x16xf32> to vector<16xf32>
      %swap3A_35 = vector.shape_cast %broadcast_in_dim3A_30 : vector<16xf32> to vector<1x16xf32>
      tpu.vector_store %arg10[%swap3A_31, %swap3A_32], %swap3A_35 {strides = array<i32>} : memref<128x128xf32, #tpu.memory_space<vmem>>, vector<1x16xf32>,
      %broadcast_in_dim3A_36 = arith.constant 0.000000e+00 : f32
      %broadcast_in_dim3A_37 = vector.broadcast %broadcast_in_dim3A_36 : f32 to vector<16xf32>
      %swap3A_38 = arith.index_cast %scan3A_23 : i32 to index
      %swap3A_39 = arith.constant 32 : index
      %swap3A_40 = tpu.vector_load %arg10[%swap3A_38, %swap3A_39] {strides = array<i32>} : memref<128x128xf32, #tpu.memory_space<vmem>>, vector<1x16xf32>,
      %swap3A_41 = vector.shape_cast %swap3A_40 : vector<1x16xf32> to vector<16xf32>
      %swap3A_42 = vector.shape_cast %broadcast_in_dim3A_37 : vector<16xf32> to vector<1x16xf32>
      tpu.vector_store %arg10[%swap3A_38, %swap3A_39], %swap3A_42 {strides = array<i32>} : memref<128x128xf32, #tpu.memory_space<vmem>>, vector<1x16xf32>,
      %broadcast_in_dim3A_43 = arith.constant 0.000000e+00 : f32
      %broadcast_in_dim3A_44 = vector.broadcast %broadcast_in_dim3A_43 : f32 to vector<16xf32>
      %swap3A_45 = arith.index_cast %scan3A_23 : i32 to index
      %swap3A_46 = arith.constant 48 : index
      %swap3A_47 = tpu.vector_load %arg10[%swap3A_45, %swap3A_46] {strides = array<i32>} : memref<128x128xf32, #tpu.memory_space<vmem>>, vector<1x16xf32>,
      %swap3A_48 = vector.shape_cast %swap3A_47 : vector<1x16xf32> to vector<16xf32>
      %swap3A_49 = vector.shape_cast %broadcast_in_dim3A_44 : vector<16xf32> to vector<1x16xf32>
      tpu.vector_store %arg10[%swap3A_45, %swap3A_46], %swap3A_49 {strides = array<i32>} : memref<128x128xf32, #tpu.memory_space<vmem>>, vector<1x16xf32>,
      %broadcast_in_dim3A_50 = arith.constant 0.000000e+00 : f32
      %broadcast_in_dim3A_51 = vector.broadcast %broadcast_in_dim3A_50 : f32 to vector<16xf32>
      %swap3A_52 = arith.index_cast %scan3A_23 : i32 to index
      %swap3A_53 = arith.constant 64 : index
      %swap3A_54 = tpu.vector_load %arg10[%swap3A_52, %swap3A_53] {strides = array<i32>} : memref<128x128xf32, #tpu.memory_space<vmem>>, vector<1x16xf32>,
      %swap3A_55 = vector.shape_cast %swap3A_54 : vector<1x16xf32> to vector<16xf32>
      %swap3A_56 = vector.shape_cast %broadcast_in_dim3A_51 : vector<16xf32> to vector<1x16xf32>
      tpu.vector_store %arg10[%swap3A_52, %swap3A_53], %swap3A_56 {strides = array<i32>} : memref<128x128xf32, #tpu.memory_space<vmem>>, vector<1x16xf32>,
      %broadcast_in_dim3A_57 = arith.constant 0.000000e+00 : f32
      %broadcast_in_dim3A_58 = vector.broadcast %broadcast_in_dim3A_57 : f32 to vector<16xf32>
      %swap3A_59 = arith.index_cast %scan3A_23 : i32 to index
      %swap3A_60 = arith.constant 80 : index
      %swap3A_61 = tpu.vector_load %arg10[%swap3A_59, %swap3A_60] {strides = array<i32>} : memref<128x128xf32, #tpu.memory_space<vmem>>, vector<1x16xf32>,
      %swap3A_62 = vector.shape_cast %swap3A_61 : vector<1x16xf32> to vector<16xf32>
      %swap3A_63 = vector.shape_cast %broadcast_in_dim3A_58 : vector<16xf32> to vector<1x16xf32>
      tpu.vector_store %arg10[%swap3A_59, %swap3A_60], %swap3A_63 {strides = array<i32>} : memref<128x128xf32, #tpu.memory_space<vmem>>, vector<1x16xf32>,
      %broadcast_in_dim3A_64 = arith.constant 0.000000e+00 : f32
      %broadcast_in_dim3A_65 = vector.broadcast %broadcast_in_dim3A_64 : f32 to vector<16xf32>
      %swap3A_66 = arith.index_cast %scan3A_23 : i32 to index
      %swap3A_67 = arith.constant 96 : index
      %swap3A_68 = tpu.vector_load %arg10[%swap3A_66, %swap3A_67] {strides = array<i32>} : memref<128x128xf32, #tpu.memory_space<vmem>>, vector<1x16xf32>,
      %swap3A_69 = vector.shape_cast %swap3A_68 : vector<1x16xf32> to vector<16xf32>
      %swap3A_70 = vector.shape_cast %broadcast_in_dim3A_65 : vector<16xf32> to vector<1x16xf32>
      tpu.vector_store %arg10[%swap3A_66, %swap3A_67], %swap3A_70 {strides = array<i32>} : memref<128x128xf32, #tpu.memory_space<vmem>>, vector<1x16xf32>,
      %broadcast_in_dim3A_71 = arith.constant 0.000000e+00 : f32
      %broadcast_in_dim3A_72 = vector.broadcast %broadcast_in_dim3A_71 : f32 to vector<16xf32>
      %swap3A_73 = arith.index_cast %scan3A_23 : i32 to index
      %swap3A_74 = arith.constant 112 : index
      %swap3A_75 = tpu.vector_load %arg10[%swap3A_73, %swap3A_74] {strides = array<i32>} : memref<128x128xf32, #tpu.memory_space<vmem>>, vector<1x16xf32>,
      %swap3A_76 = vector.shape_cast %swap3A_75 : vector<1x16xf32> to vector<16xf32>
      %swap3A_77 = vector.shape_cast %broadcast_in_dim3A_72 : vector<16xf32> to vector<1x16xf32>
      tpu.vector_store %arg10[%swap3A_73, %swap3A_74], %swap3A_77 {strides = array<i32>} : memref<128x128xf32, #tpu.memory_space<vmem>>, vector<1x16xf32>,
    }
    %scan3A_5 = arith.constant 128 : i32
    %scan3A_6 = arith.constant 0 : i32
    %scan3A_7 = arith.constant 0 : i32
    %scan3A_8 = arith.constant 5 : i32
    %scan3A_9 = arith.addi %scan3A_7, %scan3A_8 : i32
    %scan3A_10 = arith.constant 1 : i32
    scf.for %scan3A_23 = %scan3A_7 to %scan3A_9 step %scan3A_10  : i32 {
      %mul3A_24 = arith.constant 640 : i32
      %mul3A_25 = arith.muli %arg1, %mul3A_24 : i32
      %mul3A_26 = arith.constant 128 : i32
      %mul3A_27 = arith.muli %scan3A_23, %mul3A_26 : i32
      %add3A_28 = arith.addi %mul3A_25, %mul3A_27 : i32
      "tpu.region"() ({
        %run_scoped3A = tpu.sem_alloc : memref<!tpu.dma_semaphore, #tpu.memory_space<semaphore_mem>>
        %dma_start3A = arith.constant 0 : i32
        %dma_start3A_29 = tpu.memref_slice %arg12[%add3A_28, %dma_start3A] : memref<10240x128xf32, #tpu.memory_space<vmem_shared>> -> memref<128x128xf32, #tpu.memory_space<vmem_shared>>
        %dma_start3A_30 = arith.constant 0 : i32
        %dma_start3A_31 = tpu.memref_slice %arg12[%add3A_28, %dma_start3A_30] : memref<10240x128xf32, #tpu.memory_space<vmem_shared>> -> memref<128x128xf32, #tpu.memory_space<vmem_shared>>
        tpu.enqueue_dma source(%arg10 : memref<128x128xf32, #tpu.memory_space<vmem>>) target(%dma_start3A_31 : memref<128x128xf32, #tpu.memory_space<vmem_shared>>) target_semaphore(%run_scoped3A : memref<!tpu.dma_semaphore, #tpu.memory_space<semaphore_mem>>)
        %dma_wait3A = arith.constant 0 : i32
        %dma_wait3A_32 = tpu.memref_slice %arg12[%add3A_28, %dma_wait3A] : memref<10240x128xf32, #tpu.memory_space<vmem_shared>> -> memref<128x128xf32, #tpu.memory_space<vmem_shared>>
        %dma_wait3A_33 = arith.constant 0 : i32
        %dma_wait3A_34 = tpu.memref_slice %arg12[%add3A_28, %dma_wait3A_33] : memref<10240x128xf32, #tpu.memory_space<vmem_shared>> -> memref<128x128xf32, #tpu.memory_space<vmem_shared>>
        tpu.wait_dma2 semaphore(%run_scoped3A : memref<!tpu.dma_semaphore, #tpu.memory_space<semaphore_mem>>) src(%arg10 : memref<128x128xf32, #tpu.memory_space<vmem>>) dst(%dma_wait3A_34 : memref<128x128xf32, #tpu.memory_space<vmem_shared>>)
        tpu.yield
      }) : () -> ()
    }
    %scan3A_11 = arith.constant 5 : i32
    %barrier3A = arith.constant 0 : index
    tpu.barrier barrier_id(%barrier3A)
    %scan3A_12 = arith.constant 0 : i32
    %scan3A_13 = arith.constant 0 : i32
    %scan3A_14 = arith.constant 79 : i32
    %scan3A_15 = arith.addi %scan3A_13, %scan3A_14 : i32
    %scan3A_16 = arith.constant 1 : i32
    scf.for %scan3A_23 = %scan3A_13 to %scan3A_15 step %scan3A_16  : i32 {
      %mul3A_24 = arith.constant 79 : i32
      %mul3A_25 = arith.muli %add3A, %mul3A_24 : i32
      %add3A_26 = arith.addi %mul3A_25, %scan3A_23 : i32
      %mul3A_27 = arith.constant 128 : i32
      %mul3A_28 = arith.muli %add3A_26, %mul3A_27 : i32
      "tpu.region"() ({
        %run_scoped3A = tpu.sem_alloc : memref<!tpu.dma_semaphore, #tpu.memory_space<semaphore_mem>>
        %dma_start3A_39 = tpu.memref_slice %arg2[%mul3A_28] : memref<323584xi32, #tpu.memory_space<hbm>> -> memref<128xi32, #tpu.memory_space<hbm>>
        %dma_start3A_40 = tpu.memref_slice %arg2[%mul3A_28] : memref<323584xi32, #tpu.memory_space<hbm>> -> memref<128xi32, #tpu.memory_space<hbm>>
        tpu.enqueue_dma source(%dma_start3A_40 : memref<128xi32, #tpu.memory_space<hbm>>) target(%arg7 : memref<128xi32, #tpu.memory_space<vmem>>) target_semaphore(%run_scoped3A : memref<!tpu.dma_semaphore, #tpu.memory_space<semaphore_mem>>)
        %dma_wait3A_41 = tpu.memref_slice %arg2[%mul3A_28] : memref<323584xi32, #tpu.memory_space<hbm>> -> memref<128xi32, #tpu.memory_space<hbm>>
        %dma_wait3A_42 = tpu.memref_slice %arg2[%mul3A_28] : memref<323584xi32, #tpu.memory_space<hbm>> -> memref<128xi32, #tpu.memory_space<hbm>>
        tpu.wait_dma2 semaphore(%run_scoped3A : memref<!tpu.dma_semaphore, #tpu.memory_space<semaphore_mem>>) src(%dma_wait3A_42 : memref<128xi32, #tpu.memory_space<hbm>>) dst(%arg7 : memref<128xi32, #tpu.memory_space<vmem>>)
        tpu.yield
      }) : () -> ()
      "tpu.region"() ({
        %run_scoped3A = tpu.sem_alloc : memref<!tpu.dma_semaphore, #tpu.memory_space<semaphore_mem>>
        %dma_start3A_39 = tpu.memref_slice %arg3[%mul3A_28] : memref<323584xi32, #tpu.memory_space<hbm>> -> memref<128xi32, #tpu.memory_space<hbm>>
        %dma_start3A_40 = tpu.memref_slice %arg3[%mul3A_28] : memref<323584xi32, #tpu.memory_space<hbm>> -> memref<128xi32, #tpu.memory_space<hbm>>
        tpu.enqueue_dma source(%dma_start3A_40 : memref<128xi32, #tpu.memory_space<hbm>>) target(%arg8 : memref<128xi32, #tpu.memory_space<vmem>>) target_semaphore(%run_scoped3A : memref<!tpu.dma_semaphore, #tpu.memory_space<semaphore_mem>>)
        %dma_wait3A_41 = tpu.memref_slice %arg3[%mul3A_28] : memref<323584xi32, #tpu.memory_space<hbm>> -> memref<128xi32, #tpu.memory_space<hbm>>
        %dma_wait3A_42 = tpu.memref_slice %arg3[%mul3A_28] : memref<323584xi32, #tpu.memory_space<hbm>> -> memref<128xi32, #tpu.memory_space<hbm>>
        tpu.wait_dma2 semaphore(%run_scoped3A : memref<!tpu.dma_semaphore, #tpu.memory_space<semaphore_mem>>) src(%dma_wait3A_42 : memref<128xi32, #tpu.memory_space<hbm>>) dst(%arg8 : memref<128xi32, #tpu.memory_space<vmem>>)
        tpu.yield
      }) : () -> ()
      "tpu.region"() ({
        %run_scoped3A = tpu.sem_alloc : memref<!tpu.dma_semaphore, #tpu.memory_space<semaphore_mem>>
        %dma_start3A_39 = tpu.memref_slice %arg4[%mul3A_28] : memref<323584xf32, #tpu.memory_space<hbm>> -> memref<128xf32, #tpu.memory_space<hbm>>
        %dma_start3A_40 = tpu.memref_slice %arg4[%mul3A_28] : memref<323584xf32, #tpu.memory_space<hbm>> -> memref<128xf32, #tpu.memory_space<hbm>>
        tpu.enqueue_dma source(%dma_start3A_40 : memref<128xf32, #tpu.memory_space<hbm>>) target(%arg9 : memref<128xf32, #tpu.memory_space<vmem>>) target_semaphore(%run_scoped3A : memref<!tpu.dma_semaphore, #tpu.memory_space<semaphore_mem>>)
        %dma_wait3A_41 = tpu.memref_slice %arg4[%mul3A_28] : memref<323584xf32, #tpu.memory_space<hbm>> -> memref<128xf32, #tpu.memory_space<hbm>>
        %dma_wait3A_42 = tpu.memref_slice %arg4[%mul3A_28] : memref<323584xf32, #tpu.memory_space<hbm>> -> memref<128xf32, #tpu.memory_space<hbm>>
        tpu.wait_dma2 semaphore(%run_scoped3A : memref<!tpu.dma_semaphore, #tpu.memory_space<semaphore_mem>>) src(%dma_wait3A_42 : memref<128xf32, #tpu.memory_space<hbm>>) dst(%arg9 : memref<128xf32, #tpu.memory_space<vmem>>)
        tpu.yield
      }) : () -> ()
      %dma_start3A = arith.constant 0 : i32
      %dma_start3A_29 = arith.constant 0 : i32
      %dma_start3A_30 = tpu.memref_slice %arg5[%dma_start3A, %dma_start3A_29] : memref<10240x128xf32, #tpu.memory_space<hbm>> -> memref<10240x128xf32, #tpu.memory_space<hbm>>
      tpu.enqueue_indirect_dma source(%dma_start3A_30 : memref<10240x128xf32, #tpu.memory_space<hbm>>) target(%arg10 : memref<128x128xf32, #tpu.memory_space<vmem>>) offsets(%arg7 : memref<128xi32, #tpu.memory_space<vmem>>) semaphore(%arg11 : memref<!tpu.dma_semaphore, #tpu.memory_space<semaphore_mem>>)
      %dma_wait3A = arith.constant 0 : i32
      %dma_wait3A_31 = arith.constant 0 : i32
      %dma_wait3A_32 = tpu.memref_slice %arg5[%dma_wait3A, %dma_wait3A_31] : memref<10240x128xf32, #tpu.memory_space<hbm>> -> memref<10240x128xf32, #tpu.memory_space<hbm>>
      tpu.wait_indirect_dma semaphore(%arg11 : memref<!tpu.dma_semaphore, #tpu.memory_space<semaphore_mem>>) src(%dma_wait3A_32 : memref<10240x128xf32, #tpu.memory_space<hbm>>) dst(%arg10 : memref<128x128xf32, #tpu.memory_space<vmem>>)
      %scan3A_33 = arith.constant 0 : i32
      %scan3A_34 = arith.constant 0 : i32
      %scan3A_35 = arith.constant 8 : i32
      %scan3A_36 = arith.addi %scan3A_34, %scan3A_35 : i32
      %scan3A_37 = arith.constant 1 : i32
      scf.for %scan3A_39 = %scan3A_34 to %scan3A_36 step %scan3A_37  : i32 {
        %mul3A_40 = arith.constant 16 : i32
        %mul3A_41 = arith.muli %scan3A_39, %mul3A_40 : i32
        %get3A = arith.index_cast %mul3A_41 : i32 to index
        %get3A_42 = tpu.vector_load %arg9[%get3A] {strides = array<i32>} : memref<128xf32, #tpu.memory_space<vmem>>, vector<16xf32>,
        %get3A_43 = vector.shape_cast %get3A_42 : vector<16xf32> to vector<16xf32>
        %broadcast_in_dim3A = arith.constant 0 : i32
        %broadcast_in_dim3A_44 = vector.broadcast %broadcast_in_dim3A : i32 to vector<16x1xi32>
        %gather3A = vector.shape_cast %broadcast_in_dim3A_44 : vector<16x1xi32> to vector<16xi32>
        %gather3A_45 = tpu.dynamic_gather %get3A_43[%gather3A] in [0] : vector<16xf32>, vector<16xi32> -> vector<16xf32>
        %mul3A_46 = arith.constant 16 : i32
        %mul3A_47 = arith.muli %scan3A_39, %mul3A_46 : i32
        %add3A_48 = arith.constant 0 : i32
        %add3A_49 = arith.addi %mul3A_47, %add3A_48 : i32
        %get3A_50 = arith.index_cast %add3A_49 : i32 to index
        %get3A_51 = arith.constant 0 : index
        %get3A_52 = tpu.vector_load %arg10[%get3A_50, %get3A_51] {strides = array<i32>} : memref<128x128xf32, #tpu.memory_space<vmem>>, vector<1x16xf32>,
        %get3A_53 = vector.shape_cast %get3A_52 : vector<1x16xf32> to vector<16xf32>
        %mul3A_54 = arith.mulf %get3A_53, %gather3A_45 : vector<16xf32>
        %swap3A = arith.index_cast %add3A_49 : i32 to index
        %swap3A_55 = arith.constant 0 : index
        %swap3A_56 = tpu.vector_load %arg10[%swap3A, %swap3A_55] {strides = array<i32>} : memref<128x128xf32, #tpu.memory_space<vmem>>, vector<1x16xf32>,
        %swap3A_57 = vector.shape_cast %swap3A_56 : vector<1x16xf32> to vector<16xf32>
        %swap3A_58 = vector.shape_cast %mul3A_54 : vector<16xf32> to vector<1x16xf32>
        tpu.vector_store %arg10[%swap3A, %swap3A_55], %swap3A_58 {strides = array<i32>} : memref<128x128xf32, #tpu.memory_space<vmem>>, vector<1x16xf32>,
        %get3A_59 = arith.index_cast %add3A_49 : i32 to index
        %get3A_60 = arith.constant 16 : index
        %get3A_61 = tpu.vector_load %arg10[%get3A_59, %get3A_60] {strides = array<i32>} : memref<128x128xf32, #tpu.memory_space<vmem>>, vector<1x16xf32>,
        %get3A_62 = vector.shape_cast %get3A_61 : vector<1x16xf32> to vector<16xf32>
        %mul3A_63 = arith.mulf %get3A_62, %gather3A_45 : vector<16xf32>
        %swap3A_64 = arith.index_cast %add3A_49 : i32 to index
        %swap3A_65 = arith.constant 16 : index
        %swap3A_66 = tpu.vector_load %arg10[%swap3A_64, %swap3A_65] {strides = array<i32>} : memref<128x128xf32, #tpu.memory_space<vmem>>, vector<1x16xf32>,
        %swap3A_67 = vector.shape_cast %swap3A_66 : vector<1x16xf32> to vector<16xf32>
        %swap3A_68 = vector.shape_cast %mul3A_63 : vector<16xf32> to vector<1x16xf32>
        tpu.vector_store %arg10[%swap3A_64, %swap3A_65], %swap3A_68 {strides = array<i32>} : memref<128x128xf32, #tpu.memory_space<vmem>>, vector<1x16xf32>,
        %get3A_69 = arith.index_cast %add3A_49 : i32 to index
        %get3A_70 = arith.constant 32 : index
        %get3A_71 = tpu.vector_load %arg10[%get3A_69, %get3A_70] {strides = array<i32>} : memref<128x128xf32, #tpu.memory_space<vmem>>, vector<1x16xf32>,
        %get3A_72 = vector.shape_cast %get3A_71 : vector<1x16xf32> to vector<16xf32>
        %mul3A_73 = arith.mulf %get3A_72, %gather3A_45 : vector<16xf32>
        %swap3A_74 = arith.index_cast %add3A_49 : i32 to index
        %swap3A_75 = arith.constant 32 : index
        %swap3A_76 = tpu.vector_load %arg10[%swap3A_74, %swap3A_75] {strides = array<i32>} : memref<128x128xf32, #tpu.memory_space<vmem>>, vector<1x16xf32>,
        %swap3A_77 = vector.shape_cast %swap3A_76 : vector<1x16xf32> to vector<16xf32>
        %swap3A_78 = vector.shape_cast %mul3A_73 : vector<16xf32> to vector<1x16xf32>
        tpu.vector_store %arg10[%swap3A_74, %swap3A_75], %swap3A_78 {strides = array<i32>} : memref<128x128xf32, #tpu.memory_space<vmem>>, vector<1x16xf32>,
        %get3A_79 = arith.index_cast %add3A_49 : i32 to index
        %get3A_80 = arith.constant 48 : index
        %get3A_81 = tpu.vector_load %arg10[%get3A_79, %get3A_80] {strides = array<i32>} : memref<128x128xf32, #tpu.memory_space<vmem>>, vector<1x16xf32>,
        %get3A_82 = vector.shape_cast %get3A_81 : vector<1x16xf32> to vector<16xf32>
        %mul3A_83 = arith.mulf %get3A_82, %gather3A_45 : vector<16xf32>
        %swap3A_84 = arith.index_cast %add3A_49 : i32 to index
        %swap3A_85 = arith.constant 48 : index
        %swap3A_86 = tpu.vector_load %arg10[%swap3A_84, %swap3A_85] {strides = array<i32>} : memref<128x128xf32, #tpu.memory_space<vmem>>, vector<1x16xf32>,
        %swap3A_87 = vector.shape_cast %swap3A_86 : vector<1x16xf32> to vector<16xf32>
        %swap3A_88 = vector.shape_cast %mul3A_83 : vector<16xf32> to vector<1x16xf32>
        tpu.vector_store %arg10[%swap3A_84, %swap3A_85], %swap3A_88 {strides = array<i32>} : memref<128x128xf32, #tpu.memory_space<vmem>>, vector<1x16xf32>,
        %get3A_89 = arith.index_cast %add3A_49 : i32 to index
        %get3A_90 = arith.constant 64 : index
        %get3A_91 = tpu.vector_load %arg10[%get3A_89, %get3A_90] {strides = array<i32>} : memref<128x128xf32, #tpu.memory_space<vmem>>, vector<1x16xf32>,
        %get3A_92 = vector.shape_cast %get3A_91 : vector<1x16xf32> to vector<16xf32>
        %mul3A_93 = arith.mulf %get3A_92, %gather3A_45 : vector<16xf32>
        %swap3A_94 = arith.index_cast %add3A_49 : i32 to index
        %swap3A_95 = arith.constant 64 : index
        %swap3A_96 = tpu.vector_load %arg10[%swap3A_94, %swap3A_95] {strides = array<i32>} : memref<128x128xf32, #tpu.memory_space<vmem>>, vector<1x16xf32>,
        %swap3A_97 = vector.shape_cast %swap3A_96 : vector<1x16xf32> to vector<16xf32>
        %swap3A_98 = vector.shape_cast %mul3A_93 : vector<16xf32> to vector<1x16xf32>
        tpu.vector_store %arg10[%swap3A_94, %swap3A_95], %swap3A_98 {strides = array<i32>} : memref<128x128xf32, #tpu.memory_space<vmem>>, vector<1x16xf32>,
        %get3A_99 = arith.index_cast %add3A_49 : i32 to index
        %get3A_100 = arith.constant 80 : index
        %get3A_101 = tpu.vector_load %arg10[%get3A_99, %get3A_100] {strides = array<i32>} : memref<128x128xf32, #tpu.memory_space<vmem>>, vector<1x16xf32>,
        %get3A_102 = vector.shape_cast %get3A_101 : vector<1x16xf32> to vector<16xf32>
        %mul3A_103 = arith.mulf %get3A_102, %gather3A_45 : vector<16xf32>
        %swap3A_104 = arith.index_cast %add3A_49 : i32 to index
        %swap3A_105 = arith.constant 80 : index
        %swap3A_106 = tpu.vector_load %arg10[%swap3A_104, %swap3A_105] {strides = array<i32>} : memref<128x128xf32, #tpu.memory_space<vmem>>, vector<1x16xf32>,
        %swap3A_107 = vector.shape_cast %swap3A_106 : vector<1x16xf32> to vector<16xf32>
        %swap3A_108 = vector.shape_cast %mul3A_103 : vector<16xf32> to vector<1x16xf32>
        tpu.vector_store %arg10[%swap3A_104, %swap3A_105], %swap3A_108 {strides = array<i32>} : memref<128x128xf32, #tpu.memory_space<vmem>>, vector<1x16xf32>,
        %get3A_109 = arith.index_cast %add3A_49 : i32 to index
        %get3A_110 = arith.constant 96 : index
        %get3A_111 = tpu.vector_load %arg10[%get3A_109, %get3A_110] {strides = array<i32>} : memref<128x128xf32, #tpu.memory_space<vmem>>, vector<1x16xf32>,
        %get3A_112 = vector.shape_cast %get3A_111 : vector<1x16xf32> to vector<16xf32>
        %mul3A_113 = arith.mulf %get3A_112, %gather3A_45 : vector<16xf32>
        %swap3A_114 = arith.index_cast %add3A_49 : i32 to index
        %swap3A_115 = arith.constant 96 : index
        %swap3A_116 = tpu.vector_load %arg10[%swap3A_114, %swap3A_115] {strides = array<i32>} : memref<128x128xf32, #tpu.memory_space<vmem>>, vector<1x16xf32>,
        %swap3A_117 = vector.shape_cast %swap3A_116 : vector<1x16xf32> to vector<16xf32>
        %swap3A_118 = vector.shape_cast %mul3A_113 : vector<16xf32> to vector<1x16xf32>
        tpu.vector_store %arg10[%swap3A_114, %swap3A_115], %swap3A_118 {strides = array<i32>} : memref<128x128xf32, #tpu.memory_space<vmem>>, vector<1x16xf32>,
        %get3A_119 = arith.index_cast %add3A_49 : i32 to index
        %get3A_120 = arith.constant 112 : index
        %get3A_121 = tpu.vector_load %arg10[%get3A_119, %get3A_120] {strides = array<i32>} : memref<128x128xf32, #tpu.memory_space<vmem>>, vector<1x16xf32>,
        %get3A_122 = vector.shape_cast %get3A_121 : vector<1x16xf32> to vector<16xf32>
        %mul3A_123 = arith.mulf %get3A_122, %gather3A_45 : vector<16xf32>
        %swap3A_124 = arith.index_cast %add3A_49 : i32 to index
        %swap3A_125 = arith.constant 112 : index
        %swap3A_126 = tpu.vector_load %arg10[%swap3A_124, %swap3A_125] {strides = array<i32>} : memref<128x128xf32, #tpu.memory_space<vmem>>, vector<1x16xf32>,
        %swap3A_127 = vector.shape_cast %swap3A_126 : vector<1x16xf32> to vector<16xf32>
        %swap3A_128 = vector.shape_cast %mul3A_123 : vector<16xf32> to vector<1x16xf32>
        tpu.vector_store %arg10[%swap3A_124, %swap3A_125], %swap3A_128 {strides = array<i32>} : memref<128x128xf32, #tpu.memory_space<vmem>>, vector<1x16xf32>,
        %broadcast_in_dim3A_129 = arith.constant 1 : i32
        %broadcast_in_dim3A_130 = vector.broadcast %broadcast_in_dim3A_129 : i32 to vector<16x1xi32>
        %gather3A_131 = vector.shape_cast %broadcast_in_dim3A_130 : vector<16x1xi32> to vector<16xi32>
        %gather3A_132 = tpu.dynamic_gather %get3A_43[%gather3A_131] in [0] : vector<16xf32>, vector<16xi32> -> vector<16xf32>
        %mul3A_133 = arith.constant 16 : i32
        %mul3A_134 = arith.muli %scan3A_39, %mul3A_133 : i32
        %add3A_135 = arith.constant 1 : i32
        %add3A_136 = arith.addi %mul3A_134, %add3A_135 : i32
        %get3A_137 = arith.index_cast %add3A_136 : i32 to index
        %get3A_138 = arith.constant 0 : index
        %get3A_139 = tpu.vector_load %arg10[%get3A_137, %get3A_138] {strides = array<i32>} : memref<128x128xf32, #tpu.memory_space<vmem>>, vector<1x16xf32>,
        %get3A_140 = vector.shape_cast %get3A_139 : vector<1x16xf32> to vector<16xf32>
        %mul3A_141 = arith.mulf %get3A_140, %gather3A_132 : vector<16xf32>
        %swap3A_142 = arith.index_cast %add3A_136 : i32 to index
        %swap3A_143 = arith.constant 0 : index
        %swap3A_144 = tpu.vector_load %arg10[%swap3A_142, %swap3A_143] {strides = array<i32>} : memref<128x128xf32, #tpu.memory_space<vmem>>, vector<1x16xf32>,
        %swap3A_145 = vector.shape_cast %swap3A_144 : vector<1x16xf32> to vector<16xf32>
        %swap3A_146 = vector.shape_cast %mul3A_141 : vector<16xf32> to vector<1x16xf32>
        tpu.vector_store %arg10[%swap3A_142, %swap3A_143], %swap3A_146 {strides = array<i32>} : memref<128x128xf32, #tpu.memory_space<vmem>>, vector<1x16xf32>,
        %get3A_147 = arith.index_cast %add3A_136 : i32 to index
        %get3A_148 = arith.constant 16 : index
        %get3A_149 = tpu.vector_load %arg10[%get3A_147, %get3A_148] {strides = array<i32>} : memref<128x128xf32, #tpu.memory_space<vmem>>, vector<1x16xf32>,
        %get3A_150 = vector.shape_cast %get3A_149 : vector<1x16xf32> to vector<16xf32>
        %mul3A_151 = arith.mulf %get3A_150, %gather3A_132 : vector<16xf32>
        %swap3A_152 = arith.index_cast %add3A_136 : i32 to index
        %swap3A_153 = arith.constant 16 : index
        %swap3A_154 = tpu.vector_load %arg10[%swap3A_152, %swap3A_153] {strides = array<i32>} : memref<128x128xf32, #tpu.memory_space<vmem>>, vector<1x16xf32>,
        %swap3A_155 = vector.shape_cast %swap3A_154 : vector<1x16xf32> to vector<16xf32>
        %swap3A_156 = vector.shape_cast %mul3A_151 : vector<16xf32> to vector<1x16xf32>
        tpu.vector_store %arg10[%swap3A_152, %swap3A_153], %swap3A_156 {strides = array<i32>} : memref<128x128xf32, #tpu.memory_space<vmem>>, vector<1x16xf32>,
        %get3A_157 = arith.index_cast %add3A_136 : i32 to index
        %get3A_158 = arith.constant 32 : index
        %get3A_159 = tpu.vector_load %arg10[%get3A_157, %get3A_158] {strides = array<i32>} : memref<128x128xf32, #tpu.memory_space<vmem>>, vector<1x16xf32>,
        %get3A_160 = vector.shape_cast %get3A_159 : vector<1x16xf32> to vector<16xf32>
        %mul3A_161 = arith.mulf %get3A_160, %gather3A_132 : vector<16xf32>
        %swap3A_162 = arith.index_cast %add3A_136 : i32 to index
        %swap3A_163 = arith.constant 32 : index
        %swap3A_164 = tpu.vector_load %arg10[%swap3A_162, %swap3A_163] {strides = array<i32>} : memref<128x128xf32, #tpu.memory_space<vmem>>, vector<1x16xf32>,
        %swap3A_165 = vector.shape_cast %swap3A_164 : vector<1x16xf32> to vector<16xf32>
        %swap3A_166 = vector.shape_cast %mul3A_161 : vector<16xf32> to vector<1x16xf32>
        tpu.vector_store %arg10[%swap3A_162, %swap3A_163], %swap3A_166 {strides = array<i32>} : memref<128x128xf32, #tpu.memory_space<vmem>>, vector<1x16xf32>,
        %get3A_167 = arith.index_cast %add3A_136 : i32 to index
        %get3A_168 = arith.constant 48 : index
        %get3A_169 = tpu.vector_load %arg10[%get3A_167, %get3A_168] {strides = array<i32>} : memref<128x128xf32, #tpu.memory_space<vmem>>, vector<1x16xf32>,
        %get3A_170 = vector.shape_cast %get3A_169 : vector<1x16xf32> to vector<16xf32>
        %mul3A_171 = arith.mulf %get3A_170, %gather3A_132 : vector<16xf32>
        %swap3A_172 = arith.index_cast %add3A_136 : i32 to index
        %swap3A_173 = arith.constant 48 : index
        %swap3A_174 = tpu.vector_load %arg10[%swap3A_172, %swap3A_173] {strides = array<i32>} : memref<128x128xf32, #tpu.memory_space<vmem>>, vector<1x16xf32>,
        %swap3A_175 = vector.shape_cast %swap3A_174 : vector<1x16xf32> to vector<16xf32>
        %swap3A_176 = vector.shape_cast %mul3A_171 : vector<16xf32> to vector<1x16xf32>
        tpu.vector_store %arg10[%swap3A_172, %swap3A_173], %swap3A_176 {strides = array<i32>} : memref<128x128xf32, #tpu.memory_space<vmem>>, vector<1x16xf32>,
        %get3A_177 = arith.index_cast %add3A_136 : i32 to index
        %get3A_178 = arith.constant 64 : index
        %get3A_179 = tpu.vector_load %arg10[%get3A_177, %get3A_178] {strides = array<i32>} : memref<128x128xf32, #tpu.memory_space<vmem>>, vector<1x16xf32>,
        %get3A_180 = vector.shape_cast %get3A_179 : vector<1x16xf32> to vector<16xf32>
        %mul3A_181 = arith.mulf %get3A_180, %gather3A_132 : vector<16xf32>
        %swap3A_182 = arith.index_cast %add3A_136 : i32 to index
        %swap3A_183 = arith.constant 64 : index
        %swap3A_184 = tpu.vector_load %arg10[%swap3A_182, %swap3A_183] {strides = array<i32>} : memref<128x128xf32, #tpu.memory_space<vmem>>, vector<1x16xf32>,
        %swap3A_185 = vector.shape_cast %swap3A_184 : vector<1x16xf32> to vector<16xf32>
        %swap3A_186 = vector.shape_cast %mul3A_181 : vector<16xf32> to vector<1x16xf32>
        tpu.vector_store %arg10[%swap3A_182, %swap3A_183], %swap3A_186 {strides = array<i32>} : memref<128x128xf32, #tpu.memory_space<vmem>>, vector<1x16xf32>,
        %get3A_187 = arith.index_cast %add3A_136 : i32 to index
        %get3A_188 = arith.constant 80 : index
        %get3A_189 = tpu.vector_load %arg10[%get3A_187, %get3A_188] {strides = array<i32>} : memref<128x128xf32, #tpu.memory_space<vmem>>, vector<1x16xf32>,
        %get3A_190 = vector.shape_cast %get3A_189 : vector<1x16xf32> to vector<16xf32>
        %mul3A_191 = arith.mulf %get3A_190, %gather3A_132 : vector<16xf32>
        %swap3A_192 = arith.index_cast %add3A_136 : i32 to index
        %swap3A_193 = arith.constant 80 : index
        %swap3A_194 = tpu.vector_load %arg10[%swap3A_192, %swap3A_193] {strides = array<i32>} : memref<128x128xf32, #tpu.memory_space<vmem>>, vector<1x16xf32>,
        %swap3A_195 = vector.shape_cast %swap3A_194 : vector<1x16xf32> to vector<16xf32>
        %swap3A_196 = vector.shape_cast %mul3A_191 : vector<16xf32> to vector<1x16xf32>
        tpu.vector_store %arg10[%swap3A_192, %swap3A_193], %swap3A_196 {strides = array<i32>} : memref<128x128xf32, #tpu.memory_space<vmem>>, vector<1x16xf32>,
        %get3A_197 = arith.index_cast %add3A_136 : i32 to index
        %get3A_198 = arith.constant 96 : index
        %get3A_199 = tpu.vector_load %arg10[%get3A_197, %get3A_198] {strides = array<i32>} : memref<128x128xf32, #tpu.memory_space<vmem>>, vector<1x16xf32>,
        %get3A_200 = vector.shape_cast %get3A_199 : vector<1x16xf32> to vector<16xf32>
        %mul3A_201 = arith.mulf %get3A_200, %gather3A_132 : vector<16xf32>
        %swap3A_202 = arith.index_cast %add3A_136 : i32 to index
        %swap3A_203 = arith.constant 96 : index
        %swap3A_204 = tpu.vector_load %arg10[%swap3A_202, %swap3A_203] {strides = array<i32>} : memref<128x128xf32, #tpu.memory_space<vmem>>, vector<1x16xf32>,
        %swap3A_205 = vector.shape_cast %swap3A_204 : vector<1x16xf32> to vector<16xf32>
        %swap3A_206 = vector.shape_cast %mul3A_201 : vector<16xf32> to vector<1x16xf32>
        tpu.vector_store %arg10[%swap3A_202, %swap3A_203], %swap3A_206 {strides = array<i32>} : memref<128x128xf32, #tpu.memory_space<vmem>>, vector<1x16xf32>,
        %get3A_207 = arith.index_cast %add3A_136 : i32 to index
        %get3A_208 = arith.constant 112 : index
        %get3A_209 = tpu.vector_load %arg10[%get3A_207, %get3A_208] {strides = array<i32>} : memref<128x128xf32, #tpu.memory_space<vmem>>, vector<1x16xf32>,
        %get3A_210 = vector.shape_cast %get3A_209 : vector<1x16xf32> to vector<16xf32>
        %mul3A_211 = arith.mulf %get3A_210, %gather3A_132 : vector<16xf32>
        %swap3A_212 = arith.index_cast %add3A_136 : i32 to index
        %swap3A_213 = arith.constant 112 : index
        %swap3A_214 = tpu.vector_load %arg10[%swap3A_212, %swap3A_213] {strides = array<i32>} : memref<128x128xf32, #tpu.memory_space<vmem>>, vector<1x16xf32>,
        %swap3A_215 = vector.shape_cast %swap3A_214 : vector<1x16xf32> to vector<16xf32>
        %swap3A_216 = vector.shape_cast %mul3A_211 : vector<16xf32> to vector<1x16xf32>
        tpu.vector_store %arg10[%swap3A_212, %swap3A_213], %swap3A_216 {strides = array<i32>} : memref<128x128xf32, #tpu.memory_space<vmem>>, vector<1x16xf32>,
        %broadcast_in_dim3A_217 = arith.constant 2 : i32
        %broadcast_in_dim3A_218 = vector.broadcast %broadcast_in_dim3A_217 : i32 to vector<16x1xi32>
        %gather3A_219 = vector.shape_cast %broadcast_in_dim3A_218 : vector<16x1xi32> to vector<16xi32>
        %gather3A_220 = tpu.dynamic_gather %get3A_43[%gather3A_219] in [0] : vector<16xf32>, vector<16xi32> -> vector<16xf32>
        %mul3A_221 = arith.constant 16 : i32
        %mul3A_222 = arith.muli %scan3A_39, %mul3A_221 : i32
        %add3A_223 = arith.constant 2 : i32
        %add3A_224 = arith.addi %mul3A_222, %add3A_223 : i32
        %get3A_225 = arith.index_cast %add3A_224 : i32 to index
        %get3A_226 = arith.constant 0 : index
        %get3A_227 = tpu.vector_load %arg10[%get3A_225, %get3A_226] {strides = array<i32>} : memref<128x128xf32, #tpu.memory_space<vmem>>, vector<1x16xf32>,
        %get3A_228 = vector.shape_cast %get3A_227 : vector<1x16xf32> to vector<16xf32>
        %mul3A_229 = arith.mulf %get3A_228, %gather3A_220 : vector<16xf32>
        %swap3A_230 = arith.index_cast %add3A_224 : i32 to index
        %swap3A_231 = arith.constant 0 : index
        %swap3A_232 = tpu.vector_load %arg10[%swap3A_230, %swap3A_231] {strides = array<i32>} : memref<128x128xf32, #tpu.memory_space<vmem>>, vector<1x16xf32>,
        %swap3A_233 = vector.shape_cast %swap3A_232 : vector<1x16xf32> to vector<16xf32>
        %swap3A_234 = vector.shape_cast %mul3A_229 : vector<16xf32> to vector<1x16xf32>
        tpu.vector_store %arg10[%swap3A_230, %swap3A_231], %swap3A_234 {strides = array<i32>} : memref<128x128xf32, #tpu.memory_space<vmem>>, vector<1x16xf32>,
        %get3A_235 = arith.index_cast %add3A_224 : i32 to index
        %get3A_236 = arith.constant 16 : index
        %get3A_237 = tpu.vector_load %arg10[%get3A_235, %get3A_236] {strides = array<i32>} : memref<128x128xf32, #tpu.memory_space<vmem>>, vector<1x16xf32>,
        %get3A_238 = vector.shape_cast %get3A_237 : vector<1x16xf32> to vector<16xf32>
        %mul3A_239 = arith.mulf %get3A_238, %gather3A_220 : vector<16xf32>
        %swap3A_240 = arith.index_cast %add3A_224 : i32 to index
        %swap3A_241 = arith.constant 16 : index
        %swap3A_242 = tpu.vector_load %arg10[%swap3A_240, %swap3A_241] {strides = array<i32>} : memref<128x128xf32, #tpu.memory_space<vmem>>, vector<1x16xf32>,
        %swap3A_243 = vector.shape_cast %swap3A_242 : vector<1x16xf32> to vector<16xf32>
        %swap3A_244 = vector.shape_cast %mul3A_239 : vector<16xf32> to vector<1x16xf32>
        tpu.vector_store %arg10[%swap3A_240, %swap3A_241], %swap3A_244 {strides = array<i32>} : memref<128x128xf32, #tpu.memory_space<vmem>>, vector<1x16xf32>,
        %get3A_245 = arith.index_cast %add3A_224 : i32 to index
        %get3A_246 = arith.constant 32 : index
        %get3A_247 = tpu.vector_load %arg10[%get3A_245, %get3A_246] {strides = array<i32>} : memref<128x128xf32, #tpu.memory_space<vmem>>, vector<1x16xf32>,
        %get3A_248 = vector.shape_cast %get3A_247 : vector<1x16xf32> to vector<16xf32>
        %mul3A_249 = arith.mulf %get3A_248, %gather3A_220 : vector<16xf32>
        %swap3A_250 = arith.index_cast %add3A_224 : i32 to index
        %swap3A_251 = arith.constant 32 : index
        %swap3A_252 = tpu.vector_load %arg10[%swap3A_250, %swap3A_251] {strides = array<i32>} : memref<128x128xf32, #tpu.memory_space<vmem>>, vector<1x16xf32>,
        %swap3A_253 = vector.shape_cast %swap3A_252 : vector<1x16xf32> to vector<16xf32>
        %swap3A_254 = vector.shape_cast %mul3A_249 : vector<16xf32> to vector<1x16xf32>
        tpu.vector_store %arg10[%swap3A_250, %swap3A_251], %swap3A_254 {strides = array<i32>} : memref<128x128xf32, #tpu.memory_space<vmem>>, vector<1x16xf32>,
        %get3A_255 = arith.index_cast %add3A_224 : i32 to index
        %get3A_256 = arith.constant 48 : index
        %get3A_257 = tpu.vector_load %arg10[%get3A_255, %get3A_256] {strides = array<i32>} : memref<128x128xf32, #tpu.memory_space<vmem>>, vector<1x16xf32>,
        %get3A_258 = vector.shape_cast %get3A_257 : vector<1x16xf32> to vector<16xf32>
        %mul3A_259 = arith.mulf %get3A_258, %gather3A_220 : vector<16xf32>
        %swap3A_260 = arith.index_cast %add3A_224 : i32 to index
        %swap3A_261 = arith.constant 48 : index
        %swap3A_262 = tpu.vector_load %arg10[%swap3A_260, %swap3A_261] {strides = array<i32>} : memref<128x128xf32, #tpu.memory_space<vmem>>, vector<1x16xf32>,
        %swap3A_263 = vector.shape_cast %swap3A_262 : vector<1x16xf32> to vector<16xf32>
        %swap3A_264 = vector.shape_cast %mul3A_259 : vector<16xf32> to vector<1x16xf32>
        tpu.vector_store %arg10[%swap3A_260, %swap3A_261], %swap3A_264 {strides = array<i32>} : memref<128x128xf32, #tpu.memory_space<vmem>>, vector<1x16xf32>,
        %get3A_265 = arith.index_cast %add3A_224 : i32 to index
        %get3A_266 = arith.constant 64 : index
        %get3A_267 = tpu.vector_load %arg10[%get3A_265, %get3A_266] {strides = array<i32>} : memref<128x128xf32, #tpu.memory_space<vmem>>, vector<1x16xf32>,
        %get3A_268 = vector.shape_cast %get3A_267 : vector<1x16xf32> to vector<16xf32>
        %mul3A_269 = arith.mulf %get3A_268, %gather3A_220 : vector<16xf32>
        %swap3A_270 = arith.index_cast %add3A_224 : i32 to index
        %swap3A_271 = arith.constant 64 : index
        %swap3A_272 = tpu.vector_load %arg10[%swap3A_270, %swap3A_271] {strides = array<i32>} : memref<128x128xf32, #tpu.memory_space<vmem>>, vector<1x16xf32>,
        %swap3A_273 = vector.shape_cast %swap3A_272 : vector<1x16xf32> to vector<16xf32>
        %swap3A_274 = vector.shape_cast %mul3A_269 : vector<16xf32> to vector<1x16xf32>
        tpu.vector_store %arg10[%swap3A_270, %swap3A_271], %swap3A_274 {strides = array<i32>} : memref<128x128xf32, #tpu.memory_space<vmem>>, vector<1x16xf32>,
        %get3A_275 = arith.index_cast %add3A_224 : i32 to index
        %get3A_276 = arith.constant 80 : index
        %get3A_277 = tpu.vector_load %arg10[%get3A_275, %get3A_276] {strides = array<i32>} : memref<128x128xf32, #tpu.memory_space<vmem>>, vector<1x16xf32>,
        %get3A_278 = vector.shape_cast %get3A_277 : vector<1x16xf32> to vector<16xf32>
        %mul3A_279 = arith.mulf %get3A_278, %gather3A_220 : vector<16xf32>
        %swap3A_280 = arith.index_cast %add3A_224 : i32 to index
        %swap3A_281 = arith.constant 80 : index
        %swap3A_282 = tpu.vector_load %arg10[%swap3A_280, %swap3A_281] {strides = array<i32>} : memref<128x128xf32, #tpu.memory_space<vmem>>, vector<1x16xf32>,
        %swap3A_283 = vector.shape_cast %swap3A_282 : vector<1x16xf32> to vector<16xf32>
        %swap3A_284 = vector.shape_cast %mul3A_279 : vector<16xf32> to vector<1x16xf32>
        tpu.vector_store %arg10[%swap3A_280, %swap3A_281], %swap3A_284 {strides = array<i32>} : memref<128x128xf32, #tpu.memory_space<vmem>>, vector<1x16xf32>,
        %get3A_285 = arith.index_cast %add3A_224 : i32 to index
        %get3A_286 = arith.constant 96 : index
        %get3A_287 = tpu.vector_load %arg10[%get3A_285, %get3A_286] {strides = array<i32>} : memref<128x128xf32, #tpu.memory_space<vmem>>, vector<1x16xf32>,
        %get3A_288 = vector.shape_cast %get3A_287 : vector<1x16xf32> to vector<16xf32>
        %mul3A_289 = arith.mulf %get3A_288, %gather3A_220 : vector<16xf32>
        %swap3A_290 = arith.index_cast %add3A_224 : i32 to index
        %swap3A_291 = arith.constant 96 : index
        %swap3A_292 = tpu.vector_load %arg10[%swap3A_290, %swap3A_291] {strides = array<i32>} : memref<128x128xf32, #tpu.memory_space<vmem>>, vector<1x16xf32>,
        %swap3A_293 = vector.shape_cast %swap3A_292 : vector<1x16xf32> to vector<16xf32>
        %swap3A_294 = vector.shape_cast %mul3A_289 : vector<16xf32> to vector<1x16xf32>
        tpu.vector_store %arg10[%swap3A_290, %swap3A_291], %swap3A_294 {strides = array<i32>} : memref<128x128xf32, #tpu.memory_space<vmem>>, vector<1x16xf32>,
        %get3A_295 = arith.index_cast %add3A_224 : i32 to index
        %get3A_296 = arith.constant 112 : index
        %get3A_297 = tpu.vector_load %arg10[%get3A_295, %get3A_296] {strides = array<i32>} : memref<128x128xf32, #tpu.memory_space<vmem>>, vector<1x16xf32>,
        %get3A_298 = vector.shape_cast %get3A_297 : vector<1x16xf32> to vector<16xf32>
        %mul3A_299 = arith.mulf %get3A_298, %gather3A_220 : vector<16xf32>
        %swap3A_300 = arith.index_cast %add3A_224 : i32 to index
        %swap3A_301 = arith.constant 112 : index
        %swap3A_302 = tpu.vector_load %arg10[%swap3A_300, %swap3A_301] {strides = array<i32>} : memref<128x128xf32, #tpu.memory_space<vmem>>, vector<1x16xf32>,
        %swap3A_303 = vector.shape_cast %swap3A_302 : vector<1x16xf32> to vector<16xf32>
        %swap3A_304 = vector.shape_cast %mul3A_299 : vector<16xf32> to vector<1x16xf32>
        tpu.vector_store %arg10[%swap3A_300, %swap3A_301], %swap3A_304 {strides = array<i32>} : memref<128x128xf32, #tpu.memory_space<vmem>>, vector<1x16xf32>,
        %broadcast_in_dim3A_305 = arith.constant 3 : i32
        %broadcast_in_dim3A_306 = vector.broadcast %broadcast_in_dim3A_305 : i32 to vector<16x1xi32>
        %gather3A_307 = vector.shape_cast %broadcast_in_dim3A_306 : vector<16x1xi32> to vector<16xi32>
        %gather3A_308 = tpu.dynamic_gather %get3A_43[%gather3A_307] in [0] : vector<16xf32>, vector<16xi32> -> vector<16xf32>
        %mul3A_309 = arith.constant 16 : i32
        %mul3A_310 = arith.muli %scan3A_39, %mul3A_309 : i32
        %add3A_311 = arith.constant 3 : i32
        %add3A_312 = arith.addi %mul3A_310, %add3A_311 : i32
        %get3A_313 = arith.index_cast %add3A_312 : i32 to index
        %get3A_314 = arith.constant 0 : index
        %get3A_315 = tpu.vector_load %arg10[%get3A_313, %get3A_314] {strides = array<i32>} : memref<128x128xf32, #tpu.memory_space<vmem>>, vector<1x16xf32>,
        %get3A_316 = vector.shape_cast %get3A_315 : vector<1x16xf32> to vector<16xf32>
        %mul3A_317 = arith.mulf %get3A_316, %gather3A_308 : vector<16xf32>
        %swap3A_318 = arith.index_cast %add3A_312 : i32 to index
        %swap3A_319 = arith.constant 0 : index
        %swap3A_320 = tpu.vector_load %arg10[%swap3A_318, %swap3A_319] {strides = array<i32>} : memref<128x128xf32, #tpu.memory_space<vmem>>, vector<1x16xf32>,
        %swap3A_321 = vector.shape_cast %swap3A_320 : vector<1x16xf32> to vector<16xf32>
        %swap3A_322 = vector.shape_cast %mul3A_317 : vector<16xf32> to vector<1x16xf32>
        tpu.vector_store %arg10[%swap3A_318, %swap3A_319], %swap3A_322 {strides = array<i32>} : memref<128x128xf32, #tpu.memory_space<vmem>>, vector<1x16xf32>,
        %get3A_323 = arith.index_cast %add3A_312 : i32 to index
        %get3A_324 = arith.constant 16 : index
        %get3A_325 = tpu.vector_load %arg10[%get3A_323, %get3A_324] {strides = array<i32>} : memref<128x128xf32, #tpu.memory_space<vmem>>, vector<1x16xf32>,
        %get3A_326 = vector.shape_cast %get3A_325 : vector<1x16xf32> to vector<16xf32>
        %mul3A_327 = arith.mulf %get3A_326, %gather3A_308 : vector<16xf32>
        %swap3A_328 = arith.index_cast %add3A_312 : i32 to index
        %swap3A_329 = arith.constant 16 : index
        %swap3A_330 = tpu.vector_load %arg10[%swap3A_328, %swap3A_329] {strides = array<i32>} : memref<128x128xf32, #tpu.memory_space<vmem>>, vector<1x16xf32>,
        %swap3A_331 = vector.shape_cast %swap3A_330 : vector<1x16xf32> to vector<16xf32>
        %swap3A_332 = vector.shape_cast %mul3A_327 : vector<16xf32> to vector<1x16xf32>
        tpu.vector_store %arg10[%swap3A_328, %swap3A_329], %swap3A_332 {strides = array<i32>} : memref<128x128xf32, #tpu.memory_space<vmem>>, vector<1x16xf32>,
        %get3A_333 = arith.index_cast %add3A_312 : i32 to index
        %get3A_334 = arith.constant 32 : index
        %get3A_335 = tpu.vector_load %arg10[%get3A_333, %get3A_334] {strides = array<i32>} : memref<128x128xf32, #tpu.memory_space<vmem>>, vector<1x16xf32>,
        %get3A_336 = vector.shape_cast %get3A_335 : vector<1x16xf32> to vector<16xf32>
        %mul3A_337 = arith.mulf %get3A_336, %gather3A_308 : vector<16xf32>
        %swap3A_338 = arith.index_cast %add3A_312 : i32 to index
        %swap3A_339 = arith.constant 32 : index
        %swap3A_340 = tpu.vector_load %arg10[%swap3A_338, %swap3A_339] {strides = array<i32>} : memref<128x128xf32, #tpu.memory_space<vmem>>, vector<1x16xf32>,
        %swap3A_341 = vector.shape_cast %swap3A_340 : vector<1x16xf32> to vector<16xf32>
        %swap3A_342 = vector.shape_cast %mul3A_337 : vector<16xf32> to vector<1x16xf32>
        tpu.vector_store %arg10[%swap3A_338, %swap3A_339], %swap3A_342 {strides = array<i32>} : memref<128x128xf32, #tpu.memory_space<vmem>>, vector<1x16xf32>,
        %get3A_343 = arith.index_cast %add3A_312 : i32 to index
        %get3A_344 = arith.constant 48 : index
        %get3A_345 = tpu.vector_load %arg10[%get3A_343, %get3A_344] {strides = array<i32>} : memref<128x128xf32, #tpu.memory_space<vmem>>, vector<1x16xf32>,
        %get3A_346 = vector.shape_cast %get3A_345 : vector<1x16xf32> to vector<16xf32>
        %mul3A_347 = arith.mulf %get3A_346, %gather3A_308 : vector<16xf32>
        %swap3A_348 = arith.index_cast %add3A_312 : i32 to index
        %swap3A_349 = arith.constant 48 : index
        %swap3A_350 = tpu.vector_load %arg10[%swap3A_348, %swap3A_349] {strides = array<i32>} : memref<128x128xf32, #tpu.memory_space<vmem>>, vector<1x16xf32>,
        %swap3A_351 = vector.shape_cast %swap3A_350 : vector<1x16xf32> to vector<16xf32>
        %swap3A_352 = vector.shape_cast %mul3A_347 : vector<16xf32> to vector<1x16xf32>
        tpu.vector_store %arg10[%swap3A_348, %swap3A_349], %swap3A_352 {strides = array<i32>} : memref<128x128xf32, #tpu.memory_space<vmem>>, vector<1x16xf32>,
        %get3A_353 = arith.index_cast %add3A_312 : i32 to index
        %get3A_354 = arith.constant 64 : index
        %get3A_355 = tpu.vector_load %arg10[%get3A_353, %get3A_354] {strides = array<i32>} : memref<128x128xf32, #tpu.memory_space<vmem>>, vector<1x16xf32>,
        %get3A_356 = vector.shape_cast %get3A_355 : vector<1x16xf32> to vector<16xf32>
        %mul3A_357 = arith.mulf %get3A_356, %gather3A_308 : vector<16xf32>
        %swap3A_358 = arith.index_cast %add3A_312 : i32 to index
        %swap3A_359 = arith.constant 64 : index
        %swap3A_360 = tpu.vector_load %arg10[%swap3A_358, %swap3A_359] {strides = array<i32>} : memref<128x128xf32, #tpu.memory_space<vmem>>, vector<1x16xf32>,
        %swap3A_361 = vector.shape_cast %swap3A_360 : vector<1x16xf32> to vector<16xf32>
        %swap3A_362 = vector.shape_cast %mul3A_357 : vector<16xf32> to vector<1x16xf32>
        tpu.vector_store %arg10[%swap3A_358, %swap3A_359], %swap3A_362 {strides = array<i32>} : memref<128x128xf32, #tpu.memory_space<vmem>>, vector<1x16xf32>,
        %get3A_363 = arith.index_cast %add3A_312 : i32 to index
        %get3A_364 = arith.constant 80 : index
        %get3A_365 = tpu.vector_load %arg10[%get3A_363, %get3A_364] {strides = array<i32>} : memref<128x128xf32, #tpu.memory_space<vmem>>, vector<1x16xf32>,
        %get3A_366 = vector.shape_cast %get3A_365 : vector<1x16xf32> to vector<16xf32>
        %mul3A_367 = arith.mulf %get3A_366, %gather3A_308 : vector<16xf32>
        %swap3A_368 = arith.index_cast %add3A_312 : i32 to index
        %swap3A_369 = arith.constant 80 : index
        %swap3A_370 = tpu.vector_load %arg10[%swap3A_368, %swap3A_369] {strides = array<i32>} : memref<128x128xf32, #tpu.memory_space<vmem>>, vector<1x16xf32>,
        %swap3A_371 = vector.shape_cast %swap3A_370 : vector<1x16xf32> to vector<16xf32>
        %swap3A_372 = vector.shape_cast %mul3A_367 : vector<16xf32> to vector<1x16xf32>
        tpu.vector_store %arg10[%swap3A_368, %swap3A_369], %swap3A_372 {strides = array<i32>} : memref<128x128xf32, #tpu.memory_space<vmem>>, vector<1x16xf32>,
        %get3A_373 = arith.index_cast %add3A_312 : i32 to index
        %get3A_374 = arith.constant 96 : index
        %get3A_375 = tpu.vector_load %arg10[%get3A_373, %get3A_374] {strides = array<i32>} : memref<128x128xf32, #tpu.memory_space<vmem>>, vector<1x16xf32>,
        %get3A_376 = vector.shape_cast %get3A_375 : vector<1x16xf32> to vector<16xf32>
        %mul3A_377 = arith.mulf %get3A_376, %gather3A_308 : vector<16xf32>
        %swap3A_378 = arith.index_cast %add3A_312 : i32 to index
        %swap3A_379 = arith.constant 96 : index
        %swap3A_380 = tpu.vector_load %arg10[%swap3A_378, %swap3A_379] {strides = array<i32>} : memref<128x128xf32, #tpu.memory_space<vmem>>, vector<1x16xf32>,
        %swap3A_381 = vector.shape_cast %swap3A_380 : vector<1x16xf32> to vector<16xf32>
        %swap3A_382 = vector.shape_cast %mul3A_377 : vector<16xf32> to vector<1x16xf32>
        tpu.vector_store %arg10[%swap3A_378, %swap3A_379], %swap3A_382 {strides = array<i32>} : memref<128x128xf32, #tpu.memory_space<vmem>>, vector<1x16xf32>,
        %get3A_383 = arith.index_cast %add3A_312 : i32 to index
        %get3A_384 = arith.constant 112 : index
        %get3A_385 = tpu.vector_load %arg10[%get3A_383, %get3A_384] {strides = array<i32>} : memref<128x128xf32, #tpu.memory_space<vmem>>, vector<1x16xf32>,
        %get3A_386 = vector.shape_cast %get3A_385 : vector<1x16xf32> to vector<16xf32>
        %mul3A_387 = arith.mulf %get3A_386, %gather3A_308 : vector<16xf32>
        %swap3A_388 = arith.index_cast %add3A_312 : i32 to index
        %swap3A_389 = arith.constant 112 : index
        %swap3A_390 = tpu.vector_load %arg10[%swap3A_388, %swap3A_389] {strides = array<i32>} : memref<128x128xf32, #tpu.memory_space<vmem>>, vector<1x16xf32>,
        %swap3A_391 = vector.shape_cast %swap3A_390 : vector<1x16xf32> to vector<16xf32>
        %swap3A_392 = vector.shape_cast %mul3A_387 : vector<16xf32> to vector<1x16xf32>
        tpu.vector_store %arg10[%swap3A_388, %swap3A_389], %swap3A_392 {strides = array<i32>} : memref<128x128xf32, #tpu.memory_space<vmem>>, vector<1x16xf32>,
        %broadcast_in_dim3A_393 = arith.constant 4 : i32
        %broadcast_in_dim3A_394 = vector.broadcast %broadcast_in_dim3A_393 : i32 to vector<16x1xi32>
        %gather3A_395 = vector.shape_cast %broadcast_in_dim3A_394 : vector<16x1xi32> to vector<16xi32>
        %gather3A_396 = tpu.dynamic_gather %get3A_43[%gather3A_395] in [0] : vector<16xf32>, vector<16xi32> -> vector<16xf32>
        %mul3A_397 = arith.constant 16 : i32
        %mul3A_398 = arith.muli %scan3A_39, %mul3A_397 : i32
        %add3A_399 = arith.constant 4 : i32
        %add3A_400 = arith.addi %mul3A_398, %add3A_399 : i32
        %get3A_401 = arith.index_cast %add3A_400 : i32 to index
        %get3A_402 = arith.constant 0 : index
        %get3A_403 = tpu.vector_load %arg10[%get3A_401, %get3A_402] {strides = array<i32>} : memref<128x128xf32, #tpu.memory_space<vmem>>, vector<1x16xf32>,
        %get3A_404 = vector.shape_cast %get3A_403 : vector<1x16xf32> to vector<16xf32>
        %mul3A_405 = arith.mulf %get3A_404, %gather3A_396 : vector<16xf32>
        %swap3A_406 = arith.index_cast %add3A_400 : i32 to index
        %swap3A_407 = arith.constant 0 : index
        %swap3A_408 = tpu.vector_load %arg10[%swap3A_406, %swap3A_407] {strides = array<i32>} : memref<128x128xf32, #tpu.memory_space<vmem>>, vector<1x16xf32>,
        %swap3A_409 = vector.shape_cast %swap3A_408 : vector<1x16xf32> to vector<16xf32>
        %swap3A_410 = vector.shape_cast %mul3A_405 : vector<16xf32> to vector<1x16xf32>
        tpu.vector_store %arg10[%swap3A_406, %swap3A_407], %swap3A_410 {strides = array<i32>} : memref<128x128xf32, #tpu.memory_space<vmem>>, vector<1x16xf32>,
        %get3A_411 = arith.index_cast %add3A_400 : i32 to index
        %get3A_412 = arith.constant 16 : index
        %get3A_413 = tpu.vector_load %arg10[%get3A_411, %get3A_412] {strides = array<i32>} : memref<128x128xf32, #tpu.memory_space<vmem>>, vector<1x16xf32>,
        %get3A_414 = vector.shape_cast %get3A_413 : vector<1x16xf32> to vector<16xf32>
        %mul3A_415 = arith.mulf %get3A_414, %gather3A_396 : vector<16xf32>
        %swap3A_416 = arith.index_cast %add3A_400 : i32 to index
        %swap3A_417 = arith.constant 16 : index
        %swap3A_418 = tpu.vector_load %arg10[%swap3A_416, %swap3A_417] {strides = array<i32>} : memref<128x128xf32, #tpu.memory_space<vmem>>, vector<1x16xf32>,
        %swap3A_419 = vector.shape_cast %swap3A_418 : vector<1x16xf32> to vector<16xf32>
        %swap3A_420 = vector.shape_cast %mul3A_415 : vector<16xf32> to vector<1x16xf32>
        tpu.vector_store %arg10[%swap3A_416, %swap3A_417], %swap3A_420 {strides = array<i32>} : memref<128x128xf32, #tpu.memory_space<vmem>>, vector<1x16xf32>,
        %get3A_421 = arith.index_cast %add3A_400 : i32 to index
        %get3A_422 = arith.constant 32 : index
        %get3A_423 = tpu.vector_load %arg10[%get3A_421, %get3A_422] {strides = array<i32>} : memref<128x128xf32, #tpu.memory_space<vmem>>, vector<1x16xf32>,
        %get3A_424 = vector.shape_cast %get3A_423 : vector<1x16xf32> to vector<16xf32>
        %mul3A_425 = arith.mulf %get3A_424, %gather3A_396 : vector<16xf32>
        %swap3A_426 = arith.index_cast %add3A_400 : i32 to index
        %swap3A_427 = arith.constant 32 : index
        %swap3A_428 = tpu.vector_load %arg10[%swap3A_426, %swap3A_427] {strides = array<i32>} : memref<128x128xf32, #tpu.memory_space<vmem>>, vector<1x16xf32>,
        %swap3A_429 = vector.shape_cast %swap3A_428 : vector<1x16xf32> to vector<16xf32>
        %swap3A_430 = vector.shape_cast %mul3A_425 : vector<16xf32> to vector<1x16xf32>
        tpu.vector_store %arg10[%swap3A_426, %swap3A_427], %swap3A_430 {strides = array<i32>} : memref<128x128xf32, #tpu.memory_space<vmem>>, vector<1x16xf32>,
        %get3A_431 = arith.index_cast %add3A_400 : i32 to index
        %get3A_432 = arith.constant 48 : index
        %get3A_433 = tpu.vector_load %arg10[%get3A_431, %get3A_432] {strides = array<i32>} : memref<128x128xf32, #tpu.memory_space<vmem>>, vector<1x16xf32>,
        %get3A_434 = vector.shape_cast %get3A_433 : vector<1x16xf32> to vector<16xf32>
        %mul3A_435 = arith.mulf %get3A_434, %gather3A_396 : vector<16xf32>
        %swap3A_436 = arith.index_cast %add3A_400 : i32 to index
        %swap3A_437 = arith.constant 48 : index
        %swap3A_438 = tpu.vector_load %arg10[%swap3A_436, %swap3A_437] {strides = array<i32>} : memref<128x128xf32, #tpu.memory_space<vmem>>, vector<1x16xf32>,
        %swap3A_439 = vector.shape_cast %swap3A_438 : vector<1x16xf32> to vector<16xf32>
        %swap3A_440 = vector.shape_cast %mul3A_435 : vector<16xf32> to vector<1x16xf32>
        tpu.vector_store %arg10[%swap3A_436, %swap3A_437], %swap3A_440 {strides = array<i32>} : memref<128x128xf32, #tpu.memory_space<vmem>>, vector<1x16xf32>,
        %get3A_441 = arith.index_cast %add3A_400 : i32 to index
        %get3A_442 = arith.constant 64 : index
        %get3A_443 = tpu.vector_load %arg10[%get3A_441, %get3A_442] {strides = array<i32>} : memref<128x128xf32, #tpu.memory_space<vmem>>, vector<1x16xf32>,
        %get3A_444 = vector.shape_cast %get3A_443 : vector<1x16xf32> to vector<16xf32>
        %mul3A_445 = arith.mulf %get3A_444, %gather3A_396 : vector<16xf32>
        %swap3A_446 = arith.index_cast %add3A_400 : i32 to index
        %swap3A_447 = arith.constant 64 : index
        %swap3A_448 = tpu.vector_load %arg10[%swap3A_446, %swap3A_447] {strides = array<i32>} : memref<128x128xf32, #tpu.memory_space<vmem>>, vector<1x16xf32>,
        %swap3A_449 = vector.shape_cast %swap3A_448 : vector<1x16xf32> to vector<16xf32>
        %swap3A_450 = vector.shape_cast %mul3A_445 : vector<16xf32> to vector<1x16xf32>
        tpu.vector_store %arg10[%swap3A_446, %swap3A_447], %swap3A_450 {strides = array<i32>} : memref<128x128xf32, #tpu.memory_space<vmem>>, vector<1x16xf32>,
        %get3A_451 = arith.index_cast %add3A_400 : i32 to index
        %get3A_452 = arith.constant 80 : index
        %get3A_453 = tpu.vector_load %arg10[%get3A_451, %get3A_452] {strides = array<i32>} : memref<128x128xf32, #tpu.memory_space<vmem>>, vector<1x16xf32>,
        %get3A_454 = vector.shape_cast %get3A_453 : vector<1x16xf32> to vector<16xf32>
        %mul3A_455 = arith.mulf %get3A_454, %gather3A_396 : vector<16xf32>
        %swap3A_456 = arith.index_cast %add3A_400 : i32 to index
        %swap3A_457 = arith.constant 80 : index
        %swap3A_458 = tpu.vector_load %arg10[%swap3A_456, %swap3A_457] {strides = array<i32>} : memref<128x128xf32, #tpu.memory_space<vmem>>, vector<1x16xf32>,
        %swap3A_459 = vector.shape_cast %swap3A_458 : vector<1x16xf32> to vector<16xf32>
        %swap3A_460 = vector.shape_cast %mul3A_455 : vector<16xf32> to vector<1x16xf32>
        tpu.vector_store %arg10[%swap3A_456, %swap3A_457], %swap3A_460 {strides = array<i32>} : memref<128x128xf32, #tpu.memory_space<vmem>>, vector<1x16xf32>,
        %get3A_461 = arith.index_cast %add3A_400 : i32 to index
        %get3A_462 = arith.constant 96 : index
        %get3A_463 = tpu.vector_load %arg10[%get3A_461, %get3A_462] {strides = array<i32>} : memref<128x128xf32, #tpu.memory_space<vmem>>, vector<1x16xf32>,
        %get3A_464 = vector.shape_cast %get3A_463 : vector<1x16xf32> to vector<16xf32>
        %mul3A_465 = arith.mulf %get3A_464, %gather3A_396 : vector<16xf32>
        %swap3A_466 = arith.index_cast %add3A_400 : i32 to index
        %swap3A_467 = arith.constant 96 : index
        %swap3A_468 = tpu.vector_load %arg10[%swap3A_466, %swap3A_467] {strides = array<i32>} : memref<128x128xf32, #tpu.memory_space<vmem>>, vector<1x16xf32>,
        %swap3A_469 = vector.shape_cast %swap3A_468 : vector<1x16xf32> to vector<16xf32>
        %swap3A_470 = vector.shape_cast %mul3A_465 : vector<16xf32> to vector<1x16xf32>
        tpu.vector_store %arg10[%swap3A_466, %swap3A_467], %swap3A_470 {strides = array<i32>} : memref<128x128xf32, #tpu.memory_space<vmem>>, vector<1x16xf32>,
        %get3A_471 = arith.index_cast %add3A_400 : i32 to index
        %get3A_472 = arith.constant 112 : index
        %get3A_473 = tpu.vector_load %arg10[%get3A_471, %get3A_472] {strides = array<i32>} : memref<128x128xf32, #tpu.memory_space<vmem>>, vector<1x16xf32>,
        %get3A_474 = vector.shape_cast %get3A_473 : vector<1x16xf32> to vector<16xf32>
        %mul3A_475 = arith.mulf %get3A_474, %gather3A_396 : vector<16xf32>
        %swap3A_476 = arith.index_cast %add3A_400 : i32 to index
        %swap3A_477 = arith.constant 112 : index
        %swap3A_478 = tpu.vector_load %arg10[%swap3A_476, %swap3A_477] {strides = array<i32>} : memref<128x128xf32, #tpu.memory_space<vmem>>, vector<1x16xf32>,
        %swap3A_479 = vector.shape_cast %swap3A_478 : vector<1x16xf32> to vector<16xf32>
        %swap3A_480 = vector.shape_cast %mul3A_475 : vector<16xf32> to vector<1x16xf32>
        tpu.vector_store %arg10[%swap3A_476, %swap3A_477], %swap3A_480 {strides = array<i32>} : memref<128x128xf32, #tpu.memory_space<vmem>>, vector<1x16xf32>,
        %broadcast_in_dim3A_481 = arith.constant 5 : i32
        %broadcast_in_dim3A_482 = vector.broadcast %broadcast_in_dim3A_481 : i32 to vector<16x1xi32>
        %gather3A_483 = vector.shape_cast %broadcast_in_dim3A_482 : vector<16x1xi32> to vector<16xi32>
        %gather3A_484 = tpu.dynamic_gather %get3A_43[%gather3A_483] in [0] : vector<16xf32>, vector<16xi32> -> vector<16xf32>
        %mul3A_485 = arith.constant 16 : i32
        %mul3A_486 = arith.muli %scan3A_39, %mul3A_485 : i32
        %add3A_487 = arith.constant 5 : i32
        %add3A_488 = arith.addi %mul3A_486, %add3A_487 : i32
        %get3A_489 = arith.index_cast %add3A_488 : i32 to index
        %get3A_490 = arith.constant 0 : index
        %get3A_491 = tpu.vector_load %arg10[%get3A_489, %get3A_490] {strides = array<i32>} : memref<128x128xf32, #tpu.memory_space<vmem>>, vector<1x16xf32>,
        %get3A_492 = vector.shape_cast %get3A_491 : vector<1x16xf32> to vector<16xf32>
        %mul3A_493 = arith.mulf %get3A_492, %gather3A_484 : vector<16xf32>
        %swap3A_494 = arith.index_cast %add3A_488 : i32 to index
        %swap3A_495 = arith.constant 0 : index
        %swap3A_496 = tpu.vector_load %arg10[%swap3A_494, %swap3A_495] {strides = array<i32>} : memref<128x128xf32, #tpu.memory_space<vmem>>, vector<1x16xf32>,
        %swap3A_497 = vector.shape_cast %swap3A_496 : vector<1x16xf32> to vector<16xf32>
        %swap3A_498 = vector.shape_cast %mul3A_493 : vector<16xf32> to vector<1x16xf32>
        tpu.vector_store %arg10[%swap3A_494, %swap3A_495], %swap3A_498 {strides = array<i32>} : memref<128x128xf32, #tpu.memory_space<vmem>>, vector<1x16xf32>,
        %get3A_499 = arith.index_cast %add3A_488 : i32 to index
        %get3A_500 = arith.constant 16 : index
        %get3A_501 = tpu.vector_load %arg10[%get3A_499, %get3A_500] {strides = array<i32>} : memref<128x128xf32, #tpu.memory_space<vmem>>, vector<1x16xf32>,
        %get3A_502 = vector.shape_cast %get3A_501 : vector<1x16xf32> to vector<16xf32>
        %mul3A_503 = arith.mulf %get3A_502, %gather3A_484 : vector<16xf32>
        %swap3A_504 = arith.index_cast %add3A_488 : i32 to index
        %swap3A_505 = arith.constant 16 : index
        %swap3A_506 = tpu.vector_load %arg10[%swap3A_504, %swap3A_505] {strides = array<i32>} : memref<128x128xf32, #tpu.memory_space<vmem>>, vector<1x16xf32>,
        %swap3A_507 = vector.shape_cast %swap3A_506 : vector<1x16xf32> to vector<16xf32>
        %swap3A_508 = vector.shape_cast %mul3A_503 : vector<16xf32> to vector<1x16xf32>
        tpu.vector_store %arg10[%swap3A_504, %swap3A_505], %swap3A_508 {strides = array<i32>} : memref<128x128xf32, #tpu.memory_space<vmem>>, vector<1x16xf32>,
        %get3A_509 = arith.index_cast %add3A_488 : i32 to index
        %get3A_510 = arith.constant 32 : index
        %get3A_511 = tpu.vector_load %arg10[%get3A_509, %get3A_510] {strides = array<i32>} : memref<128x128xf32, #tpu.memory_space<vmem>>, vector<1x16xf32>,
        %get3A_512 = vector.shape_cast %get3A_511 : vector<1x16xf32> to vector<16xf32>
        %mul3A_513 = arith.mulf %get3A_512, %gather3A_484 : vector<16xf32>
        %swap3A_514 = arith.index_cast %add3A_488 : i32 to index
        %swap3A_515 = arith.constant 32 : index
        %swap3A_516 = tpu.vector_load %arg10[%swap3A_514, %swap3A_515] {strides = array<i32>} : memref<128x128xf32, #tpu.memory_space<vmem>>, vector<1x16xf32>,
        %swap3A_517 = vector.shape_cast %swap3A_516 : vector<1x16xf32> to vector<16xf32>
        %swap3A_518 = vector.shape_cast %mul3A_513 : vector<16xf32> to vector<1x16xf32>
        tpu.vector_store %arg10[%swap3A_514, %swap3A_515], %swap3A_518 {strides = array<i32>} : memref<128x128xf32, #tpu.memory_space<vmem>>, vector<1x16xf32>,
        %get3A_519 = arith.index_cast %add3A_488 : i32 to index
        %get3A_520 = arith.constant 48 : index
        %get3A_521 = tpu.vector_load %arg10[%get3A_519, %get3A_520] {strides = array<i32>} : memref<128x128xf32, #tpu.memory_space<vmem>>, vector<1x16xf32>,
        %get3A_522 = vector.shape_cast %get3A_521 : vector<1x16xf32> to vector<16xf32>
        %mul3A_523 = arith.mulf %get3A_522, %gather3A_484 : vector<16xf32>
        %swap3A_524 = arith.index_cast %add3A_488 : i32 to index
        %swap3A_525 = arith.constant 48 : index
        %swap3A_526 = tpu.vector_load %arg10[%swap3A_524, %swap3A_525] {strides = array<i32>} : memref<128x128xf32, #tpu.memory_space<vmem>>, vector<1x16xf32>,
        %swap3A_527 = vector.shape_cast %swap3A_526 : vector<1x16xf32> to vector<16xf32>
        %swap3A_528 = vector.shape_cast %mul3A_523 : vector<16xf32> to vector<1x16xf32>
        tpu.vector_store %arg10[%swap3A_524, %swap3A_525], %swap3A_528 {strides = array<i32>} : memref<128x128xf32, #tpu.memory_space<vmem>>, vector<1x16xf32>,
        %get3A_529 = arith.index_cast %add3A_488 : i32 to index
        %get3A_530 = arith.constant 64 : index
        %get3A_531 = tpu.vector_load %arg10[%get3A_529, %get3A_530] {strides = array<i32>} : memref<128x128xf32, #tpu.memory_space<vmem>>, vector<1x16xf32>,
        %get3A_532 = vector.shape_cast %get3A_531 : vector<1x16xf32> to vector<16xf32>
        %mul3A_533 = arith.mulf %get3A_532, %gather3A_484 : vector<16xf32>
        %swap3A_534 = arith.index_cast %add3A_488 : i32 to index
        %swap3A_535 = arith.constant 64 : index
        %swap3A_536 = tpu.vector_load %arg10[%swap3A_534, %swap3A_535] {strides = array<i32>} : memref<128x128xf32, #tpu.memory_space<vmem>>, vector<1x16xf32>,
        %swap3A_537 = vector.shape_cast %swap3A_536 : vector<1x16xf32> to vector<16xf32>
        %swap3A_538 = vector.shape_cast %mul3A_533 : vector<16xf32> to vector<1x16xf32>
        tpu.vector_store %arg10[%swap3A_534, %swap3A_535], %swap3A_538 {strides = array<i32>} : memref<128x128xf32, #tpu.memory_space<vmem>>, vector<1x16xf32>,
        %get3A_539 = arith.index_cast %add3A_488 : i32 to index
        %get3A_540 = arith.constant 80 : index
        %get3A_541 = tpu.vector_load %arg10[%get3A_539, %get3A_540] {strides = array<i32>} : memref<128x128xf32, #tpu.memory_space<vmem>>, vector<1x16xf32>,
        %get3A_542 = vector.shape_cast %get3A_541 : vector<1x16xf32> to vector<16xf32>
        %mul3A_543 = arith.mulf %get3A_542, %gather3A_484 : vector<16xf32>
        %swap3A_544 = arith.index_cast %add3A_488 : i32 to index
        %swap3A_545 = arith.constant 80 : index
        %swap3A_546 = tpu.vector_load %arg10[%swap3A_544, %swap3A_545] {strides = array<i32>} : memref<128x128xf32, #tpu.memory_space<vmem>>, vector<1x16xf32>,
        %swap3A_547 = vector.shape_cast %swap3A_546 : vector<1x16xf32> to vector<16xf32>
        %swap3A_548 = vector.shape_cast %mul3A_543 : vector<16xf32> to vector<1x16xf32>
        tpu.vector_store %arg10[%swap3A_544, %swap3A_545], %swap3A_548 {strides = array<i32>} : memref<128x128xf32, #tpu.memory_space<vmem>>, vector<1x16xf32>,
        %get3A_549 = arith.index_cast %add3A_488 : i32 to index
        %get3A_550 = arith.constant 96 : index
        %get3A_551 = tpu.vector_load %arg10[%get3A_549, %get3A_550] {strides = array<i32>} : memref<128x128xf32, #tpu.memory_space<vmem>>, vector<1x16xf32>,
        %get3A_552 = vector.shape_cast %get3A_551 : vector<1x16xf32> to vector<16xf32>
        %mul3A_553 = arith.mulf %get3A_552, %gather3A_484 : vector<16xf32>
        %swap3A_554 = arith.index_cast %add3A_488 : i32 to index
        %swap3A_555 = arith.constant 96 : index
        %swap3A_556 = tpu.vector_load %arg10[%swap3A_554, %swap3A_555] {strides = array<i32>} : memref<128x128xf32, #tpu.memory_space<vmem>>, vector<1x16xf32>,
        %swap3A_557 = vector.shape_cast %swap3A_556 : vector<1x16xf32> to vector<16xf32>
        %swap3A_558 = vector.shape_cast %mul3A_553 : vector<16xf32> to vector<1x16xf32>
        tpu.vector_store %arg10[%swap3A_554, %swap3A_555], %swap3A_558 {strides = array<i32>} : memref<128x128xf32, #tpu.memory_space<vmem>>, vector<1x16xf32>,
        %get3A_559 = arith.index_cast %add3A_488 : i32 to index
        %get3A_560 = arith.constant 112 : index
        %get3A_561 = tpu.vector_load %arg10[%get3A_559, %get3A_560] {strides = array<i32>} : memref<128x128xf32, #tpu.memory_space<vmem>>, vector<1x16xf32>,
        %get3A_562 = vector.shape_cast %get3A_561 : vector<1x16xf32> to vector<16xf32>
        %mul3A_563 = arith.mulf %get3A_562, %gather3A_484 : vector<16xf32>
        %swap3A_564 = arith.index_cast %add3A_488 : i32 to index
        %swap3A_565 = arith.constant 112 : index
        %swap3A_566 = tpu.vector_load %arg10[%swap3A_564, %swap3A_565] {strides = array<i32>} : memref<128x128xf32, #tpu.memory_space<vmem>>, vector<1x16xf32>,
        %swap3A_567 = vector.shape_cast %swap3A_566 : vector<1x16xf32> to vector<16xf32>
        %swap3A_568 = vector.shape_cast %mul3A_563 : vector<16xf32> to vector<1x16xf32>
        tpu.vector_store %arg10[%swap3A_564, %swap3A_565], %swap3A_568 {strides = array<i32>} : memref<128x128xf32, #tpu.memory_space<vmem>>, vector<1x16xf32>,
        %broadcast_in_dim3A_569 = arith.constant 6 : i32
        %broadcast_in_dim3A_570 = vector.broadcast %broadcast_in_dim3A_569 : i32 to vector<16x1xi32>
        %gather3A_571 = vector.shape_cast %broadcast_in_dim3A_570 : vector<16x1xi32> to vector<16xi32>
        %gather3A_572 = tpu.dynamic_gather %get3A_43[%gather3A_571] in [0] : vector<16xf32>, vector<16xi32> -> vector<16xf32>
        %mul3A_573 = arith.constant 16 : i32
        %mul3A_574 = arith.muli %scan3A_39, %mul3A_573 : i32
        %add3A_575 = arith.constant 6 : i32
        %add3A_576 = arith.addi %mul3A_574, %add3A_575 : i32
        %get3A_577 = arith.index_cast %add3A_576 : i32 to index
        %get3A_578 = arith.constant 0 : index
        %get3A_579 = tpu.vector_load %arg10[%get3A_577, %get3A_578] {strides = array<i32>} : memref<128x128xf32, #tpu.memory_space<vmem>>, vector<1x16xf32>,
        %get3A_580 = vector.shape_cast %get3A_579 : vector<1x16xf32> to vector<16xf32>
        %mul3A_581 = arith.mulf %get3A_580, %gather3A_572 : vector<16xf32>
        %swap3A_582 = arith.index_cast %add3A_576 : i32 to index
        %swap3A_583 = arith.constant 0 : index
        %swap3A_584 = tpu.vector_load %arg10[%swap3A_582, %swap3A_583] {strides = array<i32>} : memref<128x128xf32, #tpu.memory_space<vmem>>, vector<1x16xf32>,
        %swap3A_585 = vector.shape_cast %swap3A_584 : vector<1x16xf32> to vector<16xf32>
        %swap3A_586 = vector.shape_cast %mul3A_581 : vector<16xf32> to vector<1x16xf32>
        tpu.vector_store %arg10[%swap3A_582, %swap3A_583], %swap3A_586 {strides = array<i32>} : memref<128x128xf32, #tpu.memory_space<vmem>>, vector<1x16xf32>,
        %get3A_587 = arith.index_cast %add3A_576 : i32 to index
        %get3A_588 = arith.constant 16 : index
        %get3A_589 = tpu.vector_load %arg10[%get3A_587, %get3A_588] {strides = array<i32>} : memref<128x128xf32, #tpu.memory_space<vmem>>, vector<1x16xf32>,
        %get3A_590 = vector.shape_cast %get3A_589 : vector<1x16xf32> to vector<16xf32>
        %mul3A_591 = arith.mulf %get3A_590, %gather3A_572 : vector<16xf32>
        %swap3A_592 = arith.index_cast %add3A_576 : i32 to index
        %swap3A_593 = arith.constant 16 : index
        %swap3A_594 = tpu.vector_load %arg10[%swap3A_592, %swap3A_593] {strides = array<i32>} : memref<128x128xf32, #tpu.memory_space<vmem>>, vector<1x16xf32>,
        %swap3A_595 = vector.shape_cast %swap3A_594 : vector<1x16xf32> to vector<16xf32>
        %swap3A_596 = vector.shape_cast %mul3A_591 : vector<16xf32> to vector<1x16xf32>
        tpu.vector_store %arg10[%swap3A_592, %swap3A_593], %swap3A_596 {strides = array<i32>} : memref<128x128xf32, #tpu.memory_space<vmem>>, vector<1x16xf32>,
        %get3A_597 = arith.index_cast %add3A_576 : i32 to index
        %get3A_598 = arith.constant 32 : index
        %get3A_599 = tpu.vector_load %arg10[%get3A_597, %get3A_598] {strides = array<i32>} : memref<128x128xf32, #tpu.memory_space<vmem>>, vector<1x16xf32>,
        %get3A_600 = vector.shape_cast %get3A_599 : vector<1x16xf32> to vector<16xf32>
        %mul3A_601 = arith.mulf %get3A_600, %gather3A_572 : vector<16xf32>
        %swap3A_602 = arith.index_cast %add3A_576 : i32 to index
        %swap3A_603 = arith.constant 32 : index
        %swap3A_604 = tpu.vector_load %arg10[%swap3A_602, %swap3A_603] {strides = array<i32>} : memref<128x128xf32, #tpu.memory_space<vmem>>, vector<1x16xf32>,
        %swap3A_605 = vector.shape_cast %swap3A_604 : vector<1x16xf32> to vector<16xf32>
        %swap3A_606 = vector.shape_cast %mul3A_601 : vector<16xf32> to vector<1x16xf32>
        tpu.vector_store %arg10[%swap3A_602, %swap3A_603], %swap3A_606 {strides = array<i32>} : memref<128x128xf32, #tpu.memory_space<vmem>>, vector<1x16xf32>,
        %get3A_607 = arith.index_cast %add3A_576 : i32 to index
        %get3A_608 = arith.constant 48 : index
        %get3A_609 = tpu.vector_load %arg10[%get3A_607, %get3A_608] {strides = array<i32>} : memref<128x128xf32, #tpu.memory_space<vmem>>, vector<1x16xf32>,
        %get3A_610 = vector.shape_cast %get3A_609 : vector<1x16xf32> to vector<16xf32>
        %mul3A_611 = arith.mulf %get3A_610, %gather3A_572 : vector<16xf32>
        %swap3A_612 = arith.index_cast %add3A_576 : i32 to index
        %swap3A_613 = arith.constant 48 : index
        %swap3A_614 = tpu.vector_load %arg10[%swap3A_612, %swap3A_613] {strides = array<i32>} : memref<128x128xf32, #tpu.memory_space<vmem>>, vector<1x16xf32>,
        %swap3A_615 = vector.shape_cast %swap3A_614 : vector<1x16xf32> to vector<16xf32>
        %swap3A_616 = vector.shape_cast %mul3A_611 : vector<16xf32> to vector<1x16xf32>
        tpu.vector_store %arg10[%swap3A_612, %swap3A_613], %swap3A_616 {strides = array<i32>} : memref<128x128xf32, #tpu.memory_space<vmem>>, vector<1x16xf32>,
        %get3A_617 = arith.index_cast %add3A_576 : i32 to index
        %get3A_618 = arith.constant 64 : index
        %get3A_619 = tpu.vector_load %arg10[%get3A_617, %get3A_618] {strides = array<i32>} : memref<128x128xf32, #tpu.memory_space<vmem>>, vector<1x16xf32>,
        %get3A_620 = vector.shape_cast %get3A_619 : vector<1x16xf32> to vector<16xf32>
        %mul3A_621 = arith.mulf %get3A_620, %gather3A_572 : vector<16xf32>
        %swap3A_622 = arith.index_cast %add3A_576 : i32 to index
        %swap3A_623 = arith.constant 64 : index
        %swap3A_624 = tpu.vector_load %arg10[%swap3A_622, %swap3A_623] {strides = array<i32>} : memref<128x128xf32, #tpu.memory_space<vmem>>, vector<1x16xf32>,
        %swap3A_625 = vector.shape_cast %swap3A_624 : vector<1x16xf32> to vector<16xf32>
        %swap3A_626 = vector.shape_cast %mul3A_621 : vector<16xf32> to vector<1x16xf32>
        tpu.vector_store %arg10[%swap3A_622, %swap3A_623], %swap3A_626 {strides = array<i32>} : memref<128x128xf32, #tpu.memory_space<vmem>>, vector<1x16xf32>,
        %get3A_627 = arith.index_cast %add3A_576 : i32 to index
        %get3A_628 = arith.constant 80 : index
        %get3A_629 = tpu.vector_load %arg10[%get3A_627, %get3A_628] {strides = array<i32>} : memref<128x128xf32, #tpu.memory_space<vmem>>, vector<1x16xf32>,
        %get3A_630 = vector.shape_cast %get3A_629 : vector<1x16xf32> to vector<16xf32>
        %mul3A_631 = arith.mulf %get3A_630, %gather3A_572 : vector<16xf32>
        %swap3A_632 = arith.index_cast %add3A_576 : i32 to index
        %swap3A_633 = arith.constant 80 : index
        %swap3A_634 = tpu.vector_load %arg10[%swap3A_632, %swap3A_633] {strides = array<i32>} : memref<128x128xf32, #tpu.memory_space<vmem>>, vector<1x16xf32>,
        %swap3A_635 = vector.shape_cast %swap3A_634 : vector<1x16xf32> to vector<16xf32>
        %swap3A_636 = vector.shape_cast %mul3A_631 : vector<16xf32> to vector<1x16xf32>
        tpu.vector_store %arg10[%swap3A_632, %swap3A_633], %swap3A_636 {strides = array<i32>} : memref<128x128xf32, #tpu.memory_space<vmem>>, vector<1x16xf32>,
        %get3A_637 = arith.index_cast %add3A_576 : i32 to index
        %get3A_638 = arith.constant 96 : index
        %get3A_639 = tpu.vector_load %arg10[%get3A_637, %get3A_638] {strides = array<i32>} : memref<128x128xf32, #tpu.memory_space<vmem>>, vector<1x16xf32>,
        %get3A_640 = vector.shape_cast %get3A_639 : vector<1x16xf32> to vector<16xf32>
        %mul3A_641 = arith.mulf %get3A_640, %gather3A_572 : vector<16xf32>
        %swap3A_642 = arith.index_cast %add3A_576 : i32 to index
        %swap3A_643 = arith.constant 96 : index
        %swap3A_644 = tpu.vector_load %arg10[%swap3A_642, %swap3A_643] {strides = array<i32>} : memref<128x128xf32, #tpu.memory_space<vmem>>, vector<1x16xf32>,
        %swap3A_645 = vector.shape_cast %swap3A_644 : vector<1x16xf32> to vector<16xf32>
        %swap3A_646 = vector.shape_cast %mul3A_641 : vector<16xf32> to vector<1x16xf32>
        tpu.vector_store %arg10[%swap3A_642, %swap3A_643], %swap3A_646 {strides = array<i32>} : memref<128x128xf32, #tpu.memory_space<vmem>>, vector<1x16xf32>,
        %get3A_647 = arith.index_cast %add3A_576 : i32 to index
        %get3A_648 = arith.constant 112 : index
        %get3A_649 = tpu.vector_load %arg10[%get3A_647, %get3A_648] {strides = array<i32>} : memref<128x128xf32, #tpu.memory_space<vmem>>, vector<1x16xf32>,
        %get3A_650 = vector.shape_cast %get3A_649 : vector<1x16xf32> to vector<16xf32>
        %mul3A_651 = arith.mulf %get3A_650, %gather3A_572 : vector<16xf32>
        %swap3A_652 = arith.index_cast %add3A_576 : i32 to index
        %swap3A_653 = arith.constant 112 : index
        %swap3A_654 = tpu.vector_load %arg10[%swap3A_652, %swap3A_653] {strides = array<i32>} : memref<128x128xf32, #tpu.memory_space<vmem>>, vector<1x16xf32>,
        %swap3A_655 = vector.shape_cast %swap3A_654 : vector<1x16xf32> to vector<16xf32>
        %swap3A_656 = vector.shape_cast %mul3A_651 : vector<16xf32> to vector<1x16xf32>
        tpu.vector_store %arg10[%swap3A_652, %swap3A_653], %swap3A_656 {strides = array<i32>} : memref<128x128xf32, #tpu.memory_space<vmem>>, vector<1x16xf32>,
        %broadcast_in_dim3A_657 = arith.constant 7 : i32
        %broadcast_in_dim3A_658 = vector.broadcast %broadcast_in_dim3A_657 : i32 to vector<16x1xi32>
        %gather3A_659 = vector.shape_cast %broadcast_in_dim3A_658 : vector<16x1xi32> to vector<16xi32>
        %gather3A_660 = tpu.dynamic_gather %get3A_43[%gather3A_659] in [0] : vector<16xf32>, vector<16xi32> -> vector<16xf32>
        %mul3A_661 = arith.constant 16 : i32
        %mul3A_662 = arith.muli %scan3A_39, %mul3A_661 : i32
        %add3A_663 = arith.constant 7 : i32
        %add3A_664 = arith.addi %mul3A_662, %add3A_663 : i32
        %get3A_665 = arith.index_cast %add3A_664 : i32 to index
        %get3A_666 = arith.constant 0 : index
        %get3A_667 = tpu.vector_load %arg10[%get3A_665, %get3A_666] {strides = array<i32>} : memref<128x128xf32, #tpu.memory_space<vmem>>, vector<1x16xf32>,
        %get3A_668 = vector.shape_cast %get3A_667 : vector<1x16xf32> to vector<16xf32>
        %mul3A_669 = arith.mulf %get3A_668, %gather3A_660 : vector<16xf32>
        %swap3A_670 = arith.index_cast %add3A_664 : i32 to index
        %swap3A_671 = arith.constant 0 : index
        %swap3A_672 = tpu.vector_load %arg10[%swap3A_670, %swap3A_671] {strides = array<i32>} : memref<128x128xf32, #tpu.memory_space<vmem>>, vector<1x16xf32>,
        %swap3A_673 = vector.shape_cast %swap3A_672 : vector<1x16xf32> to vector<16xf32>
        %swap3A_674 = vector.shape_cast %mul3A_669 : vector<16xf32> to vector<1x16xf32>
        tpu.vector_store %arg10[%swap3A_670, %swap3A_671], %swap3A_674 {strides = array<i32>} : memref<128x128xf32, #tpu.memory_space<vmem>>, vector<1x16xf32>,
        %get3A_675 = arith.index_cast %add3A_664 : i32 to index
        %get3A_676 = arith.constant 16 : index
        %get3A_677 = tpu.vector_load %arg10[%get3A_675, %get3A_676] {strides = array<i32>} : memref<128x128xf32, #tpu.memory_space<vmem>>, vector<1x16xf32>,
        %get3A_678 = vector.shape_cast %get3A_677 : vector<1x16xf32> to vector<16xf32>
        %mul3A_679 = arith.mulf %get3A_678, %gather3A_660 : vector<16xf32>
        %swap3A_680 = arith.index_cast %add3A_664 : i32 to index
        %swap3A_681 = arith.constant 16 : index
        %swap3A_682 = tpu.vector_load %arg10[%swap3A_680, %swap3A_681] {strides = array<i32>} : memref<128x128xf32, #tpu.memory_space<vmem>>, vector<1x16xf32>,
        %swap3A_683 = vector.shape_cast %swap3A_682 : vector<1x16xf32> to vector<16xf32>
        %swap3A_684 = vector.shape_cast %mul3A_679 : vector<16xf32> to vector<1x16xf32>
        tpu.vector_store %arg10[%swap3A_680, %swap3A_681], %swap3A_684 {strides = array<i32>} : memref<128x128xf32, #tpu.memory_space<vmem>>, vector<1x16xf32>,
        %get3A_685 = arith.index_cast %add3A_664 : i32 to index
        %get3A_686 = arith.constant 32 : index
        %get3A_687 = tpu.vector_load %arg10[%get3A_685, %get3A_686] {strides = array<i32>} : memref<128x128xf32, #tpu.memory_space<vmem>>, vector<1x16xf32>,
        %get3A_688 = vector.shape_cast %get3A_687 : vector<1x16xf32> to vector<16xf32>
        %mul3A_689 = arith.mulf %get3A_688, %gather3A_660 : vector<16xf32>
        %swap3A_690 = arith.index_cast %add3A_664 : i32 to index
        %swap3A_691 = arith.constant 32 : index
        %swap3A_692 = tpu.vector_load %arg10[%swap3A_690, %swap3A_691] {strides = array<i32>} : memref<128x128xf32, #tpu.memory_space<vmem>>, vector<1x16xf32>,
        %swap3A_693 = vector.shape_cast %swap3A_692 : vector<1x16xf32> to vector<16xf32>
        %swap3A_694 = vector.shape_cast %mul3A_689 : vector<16xf32> to vector<1x16xf32>
        tpu.vector_store %arg10[%swap3A_690, %swap3A_691], %swap3A_694 {strides = array<i32>} : memref<128x128xf32, #tpu.memory_space<vmem>>, vector<1x16xf32>,
        %get3A_695 = arith.index_cast %add3A_664 : i32 to index
        %get3A_696 = arith.constant 48 : index
        %get3A_697 = tpu.vector_load %arg10[%get3A_695, %get3A_696] {strides = array<i32>} : memref<128x128xf32, #tpu.memory_space<vmem>>, vector<1x16xf32>,
        %get3A_698 = vector.shape_cast %get3A_697 : vector<1x16xf32> to vector<16xf32>
        %mul3A_699 = arith.mulf %get3A_698, %gather3A_660 : vector<16xf32>
        %swap3A_700 = arith.index_cast %add3A_664 : i32 to index
        %swap3A_701 = arith.constant 48 : index
        %swap3A_702 = tpu.vector_load %arg10[%swap3A_700, %swap3A_701] {strides = array<i32>} : memref<128x128xf32, #tpu.memory_space<vmem>>, vector<1x16xf32>,
        %swap3A_703 = vector.shape_cast %swap3A_702 : vector<1x16xf32> to vector<16xf32>
        %swap3A_704 = vector.shape_cast %mul3A_699 : vector<16xf32> to vector<1x16xf32>
        tpu.vector_store %arg10[%swap3A_700, %swap3A_701], %swap3A_704 {strides = array<i32>} : memref<128x128xf32, #tpu.memory_space<vmem>>, vector<1x16xf32>,
        %get3A_705 = arith.index_cast %add3A_664 : i32 to index
        %get3A_706 = arith.constant 64 : index
        %get3A_707 = tpu.vector_load %arg10[%get3A_705, %get3A_706] {strides = array<i32>} : memref<128x128xf32, #tpu.memory_space<vmem>>, vector<1x16xf32>,
        %get3A_708 = vector.shape_cast %get3A_707 : vector<1x16xf32> to vector<16xf32>
        %mul3A_709 = arith.mulf %get3A_708, %gather3A_660 : vector<16xf32>
        %swap3A_710 = arith.index_cast %add3A_664 : i32 to index
        %swap3A_711 = arith.constant 64 : index
        %swap3A_712 = tpu.vector_load %arg10[%swap3A_710, %swap3A_711] {strides = array<i32>} : memref<128x128xf32, #tpu.memory_space<vmem>>, vector<1x16xf32>,
        %swap3A_713 = vector.shape_cast %swap3A_712 : vector<1x16xf32> to vector<16xf32>
        %swap3A_714 = vector.shape_cast %mul3A_709 : vector<16xf32> to vector<1x16xf32>
        tpu.vector_store %arg10[%swap3A_710, %swap3A_711], %swap3A_714 {strides = array<i32>} : memref<128x128xf32, #tpu.memory_space<vmem>>, vector<1x16xf32>,
        %get3A_715 = arith.index_cast %add3A_664 : i32 to index
        %get3A_716 = arith.constant 80 : index
        %get3A_717 = tpu.vector_load %arg10[%get3A_715, %get3A_716] {strides = array<i32>} : memref<128x128xf32, #tpu.memory_space<vmem>>, vector<1x16xf32>,
        %get3A_718 = vector.shape_cast %get3A_717 : vector<1x16xf32> to vector<16xf32>
        %mul3A_719 = arith.mulf %get3A_718, %gather3A_660 : vector<16xf32>
        %swap3A_720 = arith.index_cast %add3A_664 : i32 to index
        %swap3A_721 = arith.constant 80 : index
        %swap3A_722 = tpu.vector_load %arg10[%swap3A_720, %swap3A_721] {strides = array<i32>} : memref<128x128xf32, #tpu.memory_space<vmem>>, vector<1x16xf32>,
        %swap3A_723 = vector.shape_cast %swap3A_722 : vector<1x16xf32> to vector<16xf32>
        %swap3A_724 = vector.shape_cast %mul3A_719 : vector<16xf32> to vector<1x16xf32>
        tpu.vector_store %arg10[%swap3A_720, %swap3A_721], %swap3A_724 {strides = array<i32>} : memref<128x128xf32, #tpu.memory_space<vmem>>, vector<1x16xf32>,
        %get3A_725 = arith.index_cast %add3A_664 : i32 to index
        %get3A_726 = arith.constant 96 : index
        %get3A_727 = tpu.vector_load %arg10[%get3A_725, %get3A_726] {strides = array<i32>} : memref<128x128xf32, #tpu.memory_space<vmem>>, vector<1x16xf32>,
        %get3A_728 = vector.shape_cast %get3A_727 : vector<1x16xf32> to vector<16xf32>
        %mul3A_729 = arith.mulf %get3A_728, %gather3A_660 : vector<16xf32>
        %swap3A_730 = arith.index_cast %add3A_664 : i32 to index
        %swap3A_731 = arith.constant 96 : index
        %swap3A_732 = tpu.vector_load %arg10[%swap3A_730, %swap3A_731] {strides = array<i32>} : memref<128x128xf32, #tpu.memory_space<vmem>>, vector<1x16xf32>,
        %swap3A_733 = vector.shape_cast %swap3A_732 : vector<1x16xf32> to vector<16xf32>
        %swap3A_734 = vector.shape_cast %mul3A_729 : vector<16xf32> to vector<1x16xf32>
        tpu.vector_store %arg10[%swap3A_730, %swap3A_731], %swap3A_734 {strides = array<i32>} : memref<128x128xf32, #tpu.memory_space<vmem>>, vector<1x16xf32>,
        %get3A_735 = arith.index_cast %add3A_664 : i32 to index
        %get3A_736 = arith.constant 112 : index
        %get3A_737 = tpu.vector_load %arg10[%get3A_735, %get3A_736] {strides = array<i32>} : memref<128x128xf32, #tpu.memory_space<vmem>>, vector<1x16xf32>,
        %get3A_738 = vector.shape_cast %get3A_737 : vector<1x16xf32> to vector<16xf32>
        %mul3A_739 = arith.mulf %get3A_738, %gather3A_660 : vector<16xf32>
        %swap3A_740 = arith.index_cast %add3A_664 : i32 to index
        %swap3A_741 = arith.constant 112 : index
        %swap3A_742 = tpu.vector_load %arg10[%swap3A_740, %swap3A_741] {strides = array<i32>} : memref<128x128xf32, #tpu.memory_space<vmem>>, vector<1x16xf32>,
        %swap3A_743 = vector.shape_cast %swap3A_742 : vector<1x16xf32> to vector<16xf32>
        %swap3A_744 = vector.shape_cast %mul3A_739 : vector<16xf32> to vector<1x16xf32>
        tpu.vector_store %arg10[%swap3A_740, %swap3A_741], %swap3A_744 {strides = array<i32>} : memref<128x128xf32, #tpu.memory_space<vmem>>, vector<1x16xf32>,
        %broadcast_in_dim3A_745 = arith.constant 8 : i32
        %broadcast_in_dim3A_746 = vector.broadcast %broadcast_in_dim3A_745 : i32 to vector<16x1xi32>
        %gather3A_747 = vector.shape_cast %broadcast_in_dim3A_746 : vector<16x1xi32> to vector<16xi32>
        %gather3A_748 = tpu.dynamic_gather %get3A_43[%gather3A_747] in [0] : vector<16xf32>, vector<16xi32> -> vector<16xf32>
        %mul3A_749 = arith.constant 16 : i32
        %mul3A_750 = arith.muli %scan3A_39, %mul3A_749 : i32
        %add3A_751 = arith.constant 8 : i32
        %add3A_752 = arith.addi %mul3A_750, %add3A_751 : i32
        %get3A_753 = arith.index_cast %add3A_752 : i32 to index
        %get3A_754 = arith.constant 0 : index
        %get3A_755 = tpu.vector_load %arg10[%get3A_753, %get3A_754] {strides = array<i32>} : memref<128x128xf32, #tpu.memory_space<vmem>>, vector<1x16xf32>,
        %get3A_756 = vector.shape_cast %get3A_755 : vector<1x16xf32> to vector<16xf32>
        %mul3A_757 = arith.mulf %get3A_756, %gather3A_748 : vector<16xf32>
        %swap3A_758 = arith.index_cast %add3A_752 : i32 to index
        %swap3A_759 = arith.constant 0 : index
        %swap3A_760 = tpu.vector_load %arg10[%swap3A_758, %swap3A_759] {strides = array<i32>} : memref<128x128xf32, #tpu.memory_space<vmem>>, vector<1x16xf32>,
        %swap3A_761 = vector.shape_cast %swap3A_760 : vector<1x16xf32> to vector<16xf32>
        %swap3A_762 = vector.shape_cast %mul3A_757 : vector<16xf32> to vector<1x16xf32>
        tpu.vector_store %arg10[%swap3A_758, %swap3A_759], %swap3A_762 {strides = array<i32>} : memref<128x128xf32, #tpu.memory_space<vmem>>, vector<1x16xf32>,
        %get3A_763 = arith.index_cast %add3A_752 : i32 to index
        %get3A_764 = arith.constant 16 : index
        %get3A_765 = tpu.vector_load %arg10[%get3A_763, %get3A_764] {strides = array<i32>} : memref<128x128xf32, #tpu.memory_space<vmem>>, vector<1x16xf32>,
        %get3A_766 = vector.shape_cast %get3A_765 : vector<1x16xf32> to vector<16xf32>
        %mul3A_767 = arith.mulf %get3A_766, %gather3A_748 : vector<16xf32>
        %swap3A_768 = arith.index_cast %add3A_752 : i32 to index
        %swap3A_769 = arith.constant 16 : index
        %swap3A_770 = tpu.vector_load %arg10[%swap3A_768, %swap3A_769] {strides = array<i32>} : memref<128x128xf32, #tpu.memory_space<vmem>>, vector<1x16xf32>,
        %swap3A_771 = vector.shape_cast %swap3A_770 : vector<1x16xf32> to vector<16xf32>
        %swap3A_772 = vector.shape_cast %mul3A_767 : vector<16xf32> to vector<1x16xf32>
        tpu.vector_store %arg10[%swap3A_768, %swap3A_769], %swap3A_772 {strides = array<i32>} : memref<128x128xf32, #tpu.memory_space<vmem>>, vector<1x16xf32>,
        %get3A_773 = arith.index_cast %add3A_752 : i32 to index
        %get3A_774 = arith.constant 32 : index
        %get3A_775 = tpu.vector_load %arg10[%get3A_773, %get3A_774] {strides = array<i32>} : memref<128x128xf32, #tpu.memory_space<vmem>>, vector<1x16xf32>,
        %get3A_776 = vector.shape_cast %get3A_775 : vector<1x16xf32> to vector<16xf32>
        %mul3A_777 = arith.mulf %get3A_776, %gather3A_748 : vector<16xf32>
        %swap3A_778 = arith.index_cast %add3A_752 : i32 to index
        %swap3A_779 = arith.constant 32 : index
        %swap3A_780 = tpu.vector_load %arg10[%swap3A_778, %swap3A_779] {strides = array<i32>} : memref<128x128xf32, #tpu.memory_space<vmem>>, vector<1x16xf32>,
        %swap3A_781 = vector.shape_cast %swap3A_780 : vector<1x16xf32> to vector<16xf32>
        %swap3A_782 = vector.shape_cast %mul3A_777 : vector<16xf32> to vector<1x16xf32>
        tpu.vector_store %arg10[%swap3A_778, %swap3A_779], %swap3A_782 {strides = array<i32>} : memref<128x128xf32, #tpu.memory_space<vmem>>, vector<1x16xf32>,
        %get3A_783 = arith.index_cast %add3A_752 : i32 to index
        %get3A_784 = arith.constant 48 : index
        %get3A_785 = tpu.vector_load %arg10[%get3A_783, %get3A_784] {strides = array<i32>} : memref<128x128xf32, #tpu.memory_space<vmem>>, vector<1x16xf32>,
        %get3A_786 = vector.shape_cast %get3A_785 : vector<1x16xf32> to vector<16xf32>
        %mul3A_787 = arith.mulf %get3A_786, %gather3A_748 : vector<16xf32>
        %swap3A_788 = arith.index_cast %add3A_752 : i32 to index
        %swap3A_789 = arith.constant 48 : index
        %swap3A_790 = tpu.vector_load %arg10[%swap3A_788, %swap3A_789] {strides = array<i32>} : memref<128x128xf32, #tpu.memory_space<vmem>>, vector<1x16xf32>,
        %swap3A_791 = vector.shape_cast %swap3A_790 : vector<1x16xf32> to vector<16xf32>
        %swap3A_792 = vector.shape_cast %mul3A_787 : vector<16xf32> to vector<1x16xf32>
        tpu.vector_store %arg10[%swap3A_788, %swap3A_789], %swap3A_792 {strides = array<i32>} : memref<128x128xf32, #tpu.memory_space<vmem>>, vector<1x16xf32>,
        %get3A_793 = arith.index_cast %add3A_752 : i32 to index
        %get3A_794 = arith.constant 64 : index
        %get3A_795 = tpu.vector_load %arg10[%get3A_793, %get3A_794] {strides = array<i32>} : memref<128x128xf32, #tpu.memory_space<vmem>>, vector<1x16xf32>,
        %get3A_796 = vector.shape_cast %get3A_795 : vector<1x16xf32> to vector<16xf32>
        %mul3A_797 = arith.mulf %get3A_796, %gather3A_748 : vector<16xf32>
        %swap3A_798 = arith.index_cast %add3A_752 : i32 to index
        %swap3A_799 = arith.constant 64 : index
        %swap3A_800 = tpu.vector_load %arg10[%swap3A_798, %swap3A_799] {strides = array<i32>} : memref<128x128xf32, #tpu.memory_space<vmem>>, vector<1x16xf32>,
        %swap3A_801 = vector.shape_cast %swap3A_800 : vector<1x16xf32> to vector<16xf32>
        %swap3A_802 = vector.shape_cast %mul3A_797 : vector<16xf32> to vector<1x16xf32>
        tpu.vector_store %arg10[%swap3A_798, %swap3A_799], %swap3A_802 {strides = array<i32>} : memref<128x128xf32, #tpu.memory_space<vmem>>, vector<1x16xf32>,
        %get3A_803 = arith.index_cast %add3A_752 : i32 to index
        %get3A_804 = arith.constant 80 : index
        %get3A_805 = tpu.vector_load %arg10[%get3A_803, %get3A_804] {strides = array<i32>} : memref<128x128xf32, #tpu.memory_space<vmem>>, vector<1x16xf32>,
        %get3A_806 = vector.shape_cast %get3A_805 : vector<1x16xf32> to vector<16xf32>
        %mul3A_807 = arith.mulf %get3A_806, %gather3A_748 : vector<16xf32>
        %swap3A_808 = arith.index_cast %add3A_752 : i32 to index
        %swap3A_809 = arith.constant 80 : index
        %swap3A_810 = tpu.vector_load %arg10[%swap3A_808, %swap3A_809] {strides = array<i32>} : memref<128x128xf32, #tpu.memory_space<vmem>>, vector<1x16xf32>,
        %swap3A_811 = vector.shape_cast %swap3A_810 : vector<1x16xf32> to vector<16xf32>
        %swap3A_812 = vector.shape_cast %mul3A_807 : vector<16xf32> to vector<1x16xf32>
        tpu.vector_store %arg10[%swap3A_808, %swap3A_809], %swap3A_812 {strides = array<i32>} : memref<128x128xf32, #tpu.memory_space<vmem>>, vector<1x16xf32>,
        %get3A_813 = arith.index_cast %add3A_752 : i32 to index
        %get3A_814 = arith.constant 96 : index
        %get3A_815 = tpu.vector_load %arg10[%get3A_813, %get3A_814] {strides = array<i32>} : memref<128x128xf32, #tpu.memory_space<vmem>>, vector<1x16xf32>,
        %get3A_816 = vector.shape_cast %get3A_815 : vector<1x16xf32> to vector<16xf32>
        %mul3A_817 = arith.mulf %get3A_816, %gather3A_748 : vector<16xf32>
        %swap3A_818 = arith.index_cast %add3A_752 : i32 to index
        %swap3A_819 = arith.constant 96 : index
        %swap3A_820 = tpu.vector_load %arg10[%swap3A_818, %swap3A_819] {strides = array<i32>} : memref<128x128xf32, #tpu.memory_space<vmem>>, vector<1x16xf32>,
        %swap3A_821 = vector.shape_cast %swap3A_820 : vector<1x16xf32> to vector<16xf32>
        %swap3A_822 = vector.shape_cast %mul3A_817 : vector<16xf32> to vector<1x16xf32>
        tpu.vector_store %arg10[%swap3A_818, %swap3A_819], %swap3A_822 {strides = array<i32>} : memref<128x128xf32, #tpu.memory_space<vmem>>, vector<1x16xf32>,
        %get3A_823 = arith.index_cast %add3A_752 : i32 to index
        %get3A_824 = arith.constant 112 : index
        %get3A_825 = tpu.vector_load %arg10[%get3A_823, %get3A_824] {strides = array<i32>} : memref<128x128xf32, #tpu.memory_space<vmem>>, vector<1x16xf32>,
        %get3A_826 = vector.shape_cast %get3A_825 : vector<1x16xf32> to vector<16xf32>
        %mul3A_827 = arith.mulf %get3A_826, %gather3A_748 : vector<16xf32>
        %swap3A_828 = arith.index_cast %add3A_752 : i32 to index
        %swap3A_829 = arith.constant 112 : index
        %swap3A_830 = tpu.vector_load %arg10[%swap3A_828, %swap3A_829] {strides = array<i32>} : memref<128x128xf32, #tpu.memory_space<vmem>>, vector<1x16xf32>,
        %swap3A_831 = vector.shape_cast %swap3A_830 : vector<1x16xf32> to vector<16xf32>
        %swap3A_832 = vector.shape_cast %mul3A_827 : vector<16xf32> to vector<1x16xf32>
        tpu.vector_store %arg10[%swap3A_828, %swap3A_829], %swap3A_832 {strides = array<i32>} : memref<128x128xf32, #tpu.memory_space<vmem>>, vector<1x16xf32>,
        %broadcast_in_dim3A_833 = arith.constant 9 : i32
        %broadcast_in_dim3A_834 = vector.broadcast %broadcast_in_dim3A_833 : i32 to vector<16x1xi32>
        %gather3A_835 = vector.shape_cast %broadcast_in_dim3A_834 : vector<16x1xi32> to vector<16xi32>
        %gather3A_836 = tpu.dynamic_gather %get3A_43[%gather3A_835] in [0] : vector<16xf32>, vector<16xi32> -> vector<16xf32>
        %mul3A_837 = arith.constant 16 : i32
        %mul3A_838 = arith.muli %scan3A_39, %mul3A_837 : i32
        %add3A_839 = arith.constant 9 : i32
        %add3A_840 = arith.addi %mul3A_838, %add3A_839 : i32
        %get3A_841 = arith.index_cast %add3A_840 : i32 to index
        %get3A_842 = arith.constant 0 : index
        %get3A_843 = tpu.vector_load %arg10[%get3A_841, %get3A_842] {strides = array<i32>} : memref<128x128xf32, #tpu.memory_space<vmem>>, vector<1x16xf32>,
        %get3A_844 = vector.shape_cast %get3A_843 : vector<1x16xf32> to vector<16xf32>
        %mul3A_845 = arith.mulf %get3A_844, %gather3A_836 : vector<16xf32>
        %swap3A_846 = arith.index_cast %add3A_840 : i32 to index
        %swap3A_847 = arith.constant 0 : index
        %swap3A_848 = tpu.vector_load %arg10[%swap3A_846, %swap3A_847] {strides = array<i32>} : memref<128x128xf32, #tpu.memory_space<vmem>>, vector<1x16xf32>,
        %swap3A_849 = vector.shape_cast %swap3A_848 : vector<1x16xf32> to vector<16xf32>
        %swap3A_850 = vector.shape_cast %mul3A_845 : vector<16xf32> to vector<1x16xf32>
        tpu.vector_store %arg10[%swap3A_846, %swap3A_847], %swap3A_850 {strides = array<i32>} : memref<128x128xf32, #tpu.memory_space<vmem>>, vector<1x16xf32>,
        %get3A_851 = arith.index_cast %add3A_840 : i32 to index
        %get3A_852 = arith.constant 16 : index
        %get3A_853 = tpu.vector_load %arg10[%get3A_851, %get3A_852] {strides = array<i32>} : memref<128x128xf32, #tpu.memory_space<vmem>>, vector<1x16xf32>,
        %get3A_854 = vector.shape_cast %get3A_853 : vector<1x16xf32> to vector<16xf32>
        %mul3A_855 = arith.mulf %get3A_854, %gather3A_836 : vector<16xf32>
        %swap3A_856 = arith.index_cast %add3A_840 : i32 to index
        %swap3A_857 = arith.constant 16 : index
        %swap3A_858 = tpu.vector_load %arg10[%swap3A_856, %swap3A_857] {strides = array<i32>} : memref<128x128xf32, #tpu.memory_space<vmem>>, vector<1x16xf32>,
        %swap3A_859 = vector.shape_cast %swap3A_858 : vector<1x16xf32> to vector<16xf32>
        %swap3A_860 = vector.shape_cast %mul3A_855 : vector<16xf32> to vector<1x16xf32>
        tpu.vector_store %arg10[%swap3A_856, %swap3A_857], %swap3A_860 {strides = array<i32>} : memref<128x128xf32, #tpu.memory_space<vmem>>, vector<1x16xf32>,
        %get3A_861 = arith.index_cast %add3A_840 : i32 to index
        %get3A_862 = arith.constant 32 : index
        %get3A_863 = tpu.vector_load %arg10[%get3A_861, %get3A_862] {strides = array<i32>} : memref<128x128xf32, #tpu.memory_space<vmem>>, vector<1x16xf32>,
        %get3A_864 = vector.shape_cast %get3A_863 : vector<1x16xf32> to vector<16xf32>
        %mul3A_865 = arith.mulf %get3A_864, %gather3A_836 : vector<16xf32>
        %swap3A_866 = arith.index_cast %add3A_840 : i32 to index
        %swap3A_867 = arith.constant 32 : index
        %swap3A_868 = tpu.vector_load %arg10[%swap3A_866, %swap3A_867] {strides = array<i32>} : memref<128x128xf32, #tpu.memory_space<vmem>>, vector<1x16xf32>,
        %swap3A_869 = vector.shape_cast %swap3A_868 : vector<1x16xf32> to vector<16xf32>
        %swap3A_870 = vector.shape_cast %mul3A_865 : vector<16xf32> to vector<1x16xf32>
        tpu.vector_store %arg10[%swap3A_866, %swap3A_867], %swap3A_870 {strides = array<i32>} : memref<128x128xf32, #tpu.memory_space<vmem>>, vector<1x16xf32>,
        %get3A_871 = arith.index_cast %add3A_840 : i32 to index
        %get3A_872 = arith.constant 48 : index
        %get3A_873 = tpu.vector_load %arg10[%get3A_871, %get3A_872] {strides = array<i32>} : memref<128x128xf32, #tpu.memory_space<vmem>>, vector<1x16xf32>,
        %get3A_874 = vector.shape_cast %get3A_873 : vector<1x16xf32> to vector<16xf32>
        %mul3A_875 = arith.mulf %get3A_874, %gather3A_836 : vector<16xf32>
        %swap3A_876 = arith.index_cast %add3A_840 : i32 to index
        %swap3A_877 = arith.constant 48 : index
        %swap3A_878 = tpu.vector_load %arg10[%swap3A_876, %swap3A_877] {strides = array<i32>} : memref<128x128xf32, #tpu.memory_space<vmem>>, vector<1x16xf32>,
        %swap3A_879 = vector.shape_cast %swap3A_878 : vector<1x16xf32> to vector<16xf32>
        %swap3A_880 = vector.shape_cast %mul3A_875 : vector<16xf32> to vector<1x16xf32>
        tpu.vector_store %arg10[%swap3A_876, %swap3A_877], %swap3A_880 {strides = array<i32>} : memref<128x128xf32, #tpu.memory_space<vmem>>, vector<1x16xf32>,
        %get3A_881 = arith.index_cast %add3A_840 : i32 to index
        %get3A_882 = arith.constant 64 : index
        %get3A_883 = tpu.vector_load %arg10[%get3A_881, %get3A_882] {strides = array<i32>} : memref<128x128xf32, #tpu.memory_space<vmem>>, vector<1x16xf32>,
        %get3A_884 = vector.shape_cast %get3A_883 : vector<1x16xf32> to vector<16xf32>
        %mul3A_885 = arith.mulf %get3A_884, %gather3A_836 : vector<16xf32>
        %swap3A_886 = arith.index_cast %add3A_840 : i32 to index
        %swap3A_887 = arith.constant 64 : index
        %swap3A_888 = tpu.vector_load %arg10[%swap3A_886, %swap3A_887] {strides = array<i32>} : memref<128x128xf32, #tpu.memory_space<vmem>>, vector<1x16xf32>,
        %swap3A_889 = vector.shape_cast %swap3A_888 : vector<1x16xf32> to vector<16xf32>
        %swap3A_890 = vector.shape_cast %mul3A_885 : vector<16xf32> to vector<1x16xf32>
        tpu.vector_store %arg10[%swap3A_886, %swap3A_887], %swap3A_890 {strides = array<i32>} : memref<128x128xf32, #tpu.memory_space<vmem>>, vector<1x16xf32>,
        %get3A_891 = arith.index_cast %add3A_840 : i32 to index
        %get3A_892 = arith.constant 80 : index
        %get3A_893 = tpu.vector_load %arg10[%get3A_891, %get3A_892] {strides = array<i32>} : memref<128x128xf32, #tpu.memory_space<vmem>>, vector<1x16xf32>,
        %get3A_894 = vector.shape_cast %get3A_893 : vector<1x16xf32> to vector<16xf32>
        %mul3A_895 = arith.mulf %get3A_894, %gather3A_836 : vector<16xf32>
        %swap3A_896 = arith.index_cast %add3A_840 : i32 to index
        %swap3A_897 = arith.constant 80 : index
        %swap3A_898 = tpu.vector_load %arg10[%swap3A_896, %swap3A_897] {strides = array<i32>} : memref<128x128xf32, #tpu.memory_space<vmem>>, vector<1x16xf32>,
        %swap3A_899 = vector.shape_cast %swap3A_898 : vector<1x16xf32> to vector<16xf32>
        %swap3A_900 = vector.shape_cast %mul3A_895 : vector<16xf32> to vector<1x16xf32>
        tpu.vector_store %arg10[%swap3A_896, %swap3A_897], %swap3A_900 {strides = array<i32>} : memref<128x128xf32, #tpu.memory_space<vmem>>, vector<1x16xf32>,
        %get3A_901 = arith.index_cast %add3A_840 : i32 to index
        %get3A_902 = arith.constant 96 : index
        %get3A_903 = tpu.vector_load %arg10[%get3A_901, %get3A_902] {strides = array<i32>} : memref<128x128xf32, #tpu.memory_space<vmem>>, vector<1x16xf32>,
        %get3A_904 = vector.shape_cast %get3A_903 : vector<1x16xf32> to vector<16xf32>
        %mul3A_905 = arith.mulf %get3A_904, %gather3A_836 : vector<16xf32>
        %swap3A_906 = arith.index_cast %add3A_840 : i32 to index
        %swap3A_907 = arith.constant 96 : index
        %swap3A_908 = tpu.vector_load %arg10[%swap3A_906, %swap3A_907] {strides = array<i32>} : memref<128x128xf32, #tpu.memory_space<vmem>>, vector<1x16xf32>,
        %swap3A_909 = vector.shape_cast %swap3A_908 : vector<1x16xf32> to vector<16xf32>
        %swap3A_910 = vector.shape_cast %mul3A_905 : vector<16xf32> to vector<1x16xf32>
        tpu.vector_store %arg10[%swap3A_906, %swap3A_907], %swap3A_910 {strides = array<i32>} : memref<128x128xf32, #tpu.memory_space<vmem>>, vector<1x16xf32>,
        %get3A_911 = arith.index_cast %add3A_840 : i32 to index
        %get3A_912 = arith.constant 112 : index
        %get3A_913 = tpu.vector_load %arg10[%get3A_911, %get3A_912] {strides = array<i32>} : memref<128x128xf32, #tpu.memory_space<vmem>>, vector<1x16xf32>,
        %get3A_914 = vector.shape_cast %get3A_913 : vector<1x16xf32> to vector<16xf32>
        %mul3A_915 = arith.mulf %get3A_914, %gather3A_836 : vector<16xf32>
        %swap3A_916 = arith.index_cast %add3A_840 : i32 to index
        %swap3A_917 = arith.constant 112 : index
        %swap3A_918 = tpu.vector_load %arg10[%swap3A_916, %swap3A_917] {strides = array<i32>} : memref<128x128xf32, #tpu.memory_space<vmem>>, vector<1x16xf32>,
        %swap3A_919 = vector.shape_cast %swap3A_918 : vector<1x16xf32> to vector<16xf32>
        %swap3A_920 = vector.shape_cast %mul3A_915 : vector<16xf32> to vector<1x16xf32>
        tpu.vector_store %arg10[%swap3A_916, %swap3A_917], %swap3A_920 {strides = array<i32>} : memref<128x128xf32, #tpu.memory_space<vmem>>, vector<1x16xf32>,
        %broadcast_in_dim3A_921 = arith.constant 10 : i32
        %broadcast_in_dim3A_922 = vector.broadcast %broadcast_in_dim3A_921 : i32 to vector<16x1xi32>
        %gather3A_923 = vector.shape_cast %broadcast_in_dim3A_922 : vector<16x1xi32> to vector<16xi32>
        %gather3A_924 = tpu.dynamic_gather %get3A_43[%gather3A_923] in [0] : vector<16xf32>, vector<16xi32> -> vector<16xf32>
        %mul3A_925 = arith.constant 16 : i32
        %mul3A_926 = arith.muli %scan3A_39, %mul3A_925 : i32
        %add3A_927 = arith.constant 10 : i32
        %add3A_928 = arith.addi %mul3A_926, %add3A_927 : i32
        %get3A_929 = arith.index_cast %add3A_928 : i32 to index
        %get3A_930 = arith.constant 0 : index
        %get3A_931 = tpu.vector_load %arg10[%get3A_929, %get3A_930] {strides = array<i32>} : memref<128x128xf32, #tpu.memory_space<vmem>>, vector<1x16xf32>,
        %get3A_932 = vector.shape_cast %get3A_931 : vector<1x16xf32> to vector<16xf32>
        %mul3A_933 = arith.mulf %get3A_932, %gather3A_924 : vector<16xf32>
        %swap3A_934 = arith.index_cast %add3A_928 : i32 to index
        %swap3A_935 = arith.constant 0 : index
        %swap3A_936 = tpu.vector_load %arg10[%swap3A_934, %swap3A_935] {strides = array<i32>} : memref<128x128xf32, #tpu.memory_space<vmem>>, vector<1x16xf32>,
        %swap3A_937 = vector.shape_cast %swap3A_936 : vector<1x16xf32> to vector<16xf32>
        %swap3A_938 = vector.shape_cast %mul3A_933 : vector<16xf32> to vector<1x16xf32>
        tpu.vector_store %arg10[%swap3A_934, %swap3A_935], %swap3A_938 {strides = array<i32>} : memref<128x128xf32, #tpu.memory_space<vmem>>, vector<1x16xf32>,
        %get3A_939 = arith.index_cast %add3A_928 : i32 to index
        %get3A_940 = arith.constant 16 : index
        %get3A_941 = tpu.vector_load %arg10[%get3A_939, %get3A_940] {strides = array<i32>} : memref<128x128xf32, #tpu.memory_space<vmem>>, vector<1x16xf32>,
        %get3A_942 = vector.shape_cast %get3A_941 : vector<1x16xf32> to vector<16xf32>
        %mul3A_943 = arith.mulf %get3A_942, %gather3A_924 : vector<16xf32>
        %swap3A_944 = arith.index_cast %add3A_928 : i32 to index
        %swap3A_945 = arith.constant 16 : index
        %swap3A_946 = tpu.vector_load %arg10[%swap3A_944, %swap3A_945] {strides = array<i32>} : memref<128x128xf32, #tpu.memory_space<vmem>>, vector<1x16xf32>,
        %swap3A_947 = vector.shape_cast %swap3A_946 : vector<1x16xf32> to vector<16xf32>
        %swap3A_948 = vector.shape_cast %mul3A_943 : vector<16xf32> to vector<1x16xf32>
        tpu.vector_store %arg10[%swap3A_944, %swap3A_945], %swap3A_948 {strides = array<i32>} : memref<128x128xf32, #tpu.memory_space<vmem>>, vector<1x16xf32>,
        %get3A_949 = arith.index_cast %add3A_928 : i32 to index
        %get3A_950 = arith.constant 32 : index
        %get3A_951 = tpu.vector_load %arg10[%get3A_949, %get3A_950] {strides = array<i32>} : memref<128x128xf32, #tpu.memory_space<vmem>>, vector<1x16xf32>,
        %get3A_952 = vector.shape_cast %get3A_951 : vector<1x16xf32> to vector<16xf32>
        %mul3A_953 = arith.mulf %get3A_952, %gather3A_924 : vector<16xf32>
        %swap3A_954 = arith.index_cast %add3A_928 : i32 to index
        %swap3A_955 = arith.constant 32 : index
        %swap3A_956 = tpu.vector_load %arg10[%swap3A_954, %swap3A_955] {strides = array<i32>} : memref<128x128xf32, #tpu.memory_space<vmem>>, vector<1x16xf32>,
        %swap3A_957 = vector.shape_cast %swap3A_956 : vector<1x16xf32> to vector<16xf32>
        %swap3A_958 = vector.shape_cast %mul3A_953 : vector<16xf32> to vector<1x16xf32>
        tpu.vector_store %arg10[%swap3A_954, %swap3A_955], %swap3A_958 {strides = array<i32>} : memref<128x128xf32, #tpu.memory_space<vmem>>, vector<1x16xf32>,
        %get3A_959 = arith.index_cast %add3A_928 : i32 to index
        %get3A_960 = arith.constant 48 : index
        %get3A_961 = tpu.vector_load %arg10[%get3A_959, %get3A_960] {strides = array<i32>} : memref<128x128xf32, #tpu.memory_space<vmem>>, vector<1x16xf32>,
        %get3A_962 = vector.shape_cast %get3A_961 : vector<1x16xf32> to vector<16xf32>
        %mul3A_963 = arith.mulf %get3A_962, %gather3A_924 : vector<16xf32>
        %swap3A_964 = arith.index_cast %add3A_928 : i32 to index
        %swap3A_965 = arith.constant 48 : index
        %swap3A_966 = tpu.vector_load %arg10[%swap3A_964, %swap3A_965] {strides = array<i32>} : memref<128x128xf32, #tpu.memory_space<vmem>>, vector<1x16xf32>,
        %swap3A_967 = vector.shape_cast %swap3A_966 : vector<1x16xf32> to vector<16xf32>
        %swap3A_968 = vector.shape_cast %mul3A_963 : vector<16xf32> to vector<1x16xf32>
        tpu.vector_store %arg10[%swap3A_964, %swap3A_965], %swap3A_968 {strides = array<i32>} : memref<128x128xf32, #tpu.memory_space<vmem>>, vector<1x16xf32>,
        %get3A_969 = arith.index_cast %add3A_928 : i32 to index
        %get3A_970 = arith.constant 64 : index
        %get3A_971 = tpu.vector_load %arg10[%get3A_969, %get3A_970] {strides = array<i32>} : memref<128x128xf32, #tpu.memory_space<vmem>>, vector<1x16xf32>,
        %get3A_972 = vector.shape_cast %get3A_971 : vector<1x16xf32> to vector<16xf32>
        %mul3A_973 = arith.mulf %get3A_972, %gather3A_924 : vector<16xf32>
        %swap3A_974 = arith.index_cast %add3A_928 : i32 to index
        %swap3A_975 = arith.constant 64 : index
        %swap3A_976 = tpu.vector_load %arg10[%swap3A_974, %swap3A_975] {strides = array<i32>} : memref<128x128xf32, #tpu.memory_space<vmem>>, vector<1x16xf32>,
        %swap3A_977 = vector.shape_cast %swap3A_976 : vector<1x16xf32> to vector<16xf32>
        %swap3A_978 = vector.shape_cast %mul3A_973 : vector<16xf32> to vector<1x16xf32>
        tpu.vector_store %arg10[%swap3A_974, %swap3A_975], %swap3A_978 {strides = array<i32>} : memref<128x128xf32, #tpu.memory_space<vmem>>, vector<1x16xf32>,
        %get3A_979 = arith.index_cast %add3A_928 : i32 to index
        %get3A_980 = arith.constant 80 : index
        %get3A_981 = tpu.vector_load %arg10[%get3A_979, %get3A_980] {strides = array<i32>} : memref<128x128xf32, #tpu.memory_space<vmem>>, vector<1x16xf32>,
        %get3A_982 = vector.shape_cast %get3A_981 : vector<1x16xf32> to vector<16xf32>
        %mul3A_983 = arith.mulf %get3A_982, %gather3A_924 : vector<16xf32>
        %swap3A_984 = arith.index_cast %add3A_928 : i32 to index
        %swap3A_985 = arith.constant 80 : index
        %swap3A_986 = tpu.vector_load %arg10[%swap3A_984, %swap3A_985] {strides = array<i32>} : memref<128x128xf32, #tpu.memory_space<vmem>>, vector<1x16xf32>,
        %swap3A_987 = vector.shape_cast %swap3A_986 : vector<1x16xf32> to vector<16xf32>
        %swap3A_988 = vector.shape_cast %mul3A_983 : vector<16xf32> to vector<1x16xf32>
        tpu.vector_store %arg10[%swap3A_984, %swap3A_985], %swap3A_988 {strides = array<i32>} : memref<128x128xf32, #tpu.memory_space<vmem>>, vector<1x16xf32>,
        %get3A_989 = arith.index_cast %add3A_928 : i32 to index
        %get3A_990 = arith.constant 96 : index
        %get3A_991 = tpu.vector_load %arg10[%get3A_989, %get3A_990] {strides = array<i32>} : memref<128x128xf32, #tpu.memory_space<vmem>>, vector<1x16xf32>,
        %get3A_992 = vector.shape_cast %get3A_991 : vector<1x16xf32> to vector<16xf32>
        %mul3A_993 = arith.mulf %get3A_992, %gather3A_924 : vector<16xf32>
        %swap3A_994 = arith.index_cast %add3A_928 : i32 to index
        %swap3A_995 = arith.constant 96 : index
        %swap3A_996 = tpu.vector_load %arg10[%swap3A_994, %swap3A_995] {strides = array<i32>} : memref<128x128xf32, #tpu.memory_space<vmem>>, vector<1x16xf32>,
        %swap3A_997 = vector.shape_cast %swap3A_996 : vector<1x16xf32> to vector<16xf32>
        %swap3A_998 = vector.shape_cast %mul3A_993 : vector<16xf32> to vector<1x16xf32>
        tpu.vector_store %arg10[%swap3A_994, %swap3A_995], %swap3A_998 {strides = array<i32>} : memref<128x128xf32, #tpu.memory_space<vmem>>, vector<1x16xf32>,
        %get3A_999 = arith.index_cast %add3A_928 : i32 to index
        %get3A_1000 = arith.constant 112 : index
        %get3A_1001 = tpu.vector_load %arg10[%get3A_999, %get3A_1000] {strides = array<i32>} : memref<128x128xf32, #tpu.memory_space<vmem>>, vector<1x16xf32>,
        %get3A_1002 = vector.shape_cast %get3A_1001 : vector<1x16xf32> to vector<16xf32>
        %mul3A_1003 = arith.mulf %get3A_1002, %gather3A_924 : vector<16xf32>
        %swap3A_1004 = arith.index_cast %add3A_928 : i32 to index
        %swap3A_1005 = arith.constant 112 : index
        %swap3A_1006 = tpu.vector_load %arg10[%swap3A_1004, %swap3A_1005] {strides = array<i32>} : memref<128x128xf32, #tpu.memory_space<vmem>>, vector<1x16xf32>,
        %swap3A_1007 = vector.shape_cast %swap3A_1006 : vector<1x16xf32> to vector<16xf32>
        %swap3A_1008 = vector.shape_cast %mul3A_1003 : vector<16xf32> to vector<1x16xf32>
        tpu.vector_store %arg10[%swap3A_1004, %swap3A_1005], %swap3A_1008 {strides = array<i32>} : memref<128x128xf32, #tpu.memory_space<vmem>>, vector<1x16xf32>,
        %broadcast_in_dim3A_1009 = arith.constant 11 : i32
        %broadcast_in_dim3A_1010 = vector.broadcast %broadcast_in_dim3A_1009 : i32 to vector<16x1xi32>
        %gather3A_1011 = vector.shape_cast %broadcast_in_dim3A_1010 : vector<16x1xi32> to vector<16xi32>
        %gather3A_1012 = tpu.dynamic_gather %get3A_43[%gather3A_1011] in [0] : vector<16xf32>, vector<16xi32> -> vector<16xf32>
        %mul3A_1013 = arith.constant 16 : i32
        %mul3A_1014 = arith.muli %scan3A_39, %mul3A_1013 : i32
        %add3A_1015 = arith.constant 11 : i32
        %add3A_1016 = arith.addi %mul3A_1014, %add3A_1015 : i32
        %get3A_1017 = arith.index_cast %add3A_1016 : i32 to index
        %get3A_1018 = arith.constant 0 : index
        %get3A_1019 = tpu.vector_load %arg10[%get3A_1017, %get3A_1018] {strides = array<i32>} : memref<128x128xf32, #tpu.memory_space<vmem>>, vector<1x16xf32>,
        %get3A_1020 = vector.shape_cast %get3A_1019 : vector<1x16xf32> to vector<16xf32>
        %mul3A_1021 = arith.mulf %get3A_1020, %gather3A_1012 : vector<16xf32>
        %swap3A_1022 = arith.index_cast %add3A_1016 : i32 to index
        %swap3A_1023 = arith.constant 0 : index
        %swap3A_1024 = tpu.vector_load %arg10[%swap3A_1022, %swap3A_1023] {strides = array<i32>} : memref<128x128xf32, #tpu.memory_space<vmem>>, vector<1x16xf32>,
        %swap3A_1025 = vector.shape_cast %swap3A_1024 : vector<1x16xf32> to vector<16xf32>
        %swap3A_1026 = vector.shape_cast %mul3A_1021 : vector<16xf32> to vector<1x16xf32>
        tpu.vector_store %arg10[%swap3A_1022, %swap3A_1023], %swap3A_1026 {strides = array<i32>} : memref<128x128xf32, #tpu.memory_space<vmem>>, vector<1x16xf32>,
        %get3A_1027 = arith.index_cast %add3A_1016 : i32 to index
        %get3A_1028 = arith.constant 16 : index
        %get3A_1029 = tpu.vector_load %arg10[%get3A_1027, %get3A_1028] {strides = array<i32>} : memref<128x128xf32, #tpu.memory_space<vmem>>, vector<1x16xf32>,
        %get3A_1030 = vector.shape_cast %get3A_1029 : vector<1x16xf32> to vector<16xf32>
        %mul3A_1031 = arith.mulf %get3A_1030, %gather3A_1012 : vector<16xf32>
        %swap3A_1032 = arith.index_cast %add3A_1016 : i32 to index
        %swap3A_1033 = arith.constant 16 : index
        %swap3A_1034 = tpu.vector_load %arg10[%swap3A_1032, %swap3A_1033] {strides = array<i32>} : memref<128x128xf32, #tpu.memory_space<vmem>>, vector<1x16xf32>,
        %swap3A_1035 = vector.shape_cast %swap3A_1034 : vector<1x16xf32> to vector<16xf32>
        %swap3A_1036 = vector.shape_cast %mul3A_1031 : vector<16xf32> to vector<1x16xf32>
        tpu.vector_store %arg10[%swap3A_1032, %swap3A_1033], %swap3A_1036 {strides = array<i32>} : memref<128x128xf32, #tpu.memory_space<vmem>>, vector<1x16xf32>,
        %get3A_1037 = arith.index_cast %add3A_1016 : i32 to index
        %get3A_1038 = arith.constant 32 : index
        %get3A_1039 = tpu.vector_load %arg10[%get3A_1037, %get3A_1038] {strides = array<i32>} : memref<128x128xf32, #tpu.memory_space<vmem>>, vector<1x16xf32>,
        %get3A_1040 = vector.shape_cast %get3A_1039 : vector<1x16xf32> to vector<16xf32>
        %mul3A_1041 = arith.mulf %get3A_1040, %gather3A_1012 : vector<16xf32>
        %swap3A_1042 = arith.index_cast %add3A_1016 : i32 to index
        %swap3A_1043 = arith.constant 32 : index
        %swap3A_1044 = tpu.vector_load %arg10[%swap3A_1042, %swap3A_1043] {strides = array<i32>} : memref<128x128xf32, #tpu.memory_space<vmem>>, vector<1x16xf32>,
        %swap3A_1045 = vector.shape_cast %swap3A_1044 : vector<1x16xf32> to vector<16xf32>
        %swap3A_1046 = vector.shape_cast %mul3A_1041 : vector<16xf32> to vector<1x16xf32>
        tpu.vector_store %arg10[%swap3A_1042, %swap3A_1043], %swap3A_1046 {strides = array<i32>} : memref<128x128xf32, #tpu.memory_space<vmem>>, vector<1x16xf32>,
        %get3A_1047 = arith.index_cast %add3A_1016 : i32 to index
        %get3A_1048 = arith.constant 48 : index
        %get3A_1049 = tpu.vector_load %arg10[%get3A_1047, %get3A_1048] {strides = array<i32>} : memref<128x128xf32, #tpu.memory_space<vmem>>, vector<1x16xf32>,
        %get3A_1050 = vector.shape_cast %get3A_1049 : vector<1x16xf32> to vector<16xf32>
        %mul3A_1051 = arith.mulf %get3A_1050, %gather3A_1012 : vector<16xf32>
        %swap3A_1052 = arith.index_cast %add3A_1016 : i32 to index
        %swap3A_1053 = arith.constant 48 : index
        %swap3A_1054 = tpu.vector_load %arg10[%swap3A_1052, %swap3A_1053] {strides = array<i32>} : memref<128x128xf32, #tpu.memory_space<vmem>>, vector<1x16xf32>,
        %swap3A_1055 = vector.shape_cast %swap3A_1054 : vector<1x16xf32> to vector<16xf32>
        %swap3A_1056 = vector.shape_cast %mul3A_1051 : vector<16xf32> to vector<1x16xf32>
        tpu.vector_store %arg10[%swap3A_1052, %swap3A_1053], %swap3A_1056 {strides = array<i32>} : memref<128x128xf32, #tpu.memory_space<vmem>>, vector<1x16xf32>,
        %get3A_1057 = arith.index_cast %add3A_1016 : i32 to index
        %get3A_1058 = arith.constant 64 : index
        %get3A_1059 = tpu.vector_load %arg10[%get3A_1057, %get3A_1058] {strides = array<i32>} : memref<128x128xf32, #tpu.memory_space<vmem>>, vector<1x16xf32>,
        %get3A_1060 = vector.shape_cast %get3A_1059 : vector<1x16xf32> to vector<16xf32>
        %mul3A_1061 = arith.mulf %get3A_1060, %gather3A_1012 : vector<16xf32>
        %swap3A_1062 = arith.index_cast %add3A_1016 : i32 to index
        %swap3A_1063 = arith.constant 64 : index
        %swap3A_1064 = tpu.vector_load %arg10[%swap3A_1062, %swap3A_1063] {strides = array<i32>} : memref<128x128xf32, #tpu.memory_space<vmem>>, vector<1x16xf32>,
        %swap3A_1065 = vector.shape_cast %swap3A_1064 : vector<1x16xf32> to vector<16xf32>
        %swap3A_1066 = vector.shape_cast %mul3A_1061 : vector<16xf32> to vector<1x16xf32>
        tpu.vector_store %arg10[%swap3A_1062, %swap3A_1063], %swap3A_1066 {strides = array<i32>} : memref<128x128xf32, #tpu.memory_space<vmem>>, vector<1x16xf32>,
        %get3A_1067 = arith.index_cast %add3A_1016 : i32 to index
        %get3A_1068 = arith.constant 80 : index
        %get3A_1069 = tpu.vector_load %arg10[%get3A_1067, %get3A_1068] {strides = array<i32>} : memref<128x128xf32, #tpu.memory_space<vmem>>, vector<1x16xf32>,
        %get3A_1070 = vector.shape_cast %get3A_1069 : vector<1x16xf32> to vector<16xf32>
        %mul3A_1071 = arith.mulf %get3A_1070, %gather3A_1012 : vector<16xf32>
        %swap3A_1072 = arith.index_cast %add3A_1016 : i32 to index
        %swap3A_1073 = arith.constant 80 : index
        %swap3A_1074 = tpu.vector_load %arg10[%swap3A_1072, %swap3A_1073] {strides = array<i32>} : memref<128x128xf32, #tpu.memory_space<vmem>>, vector<1x16xf32>,
        %swap3A_1075 = vector.shape_cast %swap3A_1074 : vector<1x16xf32> to vector<16xf32>
        %swap3A_1076 = vector.shape_cast %mul3A_1071 : vector<16xf32> to vector<1x16xf32>
        tpu.vector_store %arg10[%swap3A_1072, %swap3A_1073], %swap3A_1076 {strides = array<i32>} : memref<128x128xf32, #tpu.memory_space<vmem>>, vector<1x16xf32>,
        %get3A_1077 = arith.index_cast %add3A_1016 : i32 to index
        %get3A_1078 = arith.constant 96 : index
        %get3A_1079 = tpu.vector_load %arg10[%get3A_1077, %get3A_1078] {strides = array<i32>} : memref<128x128xf32, #tpu.memory_space<vmem>>, vector<1x16xf32>,
        %get3A_1080 = vector.shape_cast %get3A_1079 : vector<1x16xf32> to vector<16xf32>
        %mul3A_1081 = arith.mulf %get3A_1080, %gather3A_1012 : vector<16xf32>
        %swap3A_1082 = arith.index_cast %add3A_1016 : i32 to index
        %swap3A_1083 = arith.constant 96 : index
        %swap3A_1084 = tpu.vector_load %arg10[%swap3A_1082, %swap3A_1083] {strides = array<i32>} : memref<128x128xf32, #tpu.memory_space<vmem>>, vector<1x16xf32>,
        %swap3A_1085 = vector.shape_cast %swap3A_1084 : vector<1x16xf32> to vector<16xf32>
        %swap3A_1086 = vector.shape_cast %mul3A_1081 : vector<16xf32> to vector<1x16xf32>
        tpu.vector_store %arg10[%swap3A_1082, %swap3A_1083], %swap3A_1086 {strides = array<i32>} : memref<128x128xf32, #tpu.memory_space<vmem>>, vector<1x16xf32>,
        %get3A_1087 = arith.index_cast %add3A_1016 : i32 to index
        %get3A_1088 = arith.constant 112 : index
        %get3A_1089 = tpu.vector_load %arg10[%get3A_1087, %get3A_1088] {strides = array<i32>} : memref<128x128xf32, #tpu.memory_space<vmem>>, vector<1x16xf32>,
        %get3A_1090 = vector.shape_cast %get3A_1089 : vector<1x16xf32> to vector<16xf32>
        %mul3A_1091 = arith.mulf %get3A_1090, %gather3A_1012 : vector<16xf32>
        %swap3A_1092 = arith.index_cast %add3A_1016 : i32 to index
        %swap3A_1093 = arith.constant 112 : index
        %swap3A_1094 = tpu.vector_load %arg10[%swap3A_1092, %swap3A_1093] {strides = array<i32>} : memref<128x128xf32, #tpu.memory_space<vmem>>, vector<1x16xf32>,
        %swap3A_1095 = vector.shape_cast %swap3A_1094 : vector<1x16xf32> to vector<16xf32>
        %swap3A_1096 = vector.shape_cast %mul3A_1091 : vector<16xf32> to vector<1x16xf32>
        tpu.vector_store %arg10[%swap3A_1092, %swap3A_1093], %swap3A_1096 {strides = array<i32>} : memref<128x128xf32, #tpu.memory_space<vmem>>, vector<1x16xf32>,
        %broadcast_in_dim3A_1097 = arith.constant 12 : i32
        %broadcast_in_dim3A_1098 = vector.broadcast %broadcast_in_dim3A_1097 : i32 to vector<16x1xi32>
        %gather3A_1099 = vector.shape_cast %broadcast_in_dim3A_1098 : vector<16x1xi32> to vector<16xi32>
        %gather3A_1100 = tpu.dynamic_gather %get3A_43[%gather3A_1099] in [0] : vector<16xf32>, vector<16xi32> -> vector<16xf32>
        %mul3A_1101 = arith.constant 16 : i32
        %mul3A_1102 = arith.muli %scan3A_39, %mul3A_1101 : i32
        %add3A_1103 = arith.constant 12 : i32
        %add3A_1104 = arith.addi %mul3A_1102, %add3A_1103 : i32
        %get3A_1105 = arith.index_cast %add3A_1104 : i32 to index
        %get3A_1106 = arith.constant 0 : index
        %get3A_1107 = tpu.vector_load %arg10[%get3A_1105, %get3A_1106] {strides = array<i32>} : memref<128x128xf32, #tpu.memory_space<vmem>>, vector<1x16xf32>,
        %get3A_1108 = vector.shape_cast %get3A_1107 : vector<1x16xf32> to vector<16xf32>
        %mul3A_1109 = arith.mulf %get3A_1108, %gather3A_1100 : vector<16xf32>
        %swap3A_1110 = arith.index_cast %add3A_1104 : i32 to index
        %swap3A_1111 = arith.constant 0 : index
        %swap3A_1112 = tpu.vector_load %arg10[%swap3A_1110, %swap3A_1111] {strides = array<i32>} : memref<128x128xf32, #tpu.memory_space<vmem>>, vector<1x16xf32>,
        %swap3A_1113 = vector.shape_cast %swap3A_1112 : vector<1x16xf32> to vector<16xf32>
        %swap3A_1114 = vector.shape_cast %mul3A_1109 : vector<16xf32> to vector<1x16xf32>
        tpu.vector_store %arg10[%swap3A_1110, %swap3A_1111], %swap3A_1114 {strides = array<i32>} : memref<128x128xf32, #tpu.memory_space<vmem>>, vector<1x16xf32>,
        %get3A_1115 = arith.index_cast %add3A_1104 : i32 to index
        %get3A_1116 = arith.constant 16 : index
        %get3A_1117 = tpu.vector_load %arg10[%get3A_1115, %get3A_1116] {strides = array<i32>} : memref<128x128xf32, #tpu.memory_space<vmem>>, vector<1x16xf32>,
        %get3A_1118 = vector.shape_cast %get3A_1117 : vector<1x16xf32> to vector<16xf32>
        %mul3A_1119 = arith.mulf %get3A_1118, %gather3A_1100 : vector<16xf32>
        %swap3A_1120 = arith.index_cast %add3A_1104 : i32 to index
        %swap3A_1121 = arith.constant 16 : index
        %swap3A_1122 = tpu.vector_load %arg10[%swap3A_1120, %swap3A_1121] {strides = array<i32>} : memref<128x128xf32, #tpu.memory_space<vmem>>, vector<1x16xf32>,
        %swap3A_1123 = vector.shape_cast %swap3A_1122 : vector<1x16xf32> to vector<16xf32>
        %swap3A_1124 = vector.shape_cast %mul3A_1119 : vector<16xf32> to vector<1x16xf32>
        tpu.vector_store %arg10[%swap3A_1120, %swap3A_1121], %swap3A_1124 {strides = array<i32>} : memref<128x128xf32, #tpu.memory_space<vmem>>, vector<1x16xf32>,
        %get3A_1125 = arith.index_cast %add3A_1104 : i32 to index
        %get3A_1126 = arith.constant 32 : index
        %get3A_1127 = tpu.vector_load %arg10[%get3A_1125, %get3A_1126] {strides = array<i32>} : memref<128x128xf32, #tpu.memory_space<vmem>>, vector<1x16xf32>,
        %get3A_1128 = vector.shape_cast %get3A_1127 : vector<1x16xf32> to vector<16xf32>
        %mul3A_1129 = arith.mulf %get3A_1128, %gather3A_1100 : vector<16xf32>
        %swap3A_1130 = arith.index_cast %add3A_1104 : i32 to index
        %swap3A_1131 = arith.constant 32 : index
        %swap3A_1132 = tpu.vector_load %arg10[%swap3A_1130, %swap3A_1131] {strides = array<i32>} : memref<128x128xf32, #tpu.memory_space<vmem>>, vector<1x16xf32>,
        %swap3A_1133 = vector.shape_cast %swap3A_1132 : vector<1x16xf32> to vector<16xf32>
        %swap3A_1134 = vector.shape_cast %mul3A_1129 : vector<16xf32> to vector<1x16xf32>
        tpu.vector_store %arg10[%swap3A_1130, %swap3A_1131], %swap3A_1134 {strides = array<i32>} : memref<128x128xf32, #tpu.memory_space<vmem>>, vector<1x16xf32>,
        %get3A_1135 = arith.index_cast %add3A_1104 : i32 to index
        %get3A_1136 = arith.constant 48 : index
        %get3A_1137 = tpu.vector_load %arg10[%get3A_1135, %get3A_1136] {strides = array<i32>} : memref<128x128xf32, #tpu.memory_space<vmem>>, vector<1x16xf32>,
        %get3A_1138 = vector.shape_cast %get3A_1137 : vector<1x16xf32> to vector<16xf32>
        %mul3A_1139 = arith.mulf %get3A_1138, %gather3A_1100 : vector<16xf32>
        %swap3A_1140 = arith.index_cast %add3A_1104 : i32 to index
        %swap3A_1141 = arith.constant 48 : index
        %swap3A_1142 = tpu.vector_load %arg10[%swap3A_1140, %swap3A_1141] {strides = array<i32>} : memref<128x128xf32, #tpu.memory_space<vmem>>, vector<1x16xf32>,
        %swap3A_1143 = vector.shape_cast %swap3A_1142 : vector<1x16xf32> to vector<16xf32>
        %swap3A_1144 = vector.shape_cast %mul3A_1139 : vector<16xf32> to vector<1x16xf32>
        tpu.vector_store %arg10[%swap3A_1140, %swap3A_1141], %swap3A_1144 {strides = array<i32>} : memref<128x128xf32, #tpu.memory_space<vmem>>, vector<1x16xf32>,
        %get3A_1145 = arith.index_cast %add3A_1104 : i32 to index
        %get3A_1146 = arith.constant 64 : index
        %get3A_1147 = tpu.vector_load %arg10[%get3A_1145, %get3A_1146] {strides = array<i32>} : memref<128x128xf32, #tpu.memory_space<vmem>>, vector<1x16xf32>,
        %get3A_1148 = vector.shape_cast %get3A_1147 : vector<1x16xf32> to vector<16xf32>
        %mul3A_1149 = arith.mulf %get3A_1148, %gather3A_1100 : vector<16xf32>
        %swap3A_1150 = arith.index_cast %add3A_1104 : i32 to index
        %swap3A_1151 = arith.constant 64 : index
        %swap3A_1152 = tpu.vector_load %arg10[%swap3A_1150, %swap3A_1151] {strides = array<i32>} : memref<128x128xf32, #tpu.memory_space<vmem>>, vector<1x16xf32>,
        %swap3A_1153 = vector.shape_cast %swap3A_1152 : vector<1x16xf32> to vector<16xf32>
        %swap3A_1154 = vector.shape_cast %mul3A_1149 : vector<16xf32> to vector<1x16xf32>
        tpu.vector_store %arg10[%swap3A_1150, %swap3A_1151], %swap3A_1154 {strides = array<i32>} : memref<128x128xf32, #tpu.memory_space<vmem>>, vector<1x16xf32>,
        %get3A_1155 = arith.index_cast %add3A_1104 : i32 to index
        %get3A_1156 = arith.constant 80 : index
        %get3A_1157 = tpu.vector_load %arg10[%get3A_1155, %get3A_1156] {strides = array<i32>} : memref<128x128xf32, #tpu.memory_space<vmem>>, vector<1x16xf32>,
        %get3A_1158 = vector.shape_cast %get3A_1157 : vector<1x16xf32> to vector<16xf32>
        %mul3A_1159 = arith.mulf %get3A_1158, %gather3A_1100 : vector<16xf32>
        %swap3A_1160 = arith.index_cast %add3A_1104 : i32 to index
        %swap3A_1161 = arith.constant 80 : index
        %swap3A_1162 = tpu.vector_load %arg10[%swap3A_1160, %swap3A_1161] {strides = array<i32>} : memref<128x128xf32, #tpu.memory_space<vmem>>, vector<1x16xf32>,
        %swap3A_1163 = vector.shape_cast %swap3A_1162 : vector<1x16xf32> to vector<16xf32>
        %swap3A_1164 = vector.shape_cast %mul3A_1159 : vector<16xf32> to vector<1x16xf32>
        tpu.vector_store %arg10[%swap3A_1160, %swap3A_1161], %swap3A_1164 {strides = array<i32>} : memref<128x128xf32, #tpu.memory_space<vmem>>, vector<1x16xf32>,
        %get3A_1165 = arith.index_cast %add3A_1104 : i32 to index
        %get3A_1166 = arith.constant 96 : index
        %get3A_1167 = tpu.vector_load %arg10[%get3A_1165, %get3A_1166] {strides = array<i32>} : memref<128x128xf32, #tpu.memory_space<vmem>>, vector<1x16xf32>,
        %get3A_1168 = vector.shape_cast %get3A_1167 : vector<1x16xf32> to vector<16xf32>
        %mul3A_1169 = arith.mulf %get3A_1168, %gather3A_1100 : vector<16xf32>
        %swap3A_1170 = arith.index_cast %add3A_1104 : i32 to index
        %swap3A_1171 = arith.constant 96 : index
        %swap3A_1172 = tpu.vector_load %arg10[%swap3A_1170, %swap3A_1171] {strides = array<i32>} : memref<128x128xf32, #tpu.memory_space<vmem>>, vector<1x16xf32>,
        %swap3A_1173 = vector.shape_cast %swap3A_1172 : vector<1x16xf32> to vector<16xf32>
        %swap3A_1174 = vector.shape_cast %mul3A_1169 : vector<16xf32> to vector<1x16xf32>
        tpu.vector_store %arg10[%swap3A_1170, %swap3A_1171], %swap3A_1174 {strides = array<i32>} : memref<128x128xf32, #tpu.memory_space<vmem>>, vector<1x16xf32>,
        %get3A_1175 = arith.index_cast %add3A_1104 : i32 to index
        %get3A_1176 = arith.constant 112 : index
        %get3A_1177 = tpu.vector_load %arg10[%get3A_1175, %get3A_1176] {strides = array<i32>} : memref<128x128xf32, #tpu.memory_space<vmem>>, vector<1x16xf32>,
        %get3A_1178 = vector.shape_cast %get3A_1177 : vector<1x16xf32> to vector<16xf32>
        %mul3A_1179 = arith.mulf %get3A_1178, %gather3A_1100 : vector<16xf32>
        %swap3A_1180 = arith.index_cast %add3A_1104 : i32 to index
        %swap3A_1181 = arith.constant 112 : index
        %swap3A_1182 = tpu.vector_load %arg10[%swap3A_1180, %swap3A_1181] {strides = array<i32>} : memref<128x128xf32, #tpu.memory_space<vmem>>, vector<1x16xf32>,
        %swap3A_1183 = vector.shape_cast %swap3A_1182 : vector<1x16xf32> to vector<16xf32>
        %swap3A_1184 = vector.shape_cast %mul3A_1179 : vector<16xf32> to vector<1x16xf32>
        tpu.vector_store %arg10[%swap3A_1180, %swap3A_1181], %swap3A_1184 {strides = array<i32>} : memref<128x128xf32, #tpu.memory_space<vmem>>, vector<1x16xf32>,
        %broadcast_in_dim3A_1185 = arith.constant 13 : i32
        %broadcast_in_dim3A_1186 = vector.broadcast %broadcast_in_dim3A_1185 : i32 to vector<16x1xi32>
        %gather3A_1187 = vector.shape_cast %broadcast_in_dim3A_1186 : vector<16x1xi32> to vector<16xi32>
        %gather3A_1188 = tpu.dynamic_gather %get3A_43[%gather3A_1187] in [0] : vector<16xf32>, vector<16xi32> -> vector<16xf32>
        %mul3A_1189 = arith.constant 16 : i32
        %mul3A_1190 = arith.muli %scan3A_39, %mul3A_1189 : i32
        %add3A_1191 = arith.constant 13 : i32
        %add3A_1192 = arith.addi %mul3A_1190, %add3A_1191 : i32
        %get3A_1193 = arith.index_cast %add3A_1192 : i32 to index
        %get3A_1194 = arith.constant 0 : index
        %get3A_1195 = tpu.vector_load %arg10[%get3A_1193, %get3A_1194] {strides = array<i32>} : memref<128x128xf32, #tpu.memory_space<vmem>>, vector<1x16xf32>,
        %get3A_1196 = vector.shape_cast %get3A_1195 : vector<1x16xf32> to vector<16xf32>
        %mul3A_1197 = arith.mulf %get3A_1196, %gather3A_1188 : vector<16xf32>
        %swap3A_1198 = arith.index_cast %add3A_1192 : i32 to index
        %swap3A_1199 = arith.constant 0 : index
        %swap3A_1200 = tpu.vector_load %arg10[%swap3A_1198, %swap3A_1199] {strides = array<i32>} : memref<128x128xf32, #tpu.memory_space<vmem>>, vector<1x16xf32>,
        %swap3A_1201 = vector.shape_cast %swap3A_1200 : vector<1x16xf32> to vector<16xf32>
        %swap3A_1202 = vector.shape_cast %mul3A_1197 : vector<16xf32> to vector<1x16xf32>
        tpu.vector_store %arg10[%swap3A_1198, %swap3A_1199], %swap3A_1202 {strides = array<i32>} : memref<128x128xf32, #tpu.memory_space<vmem>>, vector<1x16xf32>,
        %get3A_1203 = arith.index_cast %add3A_1192 : i32 to index
        %get3A_1204 = arith.constant 16 : index
        %get3A_1205 = tpu.vector_load %arg10[%get3A_1203, %get3A_1204] {strides = array<i32>} : memref<128x128xf32, #tpu.memory_space<vmem>>, vector<1x16xf32>,
        %get3A_1206 = vector.shape_cast %get3A_1205 : vector<1x16xf32> to vector<16xf32>
        %mul3A_1207 = arith.mulf %get3A_1206, %gather3A_1188 : vector<16xf32>
        %swap3A_1208 = arith.index_cast %add3A_1192 : i32 to index
        %swap3A_1209 = arith.constant 16 : index
        %swap3A_1210 = tpu.vector_load %arg10[%swap3A_1208, %swap3A_1209] {strides = array<i32>} : memref<128x128xf32, #tpu.memory_space<vmem>>, vector<1x16xf32>,
        %swap3A_1211 = vector.shape_cast %swap3A_1210 : vector<1x16xf32> to vector<16xf32>
        %swap3A_1212 = vector.shape_cast %mul3A_1207 : vector<16xf32> to vector<1x16xf32>
        tpu.vector_store %arg10[%swap3A_1208, %swap3A_1209], %swap3A_1212 {strides = array<i32>} : memref<128x128xf32, #tpu.memory_space<vmem>>, vector<1x16xf32>,
        %get3A_1213 = arith.index_cast %add3A_1192 : i32 to index
        %get3A_1214 = arith.constant 32 : index
        %get3A_1215 = tpu.vector_load %arg10[%get3A_1213, %get3A_1214] {strides = array<i32>} : memref<128x128xf32, #tpu.memory_space<vmem>>, vector<1x16xf32>,
        %get3A_1216 = vector.shape_cast %get3A_1215 : vector<1x16xf32> to vector<16xf32>
        %mul3A_1217 = arith.mulf %get3A_1216, %gather3A_1188 : vector<16xf32>
        %swap3A_1218 = arith.index_cast %add3A_1192 : i32 to index
        %swap3A_1219 = arith.constant 32 : index
        %swap3A_1220 = tpu.vector_load %arg10[%swap3A_1218, %swap3A_1219] {strides = array<i32>} : memref<128x128xf32, #tpu.memory_space<vmem>>, vector<1x16xf32>,
        %swap3A_1221 = vector.shape_cast %swap3A_1220 : vector<1x16xf32> to vector<16xf32>
        %swap3A_1222 = vector.shape_cast %mul3A_1217 : vector<16xf32> to vector<1x16xf32>
        tpu.vector_store %arg10[%swap3A_1218, %swap3A_1219], %swap3A_1222 {strides = array<i32>} : memref<128x128xf32, #tpu.memory_space<vmem>>, vector<1x16xf32>,
        %get3A_1223 = arith.index_cast %add3A_1192 : i32 to index
        %get3A_1224 = arith.constant 48 : index
        %get3A_1225 = tpu.vector_load %arg10[%get3A_1223, %get3A_1224] {strides = array<i32>} : memref<128x128xf32, #tpu.memory_space<vmem>>, vector<1x16xf32>,
        %get3A_1226 = vector.shape_cast %get3A_1225 : vector<1x16xf32> to vector<16xf32>
        %mul3A_1227 = arith.mulf %get3A_1226, %gather3A_1188 : vector<16xf32>
        %swap3A_1228 = arith.index_cast %add3A_1192 : i32 to index
        %swap3A_1229 = arith.constant 48 : index
        %swap3A_1230 = tpu.vector_load %arg10[%swap3A_1228, %swap3A_1229] {strides = array<i32>} : memref<128x128xf32, #tpu.memory_space<vmem>>, vector<1x16xf32>,
        %swap3A_1231 = vector.shape_cast %swap3A_1230 : vector<1x16xf32> to vector<16xf32>
        %swap3A_1232 = vector.shape_cast %mul3A_1227 : vector<16xf32> to vector<1x16xf32>
        tpu.vector_store %arg10[%swap3A_1228, %swap3A_1229], %swap3A_1232 {strides = array<i32>} : memref<128x128xf32, #tpu.memory_space<vmem>>, vector<1x16xf32>,
        %get3A_1233 = arith.index_cast %add3A_1192 : i32 to index
        %get3A_1234 = arith.constant 64 : index
        %get3A_1235 = tpu.vector_load %arg10[%get3A_1233, %get3A_1234] {strides = array<i32>} : memref<128x128xf32, #tpu.memory_space<vmem>>, vector<1x16xf32>,
        %get3A_1236 = vector.shape_cast %get3A_1235 : vector<1x16xf32> to vector<16xf32>
        %mul3A_1237 = arith.mulf %get3A_1236, %gather3A_1188 : vector<16xf32>
        %swap3A_1238 = arith.index_cast %add3A_1192 : i32 to index
        %swap3A_1239 = arith.constant 64 : index
        %swap3A_1240 = tpu.vector_load %arg10[%swap3A_1238, %swap3A_1239] {strides = array<i32>} : memref<128x128xf32, #tpu.memory_space<vmem>>, vector<1x16xf32>,
        %swap3A_1241 = vector.shape_cast %swap3A_1240 : vector<1x16xf32> to vector<16xf32>
        %swap3A_1242 = vector.shape_cast %mul3A_1237 : vector<16xf32> to vector<1x16xf32>
        tpu.vector_store %arg10[%swap3A_1238, %swap3A_1239], %swap3A_1242 {strides = array<i32>} : memref<128x128xf32, #tpu.memory_space<vmem>>, vector<1x16xf32>,
        %get3A_1243 = arith.index_cast %add3A_1192 : i32 to index
        %get3A_1244 = arith.constant 80 : index
        %get3A_1245 = tpu.vector_load %arg10[%get3A_1243, %get3A_1244] {strides = array<i32>} : memref<128x128xf32, #tpu.memory_space<vmem>>, vector<1x16xf32>,
        %get3A_1246 = vector.shape_cast %get3A_1245 : vector<1x16xf32> to vector<16xf32>
        %mul3A_1247 = arith.mulf %get3A_1246, %gather3A_1188 : vector<16xf32>
        %swap3A_1248 = arith.index_cast %add3A_1192 : i32 to index
        %swap3A_1249 = arith.constant 80 : index
        %swap3A_1250 = tpu.vector_load %arg10[%swap3A_1248, %swap3A_1249] {strides = array<i32>} : memref<128x128xf32, #tpu.memory_space<vmem>>, vector<1x16xf32>,
        %swap3A_1251 = vector.shape_cast %swap3A_1250 : vector<1x16xf32> to vector<16xf32>
        %swap3A_1252 = vector.shape_cast %mul3A_1247 : vector<16xf32> to vector<1x16xf32>
        tpu.vector_store %arg10[%swap3A_1248, %swap3A_1249], %swap3A_1252 {strides = array<i32>} : memref<128x128xf32, #tpu.memory_space<vmem>>, vector<1x16xf32>,
        %get3A_1253 = arith.index_cast %add3A_1192 : i32 to index
        %get3A_1254 = arith.constant 96 : index
        %get3A_1255 = tpu.vector_load %arg10[%get3A_1253, %get3A_1254] {strides = array<i32>} : memref<128x128xf32, #tpu.memory_space<vmem>>, vector<1x16xf32>,
        %get3A_1256 = vector.shape_cast %get3A_1255 : vector<1x16xf32> to vector<16xf32>
        %mul3A_1257 = arith.mulf %get3A_1256, %gather3A_1188 : vector<16xf32>
        %swap3A_1258 = arith.index_cast %add3A_1192 : i32 to index
        %swap3A_1259 = arith.constant 96 : index
        %swap3A_1260 = tpu.vector_load %arg10[%swap3A_1258, %swap3A_1259] {strides = array<i32>} : memref<128x128xf32, #tpu.memory_space<vmem>>, vector<1x16xf32>,
        %swap3A_1261 = vector.shape_cast %swap3A_1260 : vector<1x16xf32> to vector<16xf32>
        %swap3A_1262 = vector.shape_cast %mul3A_1257 : vector<16xf32> to vector<1x16xf32>
        tpu.vector_store %arg10[%swap3A_1258, %swap3A_1259], %swap3A_1262 {strides = array<i32>} : memref<128x128xf32, #tpu.memory_space<vmem>>, vector<1x16xf32>,
        %get3A_1263 = arith.index_cast %add3A_1192 : i32 to index
        %get3A_1264 = arith.constant 112 : index
        %get3A_1265 = tpu.vector_load %arg10[%get3A_1263, %get3A_1264] {strides = array<i32>} : memref<128x128xf32, #tpu.memory_space<vmem>>, vector<1x16xf32>,
        %get3A_1266 = vector.shape_cast %get3A_1265 : vector<1x16xf32> to vector<16xf32>
        %mul3A_1267 = arith.mulf %get3A_1266, %gather3A_1188 : vector<16xf32>
        %swap3A_1268 = arith.index_cast %add3A_1192 : i32 to index
        %swap3A_1269 = arith.constant 112 : index
        %swap3A_1270 = tpu.vector_load %arg10[%swap3A_1268, %swap3A_1269] {strides = array<i32>} : memref<128x128xf32, #tpu.memory_space<vmem>>, vector<1x16xf32>,
        %swap3A_1271 = vector.shape_cast %swap3A_1270 : vector<1x16xf32> to vector<16xf32>
        %swap3A_1272 = vector.shape_cast %mul3A_1267 : vector<16xf32> to vector<1x16xf32>
        tpu.vector_store %arg10[%swap3A_1268, %swap3A_1269], %swap3A_1272 {strides = array<i32>} : memref<128x128xf32, #tpu.memory_space<vmem>>, vector<1x16xf32>,
        %broadcast_in_dim3A_1273 = arith.constant 14 : i32
        %broadcast_in_dim3A_1274 = vector.broadcast %broadcast_in_dim3A_1273 : i32 to vector<16x1xi32>
        %gather3A_1275 = vector.shape_cast %broadcast_in_dim3A_1274 : vector<16x1xi32> to vector<16xi32>
        %gather3A_1276 = tpu.dynamic_gather %get3A_43[%gather3A_1275] in [0] : vector<16xf32>, vector<16xi32> -> vector<16xf32>
        %mul3A_1277 = arith.constant 16 : i32
        %mul3A_1278 = arith.muli %scan3A_39, %mul3A_1277 : i32
        %add3A_1279 = arith.constant 14 : i32
        %add3A_1280 = arith.addi %mul3A_1278, %add3A_1279 : i32
        %get3A_1281 = arith.index_cast %add3A_1280 : i32 to index
        %get3A_1282 = arith.constant 0 : index
        %get3A_1283 = tpu.vector_load %arg10[%get3A_1281, %get3A_1282] {strides = array<i32>} : memref<128x128xf32, #tpu.memory_space<vmem>>, vector<1x16xf32>,
        %get3A_1284 = vector.shape_cast %get3A_1283 : vector<1x16xf32> to vector<16xf32>
        %mul3A_1285 = arith.mulf %get3A_1284, %gather3A_1276 : vector<16xf32>
        %swap3A_1286 = arith.index_cast %add3A_1280 : i32 to index
        %swap3A_1287 = arith.constant 0 : index
        %swap3A_1288 = tpu.vector_load %arg10[%swap3A_1286, %swap3A_1287] {strides = array<i32>} : memref<128x128xf32, #tpu.memory_space<vmem>>, vector<1x16xf32>,
        %swap3A_1289 = vector.shape_cast %swap3A_1288 : vector<1x16xf32> to vector<16xf32>
        %swap3A_1290 = vector.shape_cast %mul3A_1285 : vector<16xf32> to vector<1x16xf32>
        tpu.vector_store %arg10[%swap3A_1286, %swap3A_1287], %swap3A_1290 {strides = array<i32>} : memref<128x128xf32, #tpu.memory_space<vmem>>, vector<1x16xf32>,
        %get3A_1291 = arith.index_cast %add3A_1280 : i32 to index
        %get3A_1292 = arith.constant 16 : index
        %get3A_1293 = tpu.vector_load %arg10[%get3A_1291, %get3A_1292] {strides = array<i32>} : memref<128x128xf32, #tpu.memory_space<vmem>>, vector<1x16xf32>,
        %get3A_1294 = vector.shape_cast %get3A_1293 : vector<1x16xf32> to vector<16xf32>
        %mul3A_1295 = arith.mulf %get3A_1294, %gather3A_1276 : vector<16xf32>
        %swap3A_1296 = arith.index_cast %add3A_1280 : i32 to index
        %swap3A_1297 = arith.constant 16 : index
        %swap3A_1298 = tpu.vector_load %arg10[%swap3A_1296, %swap3A_1297] {strides = array<i32>} : memref<128x128xf32, #tpu.memory_space<vmem>>, vector<1x16xf32>,
        %swap3A_1299 = vector.shape_cast %swap3A_1298 : vector<1x16xf32> to vector<16xf32>
        %swap3A_1300 = vector.shape_cast %mul3A_1295 : vector<16xf32> to vector<1x16xf32>
        tpu.vector_store %arg10[%swap3A_1296, %swap3A_1297], %swap3A_1300 {strides = array<i32>} : memref<128x128xf32, #tpu.memory_space<vmem>>, vector<1x16xf32>,
        %get3A_1301 = arith.index_cast %add3A_1280 : i32 to index
        %get3A_1302 = arith.constant 32 : index
        %get3A_1303 = tpu.vector_load %arg10[%get3A_1301, %get3A_1302] {strides = array<i32>} : memref<128x128xf32, #tpu.memory_space<vmem>>, vector<1x16xf32>,
        %get3A_1304 = vector.shape_cast %get3A_1303 : vector<1x16xf32> to vector<16xf32>
        %mul3A_1305 = arith.mulf %get3A_1304, %gather3A_1276 : vector<16xf32>
        %swap3A_1306 = arith.index_cast %add3A_1280 : i32 to index
        %swap3A_1307 = arith.constant 32 : index
        %swap3A_1308 = tpu.vector_load %arg10[%swap3A_1306, %swap3A_1307] {strides = array<i32>} : memref<128x128xf32, #tpu.memory_space<vmem>>, vector<1x16xf32>,
        %swap3A_1309 = vector.shape_cast %swap3A_1308 : vector<1x16xf32> to vector<16xf32>
        %swap3A_1310 = vector.shape_cast %mul3A_1305 : vector<16xf32> to vector<1x16xf32>
        tpu.vector_store %arg10[%swap3A_1306, %swap3A_1307], %swap3A_1310 {strides = array<i32>} : memref<128x128xf32, #tpu.memory_space<vmem>>, vector<1x16xf32>,
        %get3A_1311 = arith.index_cast %add3A_1280 : i32 to index
        %get3A_1312 = arith.constant 48 : index
        %get3A_1313 = tpu.vector_load %arg10[%get3A_1311, %get3A_1312] {strides = array<i32>} : memref<128x128xf32, #tpu.memory_space<vmem>>, vector<1x16xf32>,
        %get3A_1314 = vector.shape_cast %get3A_1313 : vector<1x16xf32> to vector<16xf32>
        %mul3A_1315 = arith.mulf %get3A_1314, %gather3A_1276 : vector<16xf32>
        %swap3A_1316 = arith.index_cast %add3A_1280 : i32 to index
        %swap3A_1317 = arith.constant 48 : index
        %swap3A_1318 = tpu.vector_load %arg10[%swap3A_1316, %swap3A_1317] {strides = array<i32>} : memref<128x128xf32, #tpu.memory_space<vmem>>, vector<1x16xf32>,
        %swap3A_1319 = vector.shape_cast %swap3A_1318 : vector<1x16xf32> to vector<16xf32>
        %swap3A_1320 = vector.shape_cast %mul3A_1315 : vector<16xf32> to vector<1x16xf32>
        tpu.vector_store %arg10[%swap3A_1316, %swap3A_1317], %swap3A_1320 {strides = array<i32>} : memref<128x128xf32, #tpu.memory_space<vmem>>, vector<1x16xf32>,
        %get3A_1321 = arith.index_cast %add3A_1280 : i32 to index
        %get3A_1322 = arith.constant 64 : index
        %get3A_1323 = tpu.vector_load %arg10[%get3A_1321, %get3A_1322] {strides = array<i32>} : memref<128x128xf32, #tpu.memory_space<vmem>>, vector<1x16xf32>,
        %get3A_1324 = vector.shape_cast %get3A_1323 : vector<1x16xf32> to vector<16xf32>
        %mul3A_1325 = arith.mulf %get3A_1324, %gather3A_1276 : vector<16xf32>
        %swap3A_1326 = arith.index_cast %add3A_1280 : i32 to index
        %swap3A_1327 = arith.constant 64 : index
        %swap3A_1328 = tpu.vector_load %arg10[%swap3A_1326, %swap3A_1327] {strides = array<i32>} : memref<128x128xf32, #tpu.memory_space<vmem>>, vector<1x16xf32>,
        %swap3A_1329 = vector.shape_cast %swap3A_1328 : vector<1x16xf32> to vector<16xf32>
        %swap3A_1330 = vector.shape_cast %mul3A_1325 : vector<16xf32> to vector<1x16xf32>
        tpu.vector_store %arg10[%swap3A_1326, %swap3A_1327], %swap3A_1330 {strides = array<i32>} : memref<128x128xf32, #tpu.memory_space<vmem>>, vector<1x16xf32>,
        %get3A_1331 = arith.index_cast %add3A_1280 : i32 to index
        %get3A_1332 = arith.constant 80 : index
        %get3A_1333 = tpu.vector_load %arg10[%get3A_1331, %get3A_1332] {strides = array<i32>} : memref<128x128xf32, #tpu.memory_space<vmem>>, vector<1x16xf32>,
        %get3A_1334 = vector.shape_cast %get3A_1333 : vector<1x16xf32> to vector<16xf32>
        %mul3A_1335 = arith.mulf %get3A_1334, %gather3A_1276 : vector<16xf32>
        %swap3A_1336 = arith.index_cast %add3A_1280 : i32 to index
        %swap3A_1337 = arith.constant 80 : index
        %swap3A_1338 = tpu.vector_load %arg10[%swap3A_1336, %swap3A_1337] {strides = array<i32>} : memref<128x128xf32, #tpu.memory_space<vmem>>, vector<1x16xf32>,
        %swap3A_1339 = vector.shape_cast %swap3A_1338 : vector<1x16xf32> to vector<16xf32>
        %swap3A_1340 = vector.shape_cast %mul3A_1335 : vector<16xf32> to vector<1x16xf32>
        tpu.vector_store %arg10[%swap3A_1336, %swap3A_1337], %swap3A_1340 {strides = array<i32>} : memref<128x128xf32, #tpu.memory_space<vmem>>, vector<1x16xf32>,
        %get3A_1341 = arith.index_cast %add3A_1280 : i32 to index
        %get3A_1342 = arith.constant 96 : index
        %get3A_1343 = tpu.vector_load %arg10[%get3A_1341, %get3A_1342] {strides = array<i32>} : memref<128x128xf32, #tpu.memory_space<vmem>>, vector<1x16xf32>,
        %get3A_1344 = vector.shape_cast %get3A_1343 : vector<1x16xf32> to vector<16xf32>
        %mul3A_1345 = arith.mulf %get3A_1344, %gather3A_1276 : vector<16xf32>
        %swap3A_1346 = arith.index_cast %add3A_1280 : i32 to index
        %swap3A_1347 = arith.constant 96 : index
        %swap3A_1348 = tpu.vector_load %arg10[%swap3A_1346, %swap3A_1347] {strides = array<i32>} : memref<128x128xf32, #tpu.memory_space<vmem>>, vector<1x16xf32>,
        %swap3A_1349 = vector.shape_cast %swap3A_1348 : vector<1x16xf32> to vector<16xf32>
        %swap3A_1350 = vector.shape_cast %mul3A_1345 : vector<16xf32> to vector<1x16xf32>
        tpu.vector_store %arg10[%swap3A_1346, %swap3A_1347], %swap3A_1350 {strides = array<i32>} : memref<128x128xf32, #tpu.memory_space<vmem>>, vector<1x16xf32>,
        %get3A_1351 = arith.index_cast %add3A_1280 : i32 to index
        %get3A_1352 = arith.constant 112 : index
        %get3A_1353 = tpu.vector_load %arg10[%get3A_1351, %get3A_1352] {strides = array<i32>} : memref<128x128xf32, #tpu.memory_space<vmem>>, vector<1x16xf32>,
        %get3A_1354 = vector.shape_cast %get3A_1353 : vector<1x16xf32> to vector<16xf32>
        %mul3A_1355 = arith.mulf %get3A_1354, %gather3A_1276 : vector<16xf32>
        %swap3A_1356 = arith.index_cast %add3A_1280 : i32 to index
        %swap3A_1357 = arith.constant 112 : index
        %swap3A_1358 = tpu.vector_load %arg10[%swap3A_1356, %swap3A_1357] {strides = array<i32>} : memref<128x128xf32, #tpu.memory_space<vmem>>, vector<1x16xf32>,
        %swap3A_1359 = vector.shape_cast %swap3A_1358 : vector<1x16xf32> to vector<16xf32>
        %swap3A_1360 = vector.shape_cast %mul3A_1355 : vector<16xf32> to vector<1x16xf32>
        tpu.vector_store %arg10[%swap3A_1356, %swap3A_1357], %swap3A_1360 {strides = array<i32>} : memref<128x128xf32, #tpu.memory_space<vmem>>, vector<1x16xf32>,
        %broadcast_in_dim3A_1361 = arith.constant 15 : i32
        %broadcast_in_dim3A_1362 = vector.broadcast %broadcast_in_dim3A_1361 : i32 to vector<16x1xi32>
        %gather3A_1363 = vector.shape_cast %broadcast_in_dim3A_1362 : vector<16x1xi32> to vector<16xi32>
        %gather3A_1364 = tpu.dynamic_gather %get3A_43[%gather3A_1363] in [0] : vector<16xf32>, vector<16xi32> -> vector<16xf32>
        %mul3A_1365 = arith.constant 16 : i32
        %mul3A_1366 = arith.muli %scan3A_39, %mul3A_1365 : i32
        %add3A_1367 = arith.constant 15 : i32
        %add3A_1368 = arith.addi %mul3A_1366, %add3A_1367 : i32
        %get3A_1369 = arith.index_cast %add3A_1368 : i32 to index
        %get3A_1370 = arith.constant 0 : index
        %get3A_1371 = tpu.vector_load %arg10[%get3A_1369, %get3A_1370] {strides = array<i32>} : memref<128x128xf32, #tpu.memory_space<vmem>>, vector<1x16xf32>,
        %get3A_1372 = vector.shape_cast %get3A_1371 : vector<1x16xf32> to vector<16xf32>
        %mul3A_1373 = arith.mulf %get3A_1372, %gather3A_1364 : vector<16xf32>
        %swap3A_1374 = arith.index_cast %add3A_1368 : i32 to index
        %swap3A_1375 = arith.constant 0 : index
        %swap3A_1376 = tpu.vector_load %arg10[%swap3A_1374, %swap3A_1375] {strides = array<i32>} : memref<128x128xf32, #tpu.memory_space<vmem>>, vector<1x16xf32>,
        %swap3A_1377 = vector.shape_cast %swap3A_1376 : vector<1x16xf32> to vector<16xf32>
        %swap3A_1378 = vector.shape_cast %mul3A_1373 : vector<16xf32> to vector<1x16xf32>
        tpu.vector_store %arg10[%swap3A_1374, %swap3A_1375], %swap3A_1378 {strides = array<i32>} : memref<128x128xf32, #tpu.memory_space<vmem>>, vector<1x16xf32>,
        %get3A_1379 = arith.index_cast %add3A_1368 : i32 to index
        %get3A_1380 = arith.constant 16 : index
        %get3A_1381 = tpu.vector_load %arg10[%get3A_1379, %get3A_1380] {strides = array<i32>} : memref<128x128xf32, #tpu.memory_space<vmem>>, vector<1x16xf32>,
        %get3A_1382 = vector.shape_cast %get3A_1381 : vector<1x16xf32> to vector<16xf32>
        %mul3A_1383 = arith.mulf %get3A_1382, %gather3A_1364 : vector<16xf32>
        %swap3A_1384 = arith.index_cast %add3A_1368 : i32 to index
        %swap3A_1385 = arith.constant 16 : index
        %swap3A_1386 = tpu.vector_load %arg10[%swap3A_1384, %swap3A_1385] {strides = array<i32>} : memref<128x128xf32, #tpu.memory_space<vmem>>, vector<1x16xf32>,
        %swap3A_1387 = vector.shape_cast %swap3A_1386 : vector<1x16xf32> to vector<16xf32>
        %swap3A_1388 = vector.shape_cast %mul3A_1383 : vector<16xf32> to vector<1x16xf32>
        tpu.vector_store %arg10[%swap3A_1384, %swap3A_1385], %swap3A_1388 {strides = array<i32>} : memref<128x128xf32, #tpu.memory_space<vmem>>, vector<1x16xf32>,
        %get3A_1389 = arith.index_cast %add3A_1368 : i32 to index
        %get3A_1390 = arith.constant 32 : index
        %get3A_1391 = tpu.vector_load %arg10[%get3A_1389, %get3A_1390] {strides = array<i32>} : memref<128x128xf32, #tpu.memory_space<vmem>>, vector<1x16xf32>,
        %get3A_1392 = vector.shape_cast %get3A_1391 : vector<1x16xf32> to vector<16xf32>
        %mul3A_1393 = arith.mulf %get3A_1392, %gather3A_1364 : vector<16xf32>
        %swap3A_1394 = arith.index_cast %add3A_1368 : i32 to index
        %swap3A_1395 = arith.constant 32 : index
        %swap3A_1396 = tpu.vector_load %arg10[%swap3A_1394, %swap3A_1395] {strides = array<i32>} : memref<128x128xf32, #tpu.memory_space<vmem>>, vector<1x16xf32>,
        %swap3A_1397 = vector.shape_cast %swap3A_1396 : vector<1x16xf32> to vector<16xf32>
        %swap3A_1398 = vector.shape_cast %mul3A_1393 : vector<16xf32> to vector<1x16xf32>
        tpu.vector_store %arg10[%swap3A_1394, %swap3A_1395], %swap3A_1398 {strides = array<i32>} : memref<128x128xf32, #tpu.memory_space<vmem>>, vector<1x16xf32>,
        %get3A_1399 = arith.index_cast %add3A_1368 : i32 to index
        %get3A_1400 = arith.constant 48 : index
        %get3A_1401 = tpu.vector_load %arg10[%get3A_1399, %get3A_1400] {strides = array<i32>} : memref<128x128xf32, #tpu.memory_space<vmem>>, vector<1x16xf32>,
        %get3A_1402 = vector.shape_cast %get3A_1401 : vector<1x16xf32> to vector<16xf32>
        %mul3A_1403 = arith.mulf %get3A_1402, %gather3A_1364 : vector<16xf32>
        %swap3A_1404 = arith.index_cast %add3A_1368 : i32 to index
        %swap3A_1405 = arith.constant 48 : index
        %swap3A_1406 = tpu.vector_load %arg10[%swap3A_1404, %swap3A_1405] {strides = array<i32>} : memref<128x128xf32, #tpu.memory_space<vmem>>, vector<1x16xf32>,
        %swap3A_1407 = vector.shape_cast %swap3A_1406 : vector<1x16xf32> to vector<16xf32>
        %swap3A_1408 = vector.shape_cast %mul3A_1403 : vector<16xf32> to vector<1x16xf32>
        tpu.vector_store %arg10[%swap3A_1404, %swap3A_1405], %swap3A_1408 {strides = array<i32>} : memref<128x128xf32, #tpu.memory_space<vmem>>, vector<1x16xf32>,
        %get3A_1409 = arith.index_cast %add3A_1368 : i32 to index
        %get3A_1410 = arith.constant 64 : index
        %get3A_1411 = tpu.vector_load %arg10[%get3A_1409, %get3A_1410] {strides = array<i32>} : memref<128x128xf32, #tpu.memory_space<vmem>>, vector<1x16xf32>,
        %get3A_1412 = vector.shape_cast %get3A_1411 : vector<1x16xf32> to vector<16xf32>
        %mul3A_1413 = arith.mulf %get3A_1412, %gather3A_1364 : vector<16xf32>
        %swap3A_1414 = arith.index_cast %add3A_1368 : i32 to index
        %swap3A_1415 = arith.constant 64 : index
        %swap3A_1416 = tpu.vector_load %arg10[%swap3A_1414, %swap3A_1415] {strides = array<i32>} : memref<128x128xf32, #tpu.memory_space<vmem>>, vector<1x16xf32>,
        %swap3A_1417 = vector.shape_cast %swap3A_1416 : vector<1x16xf32> to vector<16xf32>
        %swap3A_1418 = vector.shape_cast %mul3A_1413 : vector<16xf32> to vector<1x16xf32>
        tpu.vector_store %arg10[%swap3A_1414, %swap3A_1415], %swap3A_1418 {strides = array<i32>} : memref<128x128xf32, #tpu.memory_space<vmem>>, vector<1x16xf32>,
        %get3A_1419 = arith.index_cast %add3A_1368 : i32 to index
        %get3A_1420 = arith.constant 80 : index
        %get3A_1421 = tpu.vector_load %arg10[%get3A_1419, %get3A_1420] {strides = array<i32>} : memref<128x128xf32, #tpu.memory_space<vmem>>, vector<1x16xf32>,
        %get3A_1422 = vector.shape_cast %get3A_1421 : vector<1x16xf32> to vector<16xf32>
        %mul3A_1423 = arith.mulf %get3A_1422, %gather3A_1364 : vector<16xf32>
        %swap3A_1424 = arith.index_cast %add3A_1368 : i32 to index
        %swap3A_1425 = arith.constant 80 : index
        %swap3A_1426 = tpu.vector_load %arg10[%swap3A_1424, %swap3A_1425] {strides = array<i32>} : memref<128x128xf32, #tpu.memory_space<vmem>>, vector<1x16xf32>,
        %swap3A_1427 = vector.shape_cast %swap3A_1426 : vector<1x16xf32> to vector<16xf32>
        %swap3A_1428 = vector.shape_cast %mul3A_1423 : vector<16xf32> to vector<1x16xf32>
        tpu.vector_store %arg10[%swap3A_1424, %swap3A_1425], %swap3A_1428 {strides = array<i32>} : memref<128x128xf32, #tpu.memory_space<vmem>>, vector<1x16xf32>,
        %get3A_1429 = arith.index_cast %add3A_1368 : i32 to index
        %get3A_1430 = arith.constant 96 : index
        %get3A_1431 = tpu.vector_load %arg10[%get3A_1429, %get3A_1430] {strides = array<i32>} : memref<128x128xf32, #tpu.memory_space<vmem>>, vector<1x16xf32>,
        %get3A_1432 = vector.shape_cast %get3A_1431 : vector<1x16xf32> to vector<16xf32>
        %mul3A_1433 = arith.mulf %get3A_1432, %gather3A_1364 : vector<16xf32>
        %swap3A_1434 = arith.index_cast %add3A_1368 : i32 to index
        %swap3A_1435 = arith.constant 96 : index
        %swap3A_1436 = tpu.vector_load %arg10[%swap3A_1434, %swap3A_1435] {strides = array<i32>} : memref<128x128xf32, #tpu.memory_space<vmem>>, vector<1x16xf32>,
        %swap3A_1437 = vector.shape_cast %swap3A_1436 : vector<1x16xf32> to vector<16xf32>
        %swap3A_1438 = vector.shape_cast %mul3A_1433 : vector<16xf32> to vector<1x16xf32>
        tpu.vector_store %arg10[%swap3A_1434, %swap3A_1435], %swap3A_1438 {strides = array<i32>} : memref<128x128xf32, #tpu.memory_space<vmem>>, vector<1x16xf32>,
        %get3A_1439 = arith.index_cast %add3A_1368 : i32 to index
        %get3A_1440 = arith.constant 112 : index
        %get3A_1441 = tpu.vector_load %arg10[%get3A_1439, %get3A_1440] {strides = array<i32>} : memref<128x128xf32, #tpu.memory_space<vmem>>, vector<1x16xf32>,
        %get3A_1442 = vector.shape_cast %get3A_1441 : vector<1x16xf32> to vector<16xf32>
        %mul3A_1443 = arith.mulf %get3A_1442, %gather3A_1364 : vector<16xf32>
        %swap3A_1444 = arith.index_cast %add3A_1368 : i32 to index
        %swap3A_1445 = arith.constant 112 : index
        %swap3A_1446 = tpu.vector_load %arg10[%swap3A_1444, %swap3A_1445] {strides = array<i32>} : memref<128x128xf32, #tpu.memory_space<vmem>>, vector<1x16xf32>,
        %swap3A_1447 = vector.shape_cast %swap3A_1446 : vector<1x16xf32> to vector<16xf32>
        %swap3A_1448 = vector.shape_cast %mul3A_1443 : vector<16xf32> to vector<1x16xf32>
        tpu.vector_store %arg10[%swap3A_1444, %swap3A_1445], %swap3A_1448 {strides = array<i32>} : memref<128x128xf32, #tpu.memory_space<vmem>>, vector<1x16xf32>,
      }
      %scan3A_38 = arith.constant 8 : i32
      "tpu.region"() ({
        %run_scoped3A = tpu.sem_alloc : memref<!tpu.dma_semaphore, #tpu.memory_space<semaphore_mem>>
        %dma_start3A_39 = arith.constant 0 : i32
        %dma_start3A_40 = arith.constant 0 : i32
        %dma_start3A_41 = tpu.memref_slice %arg12[%dma_start3A_39, %dma_start3A_40] : memref<10240x128xf32, #tpu.memory_space<vmem_shared>> -> memref<10240x128xf32, #tpu.memory_space<vmem_shared>>
        tpu.enqueue_indirect_dma source(%arg10 : memref<128x128xf32, #tpu.memory_space<vmem>>) target(%dma_start3A_41 : memref<10240x128xf32, #tpu.memory_space<vmem_shared>>) offsets(%arg8 : memref<128xi32, #tpu.memory_space<vmem>>) semaphore(%run_scoped3A : memref<!tpu.dma_semaphore, #tpu.memory_space<semaphore_mem>>) {add = true}
        %dma_wait3A_42 = arith.constant 0 : i32
        %dma_wait3A_43 = arith.constant 0 : i32
        %dma_wait3A_44 = tpu.memref_slice %arg12[%dma_wait3A_42, %dma_wait3A_43] : memref<10240x128xf32, #tpu.memory_space<vmem_shared>> -> memref<10240x128xf32, #tpu.memory_space<vmem_shared>>
        tpu.wait_indirect_dma semaphore(%run_scoped3A : memref<!tpu.dma_semaphore, #tpu.memory_space<semaphore_mem>>) src(%arg10 : memref<128x128xf32, #tpu.memory_space<vmem>>) dst(%dma_wait3A_44 : memref<10240x128xf32, #tpu.memory_space<vmem_shared>>)
        tpu.yield
      }) : () -> ()
    }
    %scan3A_17 = arith.constant 79 : i32
    %barrier3A_18 = arith.constant 0 : index
    tpu.barrier barrier_id(%barrier3A_18)
    %mul3A_19 = arith.constant 640 : i32
    %mul3A_20 = arith.muli %arg1, %mul3A_19 : i32
    %mul3A_21 = arith.constant 640 : i32
    %mul3A_22 = arith.muli %arg1, %mul3A_21 : i32
    "tpu.region"() ({
      %run_scoped3A = tpu.sem_alloc : memref<!tpu.dma_semaphore, #tpu.memory_space<semaphore_mem>>
      %dma_start3A = arith.constant 0 : i32
      %dma_start3A_23 = tpu.memref_slice %arg6[%arg0, %mul3A_22, %dma_start3A] : memref<2x10240x128xf32, #tpu.memory_space<hbm>> -> memref<1x640x128xf32, #tpu.memory_space<hbm>>
      %dma_start3A_24 = tpu.memref_squeeze %dma_start3A_23 : memref<1x640x128xf32, #tpu.memory_space<hbm>> -> memref<640x128xf32, #tpu.memory_space<hbm>>
      %dma_start3A_25 = arith.constant 0 : i32
      %dma_start3A_26 = tpu.memref_slice %arg12[%mul3A_20, %dma_start3A_25] : memref<10240x128xf32, #tpu.memory_space<vmem_shared>> -> memref<640x128xf32, #tpu.memory_space<vmem_shared>>
      tpu.enqueue_dma source(%dma_start3A_26 : memref<640x128xf32, #tpu.memory_space<vmem_shared>>) target(%dma_start3A_24 : memref<640x128xf32, #tpu.memory_space<hbm>>) target_semaphore(%run_scoped3A : memref<!tpu.dma_semaphore, #tpu.memory_space<semaphore_mem>>)
      %dma_wait3A = arith.constant 0 : i32
      %dma_wait3A_27 = tpu.memref_slice %arg6[%arg0, %mul3A_22, %dma_wait3A] : memref<2x10240x128xf32, #tpu.memory_space<hbm>> -> memref<1x640x128xf32, #tpu.memory_space<hbm>>
      %dma_wait3A_28 = tpu.memref_squeeze %dma_wait3A_27 : memref<1x640x128xf32, #tpu.memory_space<hbm>> -> memref<640x128xf32, #tpu.memory_space<hbm>>
      %dma_wait3A_29 = arith.constant 0 : i32
      %dma_wait3A_30 = tpu.memref_slice %arg12[%mul3A_20, %dma_wait3A_29] : memref<10240x128xf32, #tpu.memory_space<vmem_shared>> -> memref<640x128xf32, #tpu.memory_space<vmem_shared>>
      tpu.wait_dma2 semaphore(%run_scoped3A : memref<!tpu.dma_semaphore, #tpu.memory_space<semaphore_mem>>) src(%dma_wait3A_30 : memref<640x128xf32, #tpu.memory_space<vmem_shared>>) dst(%dma_wait3A_28 : memref<640x128xf32, #tpu.memory_space<hbm>>)
      tpu.yield
    }) : () -> ()
    return
  }
}

module attributes {stable_mosaic.version = 14 : i64} {
  func.func @_tc_h1_body(%arg0: i32, %arg1: memref<1024x128xf32, #tpu.memory_space<vmem>>, %arg2: memref<128x128xf32, #tpu.memory_space<vmem>>, %arg3: memref<1024x1xf32, #tpu.memory_space<vmem>>, %arg4: memref<1024x1xf32, #tpu.memory_space<vmem>>, %arg5: memref<1024x128xf32, #tpu.memory_space<vmem>>, %arg6: memref<1024x1xf32, #tpu.memory_space<vmem>>) attributes {dimension_semantics = [#tpu.dimension_semantics<arbitrary>], iteration_bounds = array<i64: 10>, scalar_prefetch = 0 : i64, scratch_operands = 0 : i64, tpu.core_type = #tpu.core_type<tc>, window_params = [{transform_indices = @transform_0, window_bounds = array<i64: 1024, 128>}, {pipeline_mode = #tpu.pipeline_mode<synchronous>, transform_indices = @transform_1, window_bounds = array<i64: 128, 128>}, {transform_indices = @transform_2, window_bounds = array<i64: 1024, 1>}, {transform_indices = @transform_3, window_bounds = array<i64: 1024, 1>}, {transform_indices = @transform_4, window_bounds = array<i64: 1024, 128>}, {transform_indices = @transform_5, window_bounds = array<i64: 1024, 1>}]} {
    %get3A = arith.constant 0 : index
    %get3A_0 = arith.constant 0 : index
    %get3A_1 = vector.load %arg3[%get3A, %get3A_0] : memref<1024x1xf32, #tpu.memory_space<vmem>>, vector<1024x1xf32>
    %get3A_2 = arith.constant 0 : index
    %get3A_3 = arith.constant 0 : index
    %get3A_4 = vector.load %arg4[%get3A_2, %get3A_3] : memref<1024x1xf32, #tpu.memory_space<vmem>>, vector<1024x1xf32>
    %add3A = arith.addf %get3A_1, %get3A_4 : vector<1024x1xf32>
    %add3A_5 = arith.constant 1.000000e+00 : f32
    %add3A_6 = vector.broadcast %add3A_5 : f32 to vector<1024x1xf32>
    %add3A_7 = arith.addf %add3A, %add3A_6 : vector<1024x1xf32>
    %rsqrt3A = math.rsqrt %add3A_7 : vector<1024x1xf32>
    %get3A_8 = arith.constant 0 : index
    %get3A_9 = arith.constant 0 : index
    %get3A_10 = vector.load %arg1[%get3A_8, %get3A_9] : memref<1024x128xf32, #tpu.memory_space<vmem>>, vector<1024x128xf32>
    %get3A_11 = arith.constant 0 : index
    %get3A_12 = arith.constant 0 : index
    %get3A_13 = vector.load %arg2[%get3A_11, %get3A_12] : memref<128x128xf32, #tpu.memory_space<vmem>>, vector<128x128xf32>
    %dot_general3A = arith.constant dense<0.000000e+00> : vector<1024x128xf32>
    %dot_general3A_14 = tpu.matmul %get3A_10, %get3A_13, %dot_general3A {dimension_numbers = #tpu.dot_dimension_numbers<[1], [0], [0], [1], [0, 0, 1, 1], [], []>, transpose_lhs_hint = false} : vector<1024x128xf32>, vector<128x128xf32>, vector<1024x128xf32> -> vector<1024x128xf32>
    %mul3A = vector.broadcast %rsqrt3A : vector<1024x1xf32> to vector<1024x128xf32>
    %mul3A_15 = arith.mulf %dot_general3A_14, %mul3A : vector<1024x128xf32>
    %swap3A = arith.constant 0 : index
    %swap3A_16 = arith.constant 0 : index
    %swap3A_17 = vector.load %arg5[%swap3A, %swap3A_16] : memref<1024x128xf32, #tpu.memory_space<vmem>>, vector<1024x128xf32>
    tpu.vector_store %arg5[%swap3A, %swap3A_16], %mul3A_15 {strides = array<i32>} : memref<1024x128xf32, #tpu.memory_space<vmem>>, vector<1024x128xf32>,
    %swap3A_18 = arith.constant 0 : index
    %swap3A_19 = arith.constant 0 : index
    %swap3A_20 = vector.load %arg6[%swap3A_18, %swap3A_19] : memref<1024x1xf32, #tpu.memory_space<vmem>>, vector<1024x1xf32>
    tpu.vector_store %arg6[%swap3A_18, %swap3A_19], %rsqrt3A {strides = array<i32>} : memref<1024x1xf32, #tpu.memory_space<vmem>>, vector<1024x1xf32>,
    return
  }
  func.func @transform_0(%arg0: i32) -> (i32, i32) {
    %c0_i32 = arith.constant 0 : i32
    %c0_i32_0 = arith.constant 0 : i32
    return %arg0, %c0_i32 : i32, i32
  }
  func.func @transform_1(%arg0: i32) -> (i32, i32) {
    %c0_i32 = arith.constant 0 : i32
    %c0_i32_0 = arith.constant 0 : i32
    %c0_i32_1 = arith.constant 0 : i32
    return %c0_i32, %c0_i32_0 : i32, i32
  }
  func.func @transform_2(%arg0: i32) -> (i32, i32) {
    %c0_i32 = arith.constant 0 : i32
    %c0_i32_0 = arith.constant 0 : i32
    return %arg0, %c0_i32 : i32, i32
  }
  func.func @transform_3(%arg0: i32) -> (i32, i32) {
    %c0_i32 = arith.constant 0 : i32
    %c0_i32_0 = arith.constant 0 : i32
    return %arg0, %c0_i32 : i32, i32
  }
  func.func @transform_4(%arg0: i32) -> (i32, i32) {
    %c0_i32 = arith.constant 0 : i32
    %c0_i32_0 = arith.constant 0 : i32
    return %arg0, %c0_i32 : i32, i32
  }
  func.func @transform_5(%arg0: i32) -> (i32, i32) {
    %c0_i32 = arith.constant 0 : i32
    %c0_i32_0 = arith.constant 0 : i32
    return %arg0, %c0_i32 : i32, i32
  }
}

module attributes {stable_mosaic.version = 14 : i64} {
  func.func @_tc_head_body(%arg0: i32, %arg1: memref<1024x128xf32, #tpu.memory_space<vmem>>, %arg2: memref<1024x128xf32, #tpu.memory_space<vmem>>, %arg3: memref<1024x128xf32, #tpu.memory_space<vmem>>, %arg4: memref<1024x1xf32, #tpu.memory_space<vmem>>, %arg5: memref<1x128xf32, #tpu.memory_space<vmem>>, %arg6: memref<128x1xf32, #tpu.memory_space<vmem>>, %arg7: memref<1x1xf32, #tpu.memory_space<vmem>>, %arg8: memref<1024x1xf32, #tpu.memory_space<vmem>>) attributes {dimension_semantics = [#tpu.dimension_semantics<arbitrary>], iteration_bounds = array<i64: 10>, scalar_prefetch = 0 : i64, scratch_operands = 0 : i64, tpu.core_type = #tpu.core_type<tc>, window_params = [{transform_indices = @transform_0, window_bounds = array<i64: 1024, 128>}, {transform_indices = @transform_1, window_bounds = array<i64: 1024, 128>}, {transform_indices = @transform_2, window_bounds = array<i64: 1024, 128>}, {transform_indices = @transform_3, window_bounds = array<i64: 1024, 1>}, {pipeline_mode = #tpu.pipeline_mode<synchronous>, transform_indices = @transform_4, window_bounds = array<i64: 1, 128>}, {pipeline_mode = #tpu.pipeline_mode<synchronous>, transform_indices = @transform_5, window_bounds = array<i64: 128, 1>}, {pipeline_mode = #tpu.pipeline_mode<synchronous>, transform_indices = @transform_6, window_bounds = array<i64: 1, 1>}, {transform_indices = @transform_7, window_bounds = array<i64: 1024, 1>}]} {
    %get3A = arith.constant 0 : index
    %get3A_0 = arith.constant 0 : index
    %get3A_1 = vector.load %arg1[%get3A, %get3A_0] : memref<1024x128xf32, #tpu.memory_space<vmem>>, vector<1024x128xf32>
    %get3A_2 = arith.constant 0 : index
    %get3A_3 = arith.constant 0 : index
    %get3A_4 = vector.load %arg2[%get3A_2, %get3A_3] : memref<1024x128xf32, #tpu.memory_space<vmem>>, vector<1024x128xf32>
    %add3A = arith.addf %get3A_1, %get3A_4 : vector<1024x128xf32>
    %get3A_5 = arith.constant 0 : index
    %get3A_6 = arith.constant 0 : index
    %get3A_7 = vector.load %arg3[%get3A_5, %get3A_6] : memref<1024x128xf32, #tpu.memory_space<vmem>>, vector<1024x128xf32>
    %add3A_8 = arith.addf %add3A, %get3A_7 : vector<1024x128xf32>
    %get3A_9 = arith.constant 0 : index
    %get3A_10 = arith.constant 0 : index
    %get3A_11 = vector.load %arg4[%get3A_9, %get3A_10] : memref<1024x1xf32, #tpu.memory_space<vmem>>, vector<1024x1xf32>
    %mul3A = vector.broadcast %get3A_11 : vector<1024x1xf32> to vector<1024x128xf32>
    %mul3A_12 = arith.mulf %add3A_8, %mul3A : vector<1024x128xf32>
    %get3A_13 = arith.constant 0 : index
    %get3A_14 = arith.constant 0 : index
    %get3A_15 = vector.load %arg5[%get3A_13, %get3A_14] : memref<1x128xf32, #tpu.memory_space<vmem>>, vector<1x128xf32>
    %add3A_16 = vector.broadcast %get3A_15 : vector<1x128xf32> to vector<1024x128xf32>
    %add3A_17 = arith.addf %mul3A_12, %add3A_16 : vector<1024x128xf32>
    %max3A = arith.constant 0.000000e+00 : f32
    %max3A_18 = vector.broadcast %max3A : f32 to vector<1024x128xf32>
    %max3A_19 = arith.maximumf %add3A_17, %max3A_18 : vector<1024x128xf32>
    %get3A_20 = arith.constant 0 : index
    %get3A_21 = arith.constant 0 : index
    %get3A_22 = vector.load %arg6[%get3A_20, %get3A_21] : memref<128x1xf32, #tpu.memory_space<vmem>>, vector<128x1xf32>
    %dot_general3A = arith.constant dense<0.000000e+00> : vector<1024x1xf32>
    %dot_general3A_23 = tpu.matmul %max3A_19, %get3A_22, %dot_general3A {dimension_numbers = #tpu.dot_dimension_numbers<[1], [0], [0], [1], [0, 0, 1, 1], [], []>, transpose_lhs_hint = false} : vector<1024x128xf32>, vector<128x1xf32>, vector<1024x1xf32> -> vector<1024x1xf32>
    %get3A_24 = arith.constant 0 : index
    %get3A_25 = arith.constant 0 : index
    %get3A_26 = vector.load %arg7[%get3A_24, %get3A_25] : memref<1x1xf32, #tpu.memory_space<vmem>>, vector<1x1xf32>
    %add3A_27 = vector.broadcast %get3A_26 : vector<1x1xf32> to vector<1024x1xf32>
    %add3A_28 = arith.addf %dot_general3A_23, %add3A_27 : vector<1024x1xf32>
    %logistic3A = arith.negf %add3A_28 : vector<1024x1xf32>
    %logistic3A_29 = math.exp %logistic3A : vector<1024x1xf32>
    %logistic3A_30 = arith.constant 1.000000e+00 : f32
    %logistic3A_31 = vector.broadcast %logistic3A_30 : f32 to vector<1024x1xf32>
    %logistic3A_32 = arith.addf %logistic3A_31, %logistic3A_29 : vector<1024x1xf32>
    %logistic3A_33 = arith.divf %logistic3A_31, %logistic3A_32 : vector<1024x1xf32>
    %swap3A = arith.constant 0 : index
    %swap3A_34 = arith.constant 0 : index
    %swap3A_35 = vector.load %arg8[%swap3A, %swap3A_34] : memref<1024x1xf32, #tpu.memory_space<vmem>>, vector<1024x1xf32>
    tpu.vector_store %arg8[%swap3A, %swap3A_34], %logistic3A_33 {strides = array<i32>} : memref<1024x1xf32, #tpu.memory_space<vmem>>, vector<1024x1xf32>,
    return
  }
  func.func @transform_0(%arg0: i32) -> (i32, i32) {
    %c0_i32 = arith.constant 0 : i32
    %c0_i32_0 = arith.constant 0 : i32
    return %arg0, %c0_i32 : i32, i32
  }
  func.func @transform_1(%arg0: i32) -> (i32, i32) {
    %c0_i32 = arith.constant 0 : i32
    %c0_i32_0 = arith.constant 0 : i32
    return %arg0, %c0_i32 : i32, i32
  }
  func.func @transform_2(%arg0: i32) -> (i32, i32) {
    %c0_i32 = arith.constant 0 : i32
    %c0_i32_0 = arith.constant 0 : i32
    return %arg0, %c0_i32 : i32, i32
  }
  func.func @transform_3(%arg0: i32) -> (i32, i32) {
    %c0_i32 = arith.constant 0 : i32
    %c0_i32_0 = arith.constant 0 : i32
    return %arg0, %c0_i32 : i32, i32
  }
  func.func @transform_4(%arg0: i32) -> (i32, i32) {
    %c0_i32 = arith.constant 0 : i32
    %c0_i32_0 = arith.constant 0 : i32
    %c0_i32_1 = arith.constant 0 : i32
    return %c0_i32, %c0_i32_0 : i32, i32
  }
  func.func @transform_5(%arg0: i32) -> (i32, i32) {
    %c0_i32 = arith.constant 0 : i32
    %c0_i32_0 = arith.constant 0 : i32
    %c0_i32_1 = arith.constant 0 : i32
    return %c0_i32, %c0_i32_0 : i32, i32
  }
  func.func @transform_6(%arg0: i32) -> (i32, i32) {
    %c0_i32 = arith.constant 0 : i32
    %c0_i32_0 = arith.constant 0 : i32
    %c0_i32_1 = arith.constant 0 : i32
    return %c0_i32, %c0_i32_0 : i32, i32
  }
  func.func @transform_7(%arg0: i32) -> (i32, i32) {
    %c0_i32 = arith.constant 0 : i32
    %c0_i32_0 = arith.constant 0 : i32
    return %arg0, %c0_i32 : i32, i32
  }
}

</mosaic_0001>

<sc_bundles>
// kernel: kernel.6.cloned.1.call-start
scs
__scs_entry_jumppad:
0x0: {  	(pc) =	sbr.rel $0x88, $3  }
0x1: {  	(tag) =	ssettag $0x0;
	lr =	simm.s32 $0x1  }
0x2: {  	[smem:$0x3F9A] =	sst lr;
	_ =	strace $0xD0000000  }
0x3: {  	_ = 	snop  }
0x4: {  	_ = 	snop  }
0x5: {  	_ = 	snop  }
0x6: {  	_ = 	snop  }
0x7: {  	_ = 	snop  }
__scs_overlays_trampoline_lowered:
0x8: {  	[smem:$0x3FA9] =	sst s0  }
0x9: {  	[smem:$0x3FAA] =	sst s1  }
0xa: {  	[smem:$0x3FAB] =	sst s2  }
0xb: {  	[smem:$0x3FAC] =	sst s3  }
0xc: {  	[smem:$0x3FAD] =	sst s4  }
0xd: {  	[smem:$0x3FAE] =	sst s5  }
0xe: {  	[smem:$0x3FAF] =	sst s6  }
0xf: {  	[smem:$0x3FB0] =	sst s7  }
0x10: {  	[smem:$0x3FB1] =	sst s8  }
0x11: {  	[smem:$0x3FB2] =	sst s9;
	s0 =	simm.s32 @!p0 $0x0  }
0x12: {  	s1 =	sld [smem:$0x3F98];
	s0 =	simm.s32 @p0 $0x1  }
0x13: {  	[smem:$0x3FB3] =	sst s0;
	s0 =	simm.s32 @!p1 $0x0  }
0x14: {  	s2 =	sld [smem:$0x3F97];
	s0 =	simm.s32 @p1 $0x1  }
0x15: {  	[smem:$0x3FB4] =	sst s0;
	s0 =	simm.s32 @!p2 $0x0  }
0x16: {  	s3 =	sld [smem:$0x3FDB];
	s0 =	simm.s32 @p2 $0x1  }
0x17: {  	s4 =	simm.s32 $0x1BF5;
	[smem:$0x3FB6] =	sst s0  }
0x18: {  	s0 =	sld [smem:$0x3F99];
	_ =	swait.ge [sflag:s4], $0x0  }
0x19: {  	s7 =	sld [smem:$0x3F9A]  }
0x1a: {  	s8 =	sadd.s32 $0xFFFFE003, lr  }
0x1b: {  	s9 =	sadd.s32 $0xFFFFFEF7, lr;
	s5 =	simm.s32 $0xFFFFFFFF;
	p2 =	slt.u32 s8, $0xFFFFF086  }
0x1c: {  	p1 =	slt.u32 s9, $0xF7A;
	s5 =	simm.s32 @!p2 $0x0  }
0x1d: {  	s5 =	simm.s32 @p1 $0x1;
	p0 =	seq.s32 s7, s2  }
0x1e: {  	s7 =	smul.u32 @!p0 $0xF7A, s2;
	p2 =	seq.s32 @!p0 s5, $0x0  }
0x1f: {  	s9 =	smul.u32 $0xF7A, s1;
	s8 =	simm.s32 @!p0 $0x1BF5;
	p2 =	por !p2, p0  }
0x20: {  	[sflag:s8] =	ssyncset.s32 @!p0 $0xFFFFF086;
	s6 =	sadd.s32 @!p0 s3, s7;
	s7 =	simm.s32 @!p0 $0x108  }
0x21: {  	s3 =	sadd.s32 s3, s9;
	s6 =	sadd.s32 @!p0 $0x88, s6;
	s7 =	simm.s32 @p2 $0x1082  }
0x22: {  	[simem:s7], [sflag:s8] =	dma.local @!p0 [hbm:s6], $0xF7A  }
0x23: {  	s9 =	sor.u32 $0xD0000000, s2;
	s6 =	simm.s32 $0x108;
	_ =	swait.ge @!p0 [sflag:s8], $0x0  }
0x24: {  	s3 =	sadd.s32 $0x88, s3;
	s6 =	simm.s32 @!p1 $0x1082;
	[sflag:s4] =	ssyncset.s32 $0xFFFFF086  }
0x25: {  	[simem:s6], [sflag:s4] =	dma.local [hbm:s3], $0xF7A  }
0x26: {  	[smem:$0x3F9A] =	sst s1;
	(tag) =	ssettag s2;
	_ =	strace s9  }
0x27: {  	s1 =	sld [smem:$0x3FAA]  }
0x28: {  	s2 =	sld [smem:$0x3FAB]  }
0x29: {  	s4 =	sld [smem:$0x3FAD]  }
0x2a: {  	p0 =	seq.s32 s5, $0x0;
	s5 =	sld [smem:$0x3FAE]  }
0x2b: {  	s6 =	sld [smem:$0x3FAF]  }
0x2c: {  	s7 =	sld [smem:$0x3FB0]  }
0x2d: {  	s3 =	simm.s32 $0x108;
	s8 =	sld [smem:$0x3FB1]  }
0x2e: {  	s3 =	simm.s32 @!p0 $0x1082;
	s9 =	sld [smem:$0x3FB2]  }
0x2f: {  	lr =	sadd.s32 s0, s3;
	s0 =	sld [smem:$0x3FA9]  }
0x30: {  	s3 =	sld [smem:$0x3FAC]  }
0x31: {  	[smem:$0x3FB5] =	sst s10  }
0x32: {  	s10 =	sld [smem:$0x3FB3];
	_ =	sdelay $0x3  }
0x33: {  	p0 =	seq.s32 s10, $0x1;
	s10 =	sld [smem:$0x3FB5];
	_ =	sdelay $0x3  }
0x34: {  	[smem:$0x3FB5] =	sst s10  }
0x35: {  	s10 =	sld [smem:$0x3FB4];
	_ =	sdelay $0x3  }
0x36: {  	p1 =	seq.s32 s10, $0x1;
	s10 =	sld [smem:$0x3FB5];
	_ =	sdelay $0x3  }
0x37: {  	[smem:$0x3FB5] =	sst s10  }
0x38: {  	s10 =	sld [smem:$0x3FB6]  }
0x39: {  	_ = 	snop;
	(pc) =	sbr.ind lr, $3  }
0x3a: {  	_ = 	snop  }
0x3b: {  	_ = 	snop  }
0x3c: {  	p2 =	seq.s32 s10, $0x1;
	s10 =	sld [smem:$0x3FB5]  }
0x3d: {  	_ =	shalt  }
0x3e: {  	_ =	shalt  }
0x3f: {  	_ =	shalt  }
0x40: {  	_ =	shalt  }
0x41: {  	_ =	shalt  }
0x42: {  	_ =	shalt  }
0x43: {  	_ =	shalt  }
0x44: {  	_ =	shalt  }
0x45: {  	_ =	shalt  }
0x46: {  	_ =	shalt  }
0x47: {  	_ =	shalt  }
0x48: {  	_ =	shalt  }
0x49: {  	_ =	shalt  }
0x4a: {  	_ =	shalt  }
0x4b: {  	_ =	shalt  }
0x4c: {  	_ =	shalt  }
0x4d: {  	_ =	shalt  }
0x4e: {  	_ =	shalt  }
0x4f: {  	_ =	shalt  }
0x50: {  	_ =	shalt  }
0x51: {  	_ =	shalt  }
0x52: {  	_ =	shalt  }
0x53: {  	_ =	shalt  }
0x54: {  	_ =	shalt  }
0x55: {  	_ =	shalt  }
0x56: {  	_ =	shalt  }
0x57: {  	_ =	shalt  }
0x58: {  	_ =	shalt  }
0x59: {  	_ =	shalt  }
0x5a: {  	_ =	shalt  }
0x5b: {  	_ =	shalt  }
0x5c: {  	_ =	shalt  }
0x5d: {  	_ =	shalt  }
0x5e: {  	_ =	shalt  }
0x5f: {  	_ =	shalt  }
0x60: {  	_ =	shalt  }
0x61: {  	_ =	shalt  }
0x62: {  	_ =	shalt  }
0x63: {  	_ =	shalt  }
0x64: {  	_ =	shalt  }
0x65: {  	_ =	shalt  }
0x66: {  	_ =	shalt  }
0x67: {  	_ =	shalt  }
0x68: {  	_ =	shalt  }
0x69: {  	_ =	shalt  }
0x6a: {  	_ =	shalt  }
0x6b: {  	_ =	shalt  }
0x6c: {  	_ =	shalt  }
0x6d: {  	_ =	shalt  }
0x6e: {  	_ =	shalt  }
0x6f: {  	_ =	shalt  }
0x70: {  	_ =	shalt  }
0x71: {  	_ =	shalt  }
0x72: {  	_ =	shalt  }
0x73: {  	_ =	shalt  }
0x74: {  	_ =	shalt  }
0x75: {  	_ =	shalt  }
0x76: {  	_ =	shalt  }
0x77: {  	_ =	shalt  }
0x78: {  	_ =	shalt  }
0x79: {  	_ =	shalt  }
0x7a: {  	_ =	shalt  }
0x7b: {  	_ =	shalt  }
0x7c: {  	_ =	shalt  }
0x7d: {  	_ =	shalt  }
0x7e: {  	_ =	shalt  }
0x7f: {  	_ =	shalt  }
0x80: {  	_ =	shalt  }
0x81: {  	_ =	shalt  }
0x82: {  	_ =	shalt  }
0x83: {  	_ =	shalt  }
0x84: {  	_ =	shalt  }
0x85: {  	_ =	shalt  }
0x86: {  	_ =	shalt  }
0x87: {  	_ =	shalt  }
.Lfunc_end0:
.L_simem_size_0:
called_computation_lowered:
.L_overlay_start_0:
0x88: {  	s2 =	sld [smem:$0x3FD9]  }
0x89: {  	s3 =	sld [smem:$0x3FFE];
	_ =	sdelay $0x1  }
0x8a: {  	s1 =	srdreg.scid  }
0x8b: {  	s0 =	sand.u32 $0x1, s1  }
0x8c: {  	s16 =	sshll.u32 s0, $0xA;
	s2 =	sadd.s32 s3, s2  }
0x8d: {  	s2 =	sadd.s32 s2, s16  }
0x8e: {  	[smem:$0x3FC1] =	sst s2  }
0x8f: {  	_ = 	snop  }
0x90: {  	(tm) =	ssettm $0x1  }
0x91: {  	s17 =	sld [smem:$0x3FFB];
	_ =	sdelay $0x3  }
0x92: {  	_ =	strace s17  }
0x93: {  	s2 =	sld [smem:$0x3FFC];
	_ =	sdelay $0x3  }
0x94: {  	_ =	strace s2  }
0x95: {  	s2 =	sld [smem:$0x3FFD];
	_ =	sdelay $0x3  }
0x96: {  	_ =	strace s2  }
0x97: {  	_ =	strace $0x8FFFFFFF  }
0x98: {  	s18 =	sld [smem:$0x3FDB];
	_ =	sdelay $0x1  }
0x99: {  	s19 =	simm.s32 $_scs_section_size  }
0x9a: {  	s4 =	simm.s32 $_size__tile_overlayer_lowered;
	s5 =	simm.s32 $_tile_overlayer_lowered  }
0x9b: {  	s22 =	simm.s32 $0x1BFF;
	s21 =	sshll.u32 s5, $0x1;
	s2 =	sadd.s32 s19, s18  }
0x9c: {  	s6 =	simm.s32 $0x0;
	s20 =	sshll.u32 s4, $0x1;
	s4 =	sadd.s32 s21, s2  }
0x9d: {  	[timem:s6], [sflag:s22] =	dma.local [hbm:s4], s20  }
0x9e: {  	_ =	swait.ge [sflag:s22], s20  }
0x9f: {  	s3 =	ssub.s32 $0x0, s20;
	[sflag:s22] =	ssyncset.done $0x0  }
0xa0: {  	[sflag:s22] =	ssyncadd.s32 s3;
	_ =	sdelay $0x1  }
0xa1: {  	s23 =	simm.s32 $0x1B8B  }
0xa2: {  	_ =	swait.ge [sflag:s23], $0x1  }
0xa3: {  	[sflag:s23] =	ssyncset.done $0x0  }
0xa4: {  	s25 =	simm.s32 $0x1B8E;
	s24 =	sld [smem:$0x3FFE];
	[sflag:s23] =	ssyncadd.s32 $0xFFFFFFFF  }
0xa5: {  	s26 =	simm.s32 $execute0_lowered;
	[smem:$0x3FD2] =	sst s25  }
0xa6: {  	s4 =	sshll.u32 s26, $0x1;
	_ =	strace $0x80000046;
	[dreg:$0x1] =	wrdreg $0xFFFFFFFF  }
0xa7: {  	s28 =	simm.s32 $_size_execute0_lowered;
	s2 =	sadd.s32 s2, s4;
	[dreg:$0x0] =	wrdreg $0x0  }
0xa8: {  	s4 =	sshll.u32 s28, $0x1;
	[dreg:$0x2] =	wrdreg s2  }
0xa9: {  	[dreg:$0x3] =	wrdreg s4  }
0xaa: {  	[dreg:$0x4] =	wrdreg $0xC0  }
0xab: {  	_ =	task [dreg:s6], $0x5FFFF  }
0xac: {  	[dreg:$0x1] =	wrdreg $0xFFFFFFFF  }
0xad: {  	[dreg:$0x0] =	wrdreg $0x60  }
0xae: {  	[dreg:$0x2] =	wrdreg s24  }
0xaf: {  	[dreg:$0x3] =	wrdreg $0x3800  }
0xb0: {  	[dreg:$0x4] =	wrdreg $0x9  }
0xb1: {  	_ =	task.clear_ibuf [dreg:s6], $0x5FFFF;
	_ =	strace $0x90000046  }
0xb2: {  	s29 =	simm.s32 $0x9;
	_ =	strace $0x80000048  }
0xb3: {  	_ =	swait.ge [sflag:s29], $0x1  }
0xb4: {  	[sflag:s29] =	ssyncadd.s32 $0xFFFFFFFF  }
0xb5: {  	_ =	strace $0x90000048  }
0xb6: {  	_ =	sfence  }
0xb7: {  	s30 =	sld [smem:$0x0];
	_ =	sdelay $0x2  }
0xb8: {  	s31 =	sshll.u32 s1, $0xD;
	s1 =	sshrl.u32 s1, $0x2  }
0xb9: {  	s3 =	sand.u32 $0x4000, s31;
	s1 =	sadd.s32 s1, s30  }
0xba: {  	s0 =	sor.u32 s3, s0;
	s1 =	sshll.u32 s1, $0x11  }
0xbb: {  	s0 =	sor.u32 s1, s0  }
0xbc: {  	s0 =	sadd.s32 $0x8F2B, s0  }
0xbd: {  	[sflag:s0] =	ssyncadd.remote.s32 $0x1  }
0xbe: {  	_ =	sfence.sel $0xFFFF  }
0xbf: {  	[dreg:$0x0] =	wrdreg $0xFFFFFFFF;
	(pc) =	sbr.abs _section_cstart, $3  }
0xc0: {  	[dreg:$0x1] =	wrdreg $0xFFFFFFFF  }
0xc1: {  	_ =	task.clear_ibuf [dreg:s6], $0x2FFFF;
	_ =	strace $0x9FFFFFFF  }
0xc2: {  	(tm) =	ssettm $0x7FFFFFFF  }
0xc3: {  	_ =	shalt  }
tec
execute0_lowered:
.L_overlay_start_1:
0x0: {  	(tag) =	ssettag $0x1  }
0x1: {  	s4 =	rddreg [dreg:$0x0]  }
0x2: {  	s1 =	rddreg [dreg:$0x1]  }
0x3: {  	s2 =	srdreg.scid;
	s0 =	rddreg [dreg:$0x2]  }
0x4: {  	s3 =	simm.s32 $0x0;
	s11 =	simm.s32 $0x80;
	s14 =	simm.s32 $0x20  }
0x5: {  	s15 =	simm.s32 $0x10;
	s5 =	sand.u32 $0x1, s2;
	s2 =	stileid.u32  }
0x6: {  	s16 =	simm.s32 $0x0;
	[smem:$0x7FF] =	sst s3;
	s6 =	smul.u32 $0x4F00, s5  }
0x7: {  	s7 =	smul.u32 $0x500, s2;
	_ =	strace $0x80000047;
	s8 =	sshll.u32 s5, $0x7  }
0x8: {  	s5 =	ssub.s32 $0x2, s5;
	s29 =	smul.u32 $0xA00, s2;
	s12 =	sshll.u32 s2, $0x6  }
0x9: {  	s10 =	smul.u32 $0x4F0, s2;
	s9 =	sshrl.u32 s5, $0x1;
	s12 =	sor.u32 $0x1C01, s12  }
0xa: {  	s6 =	sadd.s32 s6, s4;
	s7 =	sor.u32 s8, s7;
	s9 =	ssub.s32 s5, s9  }
0xb: {  	s30 =	sshrl.u32 s29, $0x2;
	s7 =	sshrl.u32 s7, $0x3;
	s31 =	sadd.s32 s10, s6  }
0xc: {  	s6 =	smax.u32 s9, $0x1;
	s9 =	simm.s32 $0x100;
	s10 =	simm.s32 $0x1  }
0xd: {  	s7 =	sadd.s32 s7, s4;
	s4 =	sadd.s32 s30, s1;
	s8 =	sadd.s32 $0x2200, s31  }
0xe: {  	v0 =	vimm.f32 $0.0e+00;
	s5 =	sadd.s32 $0x15E00, s7;
	s7 =	sadd.s32 $0xC000, s31;
	s13 =	sshrl.u32 s4, $0x3  }
.LBB2_1:
0xf: {  	[tilespmem:$0x100] =	vst v0  }
0x10: {  	[tilespmem:$0x110] =	vst v0  }
0x11: {  	[tilespmem:$0x120] =	vst v0  }
0x12: {  	[tilespmem:$0x130] =	vst v0  }
0x13: {  	[tilespmem:$0x140] =	vst v0  }
0x14: {  	[tilespmem:$0x150] =	vst v0  }
0x15: {  	[tilespmem:$0x160] =	vst v0  }
0x16: {  	[tilespmem:$0x170] =	vst v0  }
0x17: {  	[tilespmem:$0x180] =	vst v0  }
0x18: {  	[tilespmem:$0x190] =	vst v0  }
0x19: {  	[tilespmem:$0x1A0] =	vst v0  }
0x1a: {  	[tilespmem:$0x1B0] =	vst v0  }
0x1b: {  	[tilespmem:$0x1C0] =	vst v0  }
0x1c: {  	[tilespmem:$0x1D0] =	vst v0  }
0x1d: {  	[tilespmem:$0x1E0] =	vst v0  }
0x1e: {  	[tilespmem:$0x1F0] =	vst v0  }
0x1f: {  	[tilespmem:$0x200] =	vst v0  }
0x20: {  	[tilespmem:$0x210] =	vst v0  }
0x21: {  	[tilespmem:$0x220] =	vst v0  }
0x22: {  	[tilespmem:$0x230] =	vst v0  }
0x23: {  	[tilespmem:$0x240] =	vst v0  }
0x24: {  	[tilespmem:$0x250] =	vst v0  }
0x25: {  	[tilespmem:$0x260] =	vst v0  }
0x26: {  	[tilespmem:$0x270] =	vst v0  }
0x27: {  	[tilespmem:$0x280] =	vst v0  }
0x28: {  	[tilespmem:$0x290] =	vst v0  }
0x29: {  	[tilespmem:$0x2A0] =	vst v0  }
0x2a: {  	[tilespmem:$0x2B0] =	vst v0  }
0x2b: {  	[tilespmem:$0x2C0] =	vst v0  }
0x2c: {  	[tilespmem:$0x2D0] =	vst v0  }
0x2d: {  	[tilespmem:$0x2E0] =	vst v0  }
0x2e: {  	[tilespmem:$0x2F0] =	vst v0  }
0x2f: {  	[tilespmem:$0x300] =	vst v0  }
0x30: {  	[tilespmem:$0x310] =	vst v0  }
0x31: {  	[tilespmem:$0x320] =	vst v0  }
0x32: {  	[tilespmem:$0x330] =	vst v0  }
0x33: {  	[tilespmem:$0x340] =	vst v0  }
0x34: {  	[tilespmem:$0x350] =	vst v0  }
0x35: {  	[tilespmem:$0x360] =	vst v0  }
0x36: {  	[tilespmem:$0x370] =	vst v0  }
0x37: {  	[spmem:s4] =	stream.linear.scatter [tilespmem:s9], [sflag:$0x1], $0x280, $0x38;
	[tilespmem:$0x600] =	vst v63  }
0x38: {  	_ =	swait.ge [sflag:s10], $0x280  }
0x39: {  	[sflag:s10] =	ssyncset.done $0x0  }
0x3a: {  	[sflag:s10] =	ssyncadd.s32 $0xFFFFFD80  }
0x3b: {  	s17 =	sadd.s32 $0x0, s8;
	[bflag:$0x0] =	sbarrier.arrive $0xFFFF  }
0x3c: {  	[tilespmem:s3], [sflag:$0x1] =	stream.linear.gather [hbm4b:s17+s3], $0x80, $0x38;
	[tilespmem:$0x600] =	vst v63  }
0x3d: {  	_ =	swait.ge [sflag:s10], $0x80  }
0x3e: {  	[sflag:s10] =	ssyncset.done $0x0  }
0x3f: {  	s31 =	sadd.s32 $0x0, s7;
	[sflag:s10] =	ssyncadd.s32 $0xFFFFFF80  }
0x40: {  	[tilespmem:s11], [sflag:$0x1] =	stream.linear.gather [hbm4b:s31+s3], $0x80, $0x38;
	[tilespmem:$0x600] =	vst v63  }
0x41: {  	_ =	swait.ge [sflag:s10], $0x80  }
0x42: {  	[sflag:s10] =	ssyncset.done $0x0  }
0x43: {  	[sflag:s10] =	ssyncadd.s32 $0xFFFFFF80  }
0x44: {  	[spmem:s1] =	stream.indirect.scatter.add.f32 [tilespmem:s11], [sflag:$0x1], $0x1, s3, s11, $0xb8;
	[tilespmem:$0x600] =	vst v63  }
0x45: {  	_ =	swait.ge [sflag:s10], $0x80  }
0x46: {  	s18 =	simm.s32 $0x20;
	s17 =	simm.s32 $0x10;
	[sflag:s10] =	ssyncset.done $0x0  }
.LBB2_2:
0x47: {  	s19 =	sadd.s32 s17, s8  }
0x48: {  	[sflag:s10] =	ssyncadd.s32 $0xFFFFFF80;
	s20 =	smov.u32 s18;
	s21 =	sadd.s32 $0x10, s18  }
0x49: {  	[tilespmem:s3], [sflag:$0x1] =	stream.linear.gather [hbm4b:s19+s3], $0x80, $0x38;
	[tilespmem:$0x600] =	vst v63  }
0x4a: {  	p0 =	sne.s32 s18, $0x4E0;
	_ =	swait.ge [sflag:s10], $0x80  }
0x4b: {  	[sflag:s10] =	ssyncset.done $0x0  }
0x4c: {  	s18 =	sadd.s32 s17, s7;
	s17 =	smov.u32 s20;
	[sflag:s10] =	ssyncadd.s32 $0xFFFFFF80  }
0x4d: {  	[tilespmem:s11], [sflag:$0x1] =	stream.linear.gather [hbm4b:s18+s3], $0x80, $0x38;
	[tilespmem:$0x600] =	vst v63  }
0x4e: {  	_ =	swait.ge [sflag:s10], $0x80  }
.Ltmp0:
0x4f: {  	[sflag:s10] =	ssyncset.done $0x0;
	(pc) =	sbr.rel @p0 .LBB2_2-.Ltmp0, $4  }
0x50: {  	[sflag:s10] =	ssyncadd.s32 $0xFFFFFF80  }
0x51: {  	[spmem:s1] =	stream.indirect.scatter.add.f32 [tilespmem:s11], [sflag:$0x1], $0x1, s3, s11, $0xb8;
	[tilespmem:$0x600] =	vst v63  }
0x52: {  	_ =	swait.ge [sflag:s10], $0x80  }
0x53: {  	s18 =	smov.u32 s21;
	[sflag:s10] =	ssyncset.done $0x0  }
0x54: {  	s18 =	sadd.s32 s17, s8;
	[sflag:s10] =	ssyncadd.s32 $0xFFFFFF80  }
0x55: {  	[tilespmem:s3], [sflag:$0x1] =	stream.linear.gather [hbm4b:s18+s3], $0x80, $0x38;
	[tilespmem:$0x600] =	vst v63  }
0x56: {  	_ =	swait.ge [sflag:s10], $0x80  }
0x57: {  	[sflag:s10] =	ssyncset.done $0x0  }
0x58: {  	s31 =	sadd.s32 s17, s7;
	[sflag:s10] =	ssyncadd.s32 $0xFFFFFF80  }
0x59: {  	[tilespmem:s11], [sflag:$0x1] =	stream.linear.gather [hbm4b:s31+s3], $0x80, $0x38;
	[tilespmem:$0x600] =	vst v63  }
0x5a: {  	_ =	swait.ge [sflag:s10], $0x80  }
0x5b: {  	[sflag:s10] =	ssyncset.done $0x0  }
0x5c: {  	[sflag:s10] =	ssyncadd.s32 $0xFFFFFF80  }
0x5d: {  	[spmem:s1] =	stream.indirect.scatter.add.f32 [tilespmem:s11], [sflag:$0x1], $0x1, s3, s11, $0xb8;
	[tilespmem:$0x600] =	vst v63  }
0x5e: {  	_ =	swait.ge [sflag:s10], $0x80  }
0x5f: {  	s16 =	sadd.s32 $0x1, s16;
	[sflag:s10] =	ssyncset.done $0x0  }
0x60: {  	p0 =	sne.s32 s16, s6;
	[sflag:s10] =	ssyncadd.s32 $0xFFFFFF80  }
.Ltmp1:
0x61: {  	[bflag:$0x0] =	sbarrier.arrive $0xFFFF;
	(pc) =	sbr.rel @p0 .LBB2_1-.Ltmp1, $4  }
0x62: {  	[hbm:s5@s14], [sflag:s12] =	dma.strided [spmem:s13@s15], $0x50, s10, $0x10   }
0x63: {  	_ =	swait.ge [sflag:s10], $0x50  }
0x64: {  	[sflag:s10] =	ssyncset.done $0x0  }
0x65: {  	[sflag:s10] =	ssyncadd.s32 $0xFFFFFFB0  }
0x66: {  	_ =	sfence.sel $0x180000  }
0x67: {  	[bflag:$0x0] =	sbarrier.arrive $0xFFFF  }
0x68: {  	p0 =	sne.s32 s2, $0x0;
	_ =	strace $0x90000047  }
0x69: {  	s0 =	sadd.s32 @!p0 $0x100000, s0;
	[bflag:$0x2] =	sbarrier.arrive $0xFFFF  }
0x6a: {  	[sflag:s0] =	ssyncadd.tile.s32 @!p0 $0x1;
	_ =	shalt  }
.Lfunc_end2:
_tile_overlayer_lowered:
.L_overlay_start_2:
0x6b: {  	(tag) =	ssettag $0x2  }
0x6c: {  	s0 =	rddreg [dreg:$0x0];
	s2 =	stileid.u32  }
0x6d: {  	s1 =	rddreg [dreg:$0x1];
	p0 =	sne.s32 s2, $0x0  }
0x6e: {  	s3 =	rddreg [dreg:$0x2];
	[bflag:$0x3] =	sbarrier.arrive $0xFFFF;
	s2 =	simm.s32 @!p0 $0x1C01  }
0x6f: {  	[timem:s3], [sflag:s2] =	dma.local @!p0 [hbm:s0], s1  }
0x70: {  	s0 =	simm.s32 @!p0 $0x1  }
0x71: {  	_ =	swait.ge @!p0 [sflag:s0], s1  }
0x72: {  	s1 =	ssub.s32 @!p0 $0x0, s1;
	[sflag:s0] =	ssyncset.done @!p0 $0x0  }
0x73: {  	[sflag:s0] =	ssyncadd.s32 @!p0 s1  }
0x74: {  	[bflag:$0x3] =	sbarrier.arrive $0xFFFF  }
0x75: {  	_ =	shalt  }

// kernel: kernel.9.cloned.1.call-start
scs
__scs_entry_jumppad:
0x0: {  	(pc) =	sbr.rel $0x88, $3  }
0x1: {  	(tag) =	ssettag $0x0;
	lr =	simm.s32 $0x1  }
0x2: {  	[smem:$0x3F9A] =	sst lr;
	_ =	strace $0xD0000000  }
0x3: {  	_ = 	snop  }
0x4: {  	_ = 	snop  }
0x5: {  	_ = 	snop  }
0x6: {  	_ = 	snop  }
0x7: {  	_ = 	snop  }
__scs_overlays_trampoline_lowered:
0x8: {  	[smem:$0x3FA9] =	sst s0  }
0x9: {  	[smem:$0x3FAA] =	sst s1  }
0xa: {  	[smem:$0x3FAB] =	sst s2  }
0xb: {  	[smem:$0x3FAC] =	sst s3  }
0xc: {  	[smem:$0x3FAD] =	sst s4  }
0xd: {  	[smem:$0x3FAE] =	sst s5  }
0xe: {  	[smem:$0x3FAF] =	sst s6  }
0xf: {  	[smem:$0x3FB0] =	sst s7  }
0x10: {  	[smem:$0x3FB1] =	sst s8  }
0x11: {  	[smem:$0x3FB2] =	sst s9;
	s0 =	simm.s32 @!p0 $0x0  }
0x12: {  	s1 =	sld [smem:$0x3F98];
	s0 =	simm.s32 @p0 $0x1  }
0x13: {  	[smem:$0x3FB3] =	sst s0;
	s0 =	simm.s32 @!p1 $0x0  }
0x14: {  	s2 =	sld [smem:$0x3F97];
	s0 =	simm.s32 @p1 $0x1  }
0x15: {  	[smem:$0x3FB4] =	sst s0;
	s0 =	simm.s32 @!p2 $0x0  }
0x16: {  	s3 =	sld [smem:$0x3FDB];
	s0 =	simm.s32 @p2 $0x1  }
0x17: {  	s4 =	simm.s32 $0x1BF5;
	[smem:$0x3FB6] =	sst s0  }
0x18: {  	s0 =	sld [smem:$0x3F99];
	_ =	swait.ge [sflag:s4], $0x0  }
0x19: {  	s7 =	sld [smem:$0x3F9A]  }
0x1a: {  	s8 =	sadd.s32 $0xFFFFE003, lr  }
0x1b: {  	s9 =	sadd.s32 $0xFFFFFEF7, lr;
	s5 =	simm.s32 $0xFFFFFFFF;
	p2 =	slt.u32 s8, $0xFFFFF086  }
0x1c: {  	p1 =	slt.u32 s9, $0xF7A;
	s5 =	simm.s32 @!p2 $0x0  }
0x1d: {  	s5 =	simm.s32 @p1 $0x1;
	p0 =	seq.s32 s7, s2  }
0x1e: {  	s7 =	smul.u32 @!p0 $0xF7A, s2;
	p2 =	seq.s32 @!p0 s5, $0x0  }
0x1f: {  	s9 =	smul.u32 $0xF7A, s1;
	s8 =	simm.s32 @!p0 $0x1BF5;
	p2 =	por !p2, p0  }
0x20: {  	[sflag:s8] =	ssyncset.s32 @!p0 $0xFFFFF086;
	s6 =	sadd.s32 @!p0 s3, s7;
	s7 =	simm.s32 @!p0 $0x108  }
0x21: {  	s3 =	sadd.s32 s3, s9;
	s6 =	sadd.s32 @!p0 $0x88, s6;
	s7 =	simm.s32 @p2 $0x1082  }
0x22: {  	[simem:s7], [sflag:s8] =	dma.local @!p0 [hbm:s6], $0xF7A  }
0x23: {  	s9 =	sor.u32 $0xD0000000, s2;
	s6 =	simm.s32 $0x108;
	_ =	swait.ge @!p0 [sflag:s8], $0x0  }
0x24: {  	s3 =	sadd.s32 $0x88, s3;
	s6 =	simm.s32 @!p1 $0x1082;
	[sflag:s4] =	ssyncset.s32 $0xFFFFF086  }
0x25: {  	[simem:s6], [sflag:s4] =	dma.local [hbm:s3], $0xF7A  }
0x26: {  	[smem:$0x3F9A] =	sst s1;
	(tag) =	ssettag s2;
	_ =	strace s9  }
0x27: {  	s1 =	sld [smem:$0x3FAA]  }
0x28: {  	s2 =	sld [smem:$0x3FAB]  }
0x29: {  	s4 =	sld [smem:$0x3FAD]  }
0x2a: {  	p0 =	seq.s32 s5, $0x0;
	s5 =	sld [smem:$0x3FAE]  }
0x2b: {  	s6 =	sld [smem:$0x3FAF]  }
0x2c: {  	s7 =	sld [smem:$0x3FB0]  }
0x2d: {  	s3 =	simm.s32 $0x108;
	s8 =	sld [smem:$0x3FB1]  }
0x2e: {  	s3 =	simm.s32 @!p0 $0x1082;
	s9 =	sld [smem:$0x3FB2]  }
0x2f: {  	lr =	sadd.s32 s0, s3;
	s0 =	sld [smem:$0x3FA9]  }
0x30: {  	s3 =	sld [smem:$0x3FAC]  }
0x31: {  	[smem:$0x3FB5] =	sst s10  }
0x32: {  	s10 =	sld [smem:$0x3FB3];
	_ =	sdelay $0x3  }
0x33: {  	p0 =	seq.s32 s10, $0x1;
	s10 =	sld [smem:$0x3FB5];
	_ =	sdelay $0x3  }
0x34: {  	[smem:$0x3FB5] =	sst s10  }
0x35: {  	s10 =	sld [smem:$0x3FB4];
	_ =	sdelay $0x3  }
0x36: {  	p1 =	seq.s32 s10, $0x1;
	s10 =	sld [smem:$0x3FB5];
	_ =	sdelay $0x3  }
0x37: {  	[smem:$0x3FB5] =	sst s10  }
0x38: {  	s10 =	sld [smem:$0x3FB6]  }
0x39: {  	_ = 	snop;
	(pc) =	sbr.ind lr, $3  }
0x3a: {  	_ = 	snop  }
0x3b: {  	_ = 	snop  }
0x3c: {  	p2 =	seq.s32 s10, $0x1;
	s10 =	sld [smem:$0x3FB5]  }
0x3d: {  	_ =	shalt  }
0x3e: {  	_ =	shalt  }
0x3f: {  	_ =	shalt  }
0x40: {  	_ =	shalt  }
0x41: {  	_ =	shalt  }
0x42: {  	_ =	shalt  }
0x43: {  	_ =	shalt  }
0x44: {  	_ =	shalt  }
0x45: {  	_ =	shalt  }
0x46: {  	_ =	shalt  }
0x47: {  	_ =	shalt  }
0x48: {  	_ =	shalt  }
0x49: {  	_ =	shalt  }
0x4a: {  	_ =	shalt  }
0x4b: {  	_ =	shalt  }
0x4c: {  	_ =	shalt  }
0x4d: {  	_ =	shalt  }
0x4e: {  	_ =	shalt  }
0x4f: {  	_ =	shalt  }
0x50: {  	_ =	shalt  }
0x51: {  	_ =	shalt  }
0x52: {  	_ =	shalt  }
0x53: {  	_ =	shalt  }
0x54: {  	_ =	shalt  }
0x55: {  	_ =	shalt  }
0x56: {  	_ =	shalt  }
0x57: {  	_ =	shalt  }
0x58: {  	_ =	shalt  }
0x59: {  	_ =	shalt  }
0x5a: {  	_ =	shalt  }
0x5b: {  	_ =	shalt  }
0x5c: {  	_ =	shalt  }
0x5d: {  	_ =	shalt  }
0x5e: {  	_ =	shalt  }
0x5f: {  	_ =	shalt  }
0x60: {  	_ =	shalt  }
0x61: {  	_ =	shalt  }
0x62: {  	_ =	shalt  }
0x63: {  	_ =	shalt  }
0x64: {  	_ =	shalt  }
0x65: {  	_ =	shalt  }
0x66: {  	_ =	shalt  }
0x67: {  	_ =	shalt  }
0x68: {  	_ =	shalt  }
0x69: {  	_ =	shalt  }
0x6a: {  	_ =	shalt  }
0x6b: {  	_ =	shalt  }
0x6c: {  	_ =	shalt  }
0x6d: {  	_ =	shalt  }
0x6e: {  	_ =	shalt  }
0x6f: {  	_ =	shalt  }
0x70: {  	_ =	shalt  }
0x71: {  	_ =	shalt  }
0x72: {  	_ =	shalt  }
0x73: {  	_ =	shalt  }
0x74: {  	_ =	shalt  }
0x75: {  	_ =	shalt  }
0x76: {  	_ =	shalt  }
0x77: {  	_ =	shalt  }
0x78: {  	_ =	shalt  }
0x79: {  	_ =	shalt  }
0x7a: {  	_ =	shalt  }
0x7b: {  	_ =	shalt  }
0x7c: {  	_ =	shalt  }
0x7d: {  	_ =	shalt  }
0x7e: {  	_ =	shalt  }
0x7f: {  	_ =	shalt  }
0x80: {  	_ =	shalt  }
0x81: {  	_ =	shalt  }
0x82: {  	_ =	shalt  }
0x83: {  	_ =	shalt  }
0x84: {  	_ =	shalt  }
0x85: {  	_ =	shalt  }
0x86: {  	_ =	shalt  }
0x87: {  	_ =	shalt  }
.Lfunc_end0:
.L_simem_size_0:
called_computation.1_lowered:
.L_overlay_start_0:
0x88: {  	s2 =	sld [smem:$0x3FD9]  }
0x89: {  	s3 =	sld [smem:$0x3FFE];
	_ =	sdelay $0x1  }
0x8a: {  	s1 =	srdreg.scid  }
0x8b: {  	s0 =	sand.u32 $0x1, s1  }
0x8c: {  	s16 =	sshll.u32 s0, $0xA;
	s2 =	sadd.s32 s3, s2  }
0x8d: {  	s2 =	sadd.s32 s2, s16  }
0x8e: {  	[smem:$0x3FC1] =	sst s2  }
0x8f: {  	_ = 	snop  }
0x90: {  	(tm) =	ssettm $0x1  }
0x91: {  	s17 =	sld [smem:$0x3FFB];
	_ =	sdelay $0x3  }
0x92: {  	_ =	strace s17  }
0x93: {  	s2 =	sld [smem:$0x3FFC];
	_ =	sdelay $0x3  }
0x94: {  	_ =	strace s2  }
0x95: {  	s2 =	sld [smem:$0x3FFD];
	_ =	sdelay $0x3  }
0x96: {  	_ =	strace s2  }
0x97: {  	_ =	strace $0x8FFFFFFF  }
0x98: {  	s18 =	sld [smem:$0x3FDB];
	_ =	sdelay $0x1  }
0x99: {  	s19 =	simm.s32 $_scs_section_size  }
0x9a: {  	s4 =	simm.s32 $_size__tile_overlayer_lowered;
	s5 =	simm.s32 $_tile_overlayer_lowered  }
0x9b: {  	s22 =	simm.s32 $0x1BFF;
	s21 =	sshll.u32 s5, $0x1;
	s2 =	sadd.s32 s19, s18  }
0x9c: {  	s6 =	simm.s32 $0x0;
	s20 =	sshll.u32 s4, $0x1;
	s4 =	sadd.s32 s21, s2  }
0x9d: {  	[timem:s6], [sflag:s22] =	dma.local [hbm:s4], s20  }
0x9e: {  	_ =	swait.ge [sflag:s22], s20  }
0x9f: {  	s3 =	ssub.s32 $0x0, s20;
	[sflag:s22] =	ssyncset.done $0x0  }
0xa0: {  	[sflag:s22] =	ssyncadd.s32 s3;
	_ =	sdelay $0x1  }
0xa1: {  	s23 =	simm.s32 $0x1B8B  }
0xa2: {  	_ =	swait.ge [sflag:s23], $0x1  }
0xa3: {  	[sflag:s23] =	ssyncset.done $0x0  }
0xa4: {  	s25 =	simm.s32 $0x1B8E;
	s24 =	sld [smem:$0x3FFE];
	[sflag:s23] =	ssyncadd.s32 $0xFFFFFFFF  }
0xa5: {  	s26 =	simm.s32 $execute0_lowered;
	[smem:$0x3FD2] =	sst s25  }
0xa6: {  	s4 =	sshll.u32 s26, $0x1;
	_ =	strace $0x80000049;
	[dreg:$0x1] =	wrdreg $0xFFFFFFFF  }
0xa7: {  	s28 =	simm.s32 $_size_execute0_lowered;
	s2 =	sadd.s32 s2, s4;
	[dreg:$0x0] =	wrdreg $0x0  }
0xa8: {  	s4 =	sshll.u32 s28, $0x1;
	[dreg:$0x2] =	wrdreg s2  }
0xa9: {  	[dreg:$0x3] =	wrdreg s4  }
0xaa: {  	[dreg:$0x4] =	wrdreg $0xC0  }
0xab: {  	_ =	task [dreg:s6], $0x5FFFF  }
0xac: {  	[dreg:$0x1] =	wrdreg $0xFFFFFFFF  }
0xad: {  	[dreg:$0x0] =	wrdreg $0x60  }
0xae: {  	[dreg:$0x2] =	wrdreg s24  }
0xaf: {  	[dreg:$0x3] =	wrdreg $0x41800  }
0xb0: {  	[dreg:$0x4] =	wrdreg $0x9  }
0xb1: {  	_ =	task.clear_ibuf [dreg:s6], $0x5FFFF;
	_ =	strace $0x90000049  }
0xb2: {  	s29 =	simm.s32 $0x9;
	_ =	strace $0x8000004B  }
0xb3: {  	_ =	swait.ge [sflag:s29], $0x1  }
0xb4: {  	[sflag:s29] =	ssyncadd.s32 $0xFFFFFFFF  }
0xb5: {  	_ =	strace $0x9000004B  }
0xb6: {  	_ =	sfence  }
0xb7: {  	s30 =	sld [smem:$0x0];
	_ =	sdelay $0x2  }
0xb8: {  	s31 =	sshll.u32 s1, $0xD;
	s1 =	sshrl.u32 s1, $0x2  }
0xb9: {  	s3 =	sand.u32 $0x4000, s31;
	s1 =	sadd.s32 s1, s30  }
0xba: {  	s0 =	sor.u32 s3, s0;
	s1 =	sshll.u32 s1, $0x11  }
0xbb: {  	s0 =	sor.u32 s1, s0  }
0xbc: {  	s0 =	sadd.s32 $0x8F2B, s0  }
0xbd: {  	[sflag:s0] =	ssyncadd.remote.s32 $0x1  }
0xbe: {  	_ =	sfence.sel $0xFFFF  }
0xbf: {  	[dreg:$0x0] =	wrdreg $0xFFFFFFFF;
	(pc) =	sbr.abs _section_cstart, $3  }
0xc0: {  	[dreg:$0x1] =	wrdreg $0xFFFFFFFF  }
0xc1: {  	_ =	task.clear_ibuf [dreg:s6], $0x2FFFF;
	_ =	strace $0x9FFFFFFF  }
0xc2: {  	(tm) =	ssettm $0x7FFFFFFF  }
0xc3: {  	_ =	shalt  }
tec
execute0_lowered:
.L_overlay_start_1:
0x0: {  	(tag) =	ssettag $0x1  }
0x1: {  	s8 =	rddreg [dreg:$0x0]  }
0x2: {  	s1 =	rddreg [dreg:$0x1]  }
0x3: {  	s2 =	srdreg.scid;
	s0 =	rddreg [dreg:$0x2];
	s3 =	simm.s32 $0x0  }
0x4: {  	s16 =	simm.s32 $0x180;
	s17 =	simm.s32 $0x2;
	s18 =	simm.s32 $0x80  }
0x5: {  	s19 =	simm.s32 $0x100;
	s9 =	sand.u32 $0x1, s2;
	s2 =	stileid.u32  }
0x6: {  	s20 =	simm.s32 $0x1;
	[smem:$0x7FF] =	sst s3;
	s6 =	smul.u32 $0x140000, s9  }
0x7: {  	s4 =	sadd.s32 $0x16800, s8;
	s5 =	sadd.s32 $0x2200, s8;
	s7 =	smul.u32 $0x14000, s2  }
0x8: {  	_ =	strace $0x8000004A;
	s11 =	smul.u32 $0x50000, s2;
	s31 =	ssub.s32 $0x2, s9  }
0x9: {  	s9 =	sshll.u32 s9, $0x4;
	s21 =	sshll.u32 s2, $0x6;
	s12 =	sshrl.u32 s31, $0x1  }
0xa: {  	v0 =	vimm.f32 $0.0e+00;
	v1 =	vimm.s32 $0x0;
	s9 =	sor.u32 s2, s9;
	s21 =	sor.u32 $0x1C02, s21;
	s7 =	sadd.s32 s7, s6  }
0xb: {  	v2 =	vimm.s32 $0x1;
	v3 =	vimm.s32 $0x2;
	v4 =	vimm.s32 $0x3;
	s6 =	sadd.s32 $0xC000, s8;
	s11 =	sshrl.u32 s11, $0x2;
	s12 =	ssub.s32 s31, s12  }
0xc: {  	v5 =	vimm.s32 $0x4;
	v6 =	vimm.s32 $0x5;
	v7 =	vimm.s32 $0x6;
	s9 =	smul.u32 $0x4F, s9;
	s10 =	sshrl.u32 s7, $0x3;
	s7 =	sadd.s32 $0x20600, s8  }
0xd: {  	v8 =	vimm.s32 $0x7;
	v9 =	vimm.s32 $0x8;
	v10 =	vimm.s32 $0x9;
	s10 =	sadd.s32 s10, s8;
	s8 =	sadd.s32 s11, s1;
	s11 =	smax.u32 s12, $0x1  }
0xe: {  	v11 =	vimm.s32 $0xA;
	v12 =	vimm.s32 $0xB;
	v13 =	vimm.s32 $0xC;
	s10 =	sadd.s32 $0x70600, s10;
	s12 =	sadd.s32 $0x4000, s8;
	s13 =	sadd.s32 $0x8000, s8  }
0xf: {  	v14 =	vimm.s32 $0xD;
	v15 =	vimm.s32 $0xE;
	v16 =	vimm.s32 $0xF;
	s14 =	sadd.s32 $0xC000, s8;
	s15 =	sadd.s32 $0x10000, s8;
	s22 =	sshrl.u32 s8, $0x3  }
.LBB2_1:
0x10: {  	s23 =	simm.s32 $0x0;
	s24 =	simm.s32 $0x200  }
.LBB2_2:
0x11: {  	p0 =	sne.s32 s24, $0xFE00;
	[tilespmem:s23+$0x1F0] =	vst v0  }
0x12: {  	[tilespmem:s23+$0x180] =	vst v0  }
0x13: {  	[tilespmem:s23+$0x190] =	vst v0  }
.Ltmp0:
0x14: {  	[tilespmem:s23+$0x1A0] =	vst v0;
	(pc) =	sbr.rel @p0 .LBB2_2-.Ltmp0, $4  }
0x15: {  	[tilespmem:s23+$0x1B0] =	vst v0  }
0x16: {  	[tilespmem:s23+$0x1C0] =	vst v0  }
0x17: {  	[tilespmem:s23+$0x1D0] =	vst v0  }
0x18: {  	[tilespmem:s23+$0x1E0] =	vst v0;
	s23 =	sshra.s32 s24, $0x2;
	s24 =	sadd.s32 $0x200, s24  }
0x19: {  	[tilespmem:s23+$0x1F0] =	vst v0  }
0x1a: {  	[tilespmem:s23+$0x180] =	vst v0  }
0x1b: {  	[tilespmem:s23+$0x190] =	vst v0  }
0x1c: {  	[tilespmem:s23+$0x1A0] =	vst v0  }
0x1d: {  	[tilespmem:s23+$0x1B0] =	vst v0  }
0x1e: {  	[tilespmem:s23+$0x1C0] =	vst v0  }
0x1f: {  	[tilespmem:s23+$0x1D0] =	vst v0  }
0x20: {  	[tilespmem:s23+$0x1E0] =	vst v0  }
0x21: {  	[spmem:s8] =	stream.linear.scatter [tilespmem:s16], [sflag:$0x2], $0x4000, $0x38;
	[tilespmem:$0x18180] =	vst v63  }
0x22: {  	_ =	swait.ge [sflag:s17], $0x4000  }
0x23: {  	[sflag:s17] =	ssyncset.done $0x0  }
0x24: {  	[sflag:s17] =	ssyncadd.s32 $0xFFFFC000  }
0x25: {  	[spmem:s12] =	stream.linear.scatter [tilespmem:s16], [sflag:$0x2], $0x4000, $0x38;
	[tilespmem:$0x18180] =	vst v63  }
0x26: {  	_ =	swait.ge [sflag:s17], $0x4000  }
0x27: {  	[sflag:s17] =	ssyncset.done $0x0  }
0x28: {  	[sflag:s17] =	ssyncadd.s32 $0xFFFFC000  }
0x29: {  	[spmem:s13] =	stream.linear.scatter [tilespmem:s16], [sflag:$0x2], $0x4000, $0x38;
	[tilespmem:$0x18180] =	vst v63  }
0x2a: {  	_ =	swait.ge [sflag:s17], $0x4000  }
0x2b: {  	[sflag:s17] =	ssyncset.done $0x0  }
0x2c: {  	[sflag:s17] =	ssyncadd.s32 $0xFFFFC000  }
0x2d: {  	[spmem:s14] =	stream.linear.scatter [tilespmem:s16], [sflag:$0x2], $0x4000, $0x38;
	[tilespmem:$0x18180] =	vst v63  }
0x2e: {  	_ =	swait.ge [sflag:s17], $0x4000  }
0x2f: {  	[sflag:s17] =	ssyncset.done $0x0  }
0x30: {  	[sflag:s17] =	ssyncadd.s32 $0xFFFFC000  }
0x31: {  	[spmem:s15] =	stream.linear.scatter [tilespmem:s16], [sflag:$0x2], $0x4000, $0x38;
	[tilespmem:$0x18180] =	vst v63  }
0x32: {  	_ =	swait.ge [sflag:s17], $0x4000  }
0x33: {  	[sflag:s17] =	ssyncset.done $0x0  }
0x34: {  	[sflag:s17] =	ssyncadd.s32 $0xFFFFC000  }
0x35: {  	s23 =	simm.s32 $0x0;
	s24 =	simm.s32 $0x0;
	[bflag:$0x0] =	sbarrier.arrive $0xFFFF  }
.LBB2_4:
0x36: {  	s25 =	sadd.s32 s9, s24  }
0x37: {  	s25 =	sshll.u32 s25, $0x4  }
0x38: {  	s26 =	sadd.s32 s4, s25  }
0x39: {  	[tilespmem:s23], [sflag:$0x2] =	stream.linear.gather [hbm4b:s26+s23], $0x80, $0x38;
	[tilespmem:$0x18180] =	vst v63  }
0x3a: {  	_ =	swait.ge [sflag:s17], $0x80  }
0x3b: {  	[sflag:s17] =	ssyncset.done $0x0  }
0x3c: {  	s31 =	sadd.s32 s5, s25;
	[sflag:s17] =	ssyncadd.s32 $0xFFFFFF80  }
0x3d: {  	[tilespmem:s18], [sflag:$0x2] =	stream.linear.gather [hbm4b:s31+s23], $0x80, $0x38;
	[tilespmem:$0x18180] =	vst v63  }
0x3e: {  	_ =	swait.ge [sflag:s17], $0x80  }
0x3f: {  	[sflag:s17] =	ssyncset.done $0x0  }
0x40: {  	s25 =	sadd.s32 s6, s25;
	[sflag:s17] =	ssyncadd.s32 $0xFFFFFF80  }
0x41: {  	[tilespmem:s19], [sflag:$0x2] =	stream.linear.gather [hbm4b:s25+s23], $0x80, $0x38;
	[tilespmem:$0x18180] =	vst v63  }
0x42: {  	_ =	swait.ge [sflag:s17], $0x80  }
0x43: {  	[sflag:s17] =	ssyncset.done $0x0  }
0x44: {  	[sflag:s17] =	ssyncadd.s32 $0xFFFFFF80  }
0x45: {  	[tilespmem:s16], [sflag:$0x1] =	stream.indirect.gather [hbm4b:s7+s18], $0x80, s23, s18, $0xb8;
	[tilespmem:$0x18180] =	vst v63  }
0x46: {  	_ =	swait.ge [sflag:s20], $0x4000  }
0x47: {  	[sflag:s20] =	ssyncset.done $0x0  }
0x48: {  	s25 =	simm.s32 $0x0;
	[sflag:s20] =	ssyncadd.s32 $0xFFFFC000  }
.LBB2_5:
0x49: {  	s26 =	sshll.u32 s25, $0x4  }
0x4a: {  	s26 =	sand.u32 $0x3FFFFFF0, s26  }
0x4b: {  	s31 =	sshll.u32 s25, $0xB;
	v17 =	vld [tilespmem:s26+$0x100]  }
0x4c: {  	s26 =	sand.u32 $0x3FFFF800, s31  }
0x4d: {  	v18 =	vld [tilespmem:s26+$0x180]  }
0x4e: {  	v19 =	vld [tilespmem:s26+$0x190]  }
0x4f: {  	v20 =	vld [tilespmem:s26+$0x1A0]  }
0x50: {  	v22 =	vld [tilespmem:s26+$0x1B0];
	v21 =	vperm.xlane v17, v1  }
0x51: {  	v23 =	vld [tilespmem:s26+$0x1C0]  }
0x52: {  	v24 =	vld [tilespmem:s26+$0x1D0];
	v18 =	vmul.f32 v18, v21  }
0x53: {  	v25 =	vld [tilespmem:s26+$0x1E0];
	v19 =	vmul.f32 v19, v21  }
0x54: {  	v38 =	vld [tilespmem:s26+$0x1F0];
	[tilespmem:s26+$0x180] =	vst v18;
	v18 =	vmul.f32 v20, v21  }
0x55: {  	v39 =	vld [tilespmem:s26+$0x200];
	[tilespmem:s26+$0x190] =	vst v19;
	v19 =	vmul.f32 v22, v21  }
0x56: {  	v40 =	vld [tilespmem:s26+$0x210];
	[tilespmem:s26+$0x1A0] =	vst v18;
	v18 =	vmul.f32 v23, v21  }
0x57: {  	v41 =	vld [tilespmem:s26+$0x220];
	[tilespmem:s26+$0x1B0] =	vst v19;
	v19 =	vmul.f32 v24, v21  }
0x58: {  	v26 =	vld [tilespmem:s26+$0x230];
	v42 =	vperm.xlane v17, v2;
	[tilespmem:s26+$0x1C0] =	vst v18;
	v18 =	vmul.f32 v25, v21  }
0x59: {  	v43 =	vld [tilespmem:s26+$0x240];
	[tilespmem:s26+$0x1D0] =	vst v19;
	v19 =	vmul.f32 v38, v21  }
0x5a: {  	v44 =	vld [tilespmem:s26+$0x250];
	[tilespmem:s26+$0x1E0] =	vst v18;
	v18 =	vmul.f32 v39, v42  }
0x5b: {  	v45 =	vld [tilespmem:s26+$0x260];
	[tilespmem:s26+$0x1F0] =	vst v19;
	v19 =	vmul.f32 v40, v42  }
0x5c: {  	v46 =	vld [tilespmem:s26+$0x270];
	[tilespmem:s26+$0x200] =	vst v18;
	v18 =	vmul.f32 v41, v42  }
0x5d: {  	v47 =	vld [tilespmem:s26+$0x280];
	[tilespmem:s26+$0x210] =	vst v19;
	v19 =	vmul.f32 v26, v42  }
0x5e: {  	v48 =	vld [tilespmem:s26+$0x290];
	[tilespmem:s26+$0x220] =	vst v18;
	v18 =	vmul.f32 v43, v42  }
0x5f: {  	v49 =	vld [tilespmem:s26+$0x2A0];
	[tilespmem:s26+$0x230] =	vst v19;
	v19 =	vmul.f32 v44, v42  }
0x60: {  	v51 =	vld [tilespmem:s26+$0x2B0];
	v50 =	vperm.xlane v17, v3;
	[tilespmem:s26+$0x240] =	vst v18;
	v18 =	vmul.f32 v45, v42  }
0x61: {  	v52 =	vld [tilespmem:s26+$0x2C0];
	[tilespmem:s26+$0x250] =	vst v19;
	v19 =	vmul.f32 v46, v42  }
0x62: {  	v53 =	vld [tilespmem:s26+$0x2D0];
	[tilespmem:s26+$0x260] =	vst v18;
	v18 =	vmul.f32 v47, v50  }
0x63: {  	v54 =	vld [tilespmem:s26+$0x2E0];
	[tilespmem:s26+$0x270] =	vst v19;
	v19 =	vmul.f32 v48, v50  }
0x64: {  	v55 =	vld [tilespmem:s26+$0x2F0];
	[tilespmem:s26+$0x280] =	vst v18;
	v18 =	vmul.f32 v49, v50  }
0x65: {  	v56 =	vld [tilespmem:s26+$0x300];
	[tilespmem:s26+$0x290] =	vst v19;
	v19 =	vmul.f32 v51, v50  }
0x66: {  	v57 =	vld [tilespmem:s26+$0x310];
	[tilespmem:s26+$0x2A0] =	vst v18;
	v18 =	vmul.f32 v52, v50  }
0x67: {  	v58 =	vld [tilespmem:s26+$0x320];
	[tilespmem:s26+$0x2B0] =	vst v19;
	v19 =	vmul.f32 v53, v50  }
0x68: {  	v60 =	vld [tilespmem:s26+$0x330];
	v59 =	vperm.xlane v17, v4;
	[tilespmem:s26+$0x2C0] =	vst v18;
	v18 =	vmul.f32 v54, v50  }
0x69: {  	v61 =	vld [tilespmem:s26+$0x340];
	[tilespmem:s26+$0x2D0] =	vst v19;
	v19 =	vmul.f32 v55, v50  }
0x6a: {  	v62 =	vld [tilespmem:s26+$0x350];
	[tilespmem:s26+$0x2E0] =	vst v18;
	v18 =	vmul.f32 v56, v59  }
0x6b: {  	v63 =	vld [tilespmem:s26+$0x360];
	[tilespmem:s26+$0x2F0] =	vst v19;
	v19 =	vmul.f32 v57, v59  }
0x6c: {  	v28 =	vld [tilespmem:s26+$0x370];
	[tilespmem:s26+$0x300] =	vst v18;
	v18 =	vmul.f32 v58, v59  }
0x6d: {  	v29 =	vld [tilespmem:s26+$0x380];
	[tilespmem:s26+$0x310] =	vst v19;
	v19 =	vmul.f32 v60, v59  }
0x6e: {  	v30 =	vld [tilespmem:s26+$0x390];
	[tilespmem:s26+$0x320] =	vst v18;
	v18 =	vmul.f32 v61, v59  }
0x6f: {  	v31 =	vld [tilespmem:s26+$0x3A0];
	[tilespmem:s26+$0x330] =	vst v19;
	v19 =	vmul.f32 v62, v59  }
0x70: {  	v33 =	vld [tilespmem:s26+$0x3B0];
	v32 =	vperm.xlane v17, v5;
	[tilespmem:s26+$0x340] =	vst v18;
	v18 =	vmul.f32 v63, v59  }
0x71: {  	v34 =	vld [tilespmem:s26+$0x3C0];
	[tilespmem:s26+$0x350] =	vst v19;
	v19 =	vmul.f32 v28, v59  }
0x72: {  	v35 =	vld [tilespmem:s26+$0x3D0];
	[tilespmem:s26+$0x360] =	vst v18;
	v18 =	vmul.f32 v29, v32  }
0x73: {  	v36 =	vld [tilespmem:s26+$0x3E0];
	[tilespmem:s26+$0x370] =	vst v19;
	v19 =	vmul.f32 v30, v32  }
0x74: {  	v37 =	vld [tilespmem:s26+$0x3F0];
	[tilespmem:s26+$0x380] =	vst v18;
	v18 =	vmul.f32 v31, v32  }
0x75: {  	v38 =	vld [tilespmem:s26+$0x400];
	[tilespmem:s26+$0x390] =	vst v19;
	v19 =	vmul.f32 v33, v32  }
0x76: {  	v39 =	vld [tilespmem:s26+$0x410];
	[tilespmem:s26+$0x3A0] =	vst v18;
	v18 =	vmul.f32 v34, v32  }
0x77: {  	v40 =	vld [tilespmem:s26+$0x420];
	[tilespmem:s26+$0x3B0] =	vst v19;
	v19 =	vmul.f32 v35, v32  }
0x78: {  	v41 =	vperm.xlane v17, v6;
	v42 =	vld [tilespmem:s26+$0x430];
	[tilespmem:s26+$0x3C0] =	vst v18;
	v18 =	vmul.f32 v36, v32  }
0x79: {  	v43 =	vld [tilespmem:s26+$0x440];
	[tilespmem:s26+$0x3D0] =	vst v19;
	v19 =	vmul.f32 v37, v32  }
0x7a: {  	v44 =	vld [tilespmem:s26+$0x450];
	[tilespmem:s26+$0x3E0] =	vst v18;
	v18 =	vmul.f32 v38, v41  }
0x7b: {  	v45 =	vld [tilespmem:s26+$0x460];
	[tilespmem:s26+$0x3F0] =	vst v19;
	v19 =	vmul.f32 v39, v41  }
0x7c: {  	v46 =	vld [tilespmem:s26+$0x470];
	[tilespmem:s26+$0x400] =	vst v18;
	v18 =	vmul.f32 v40, v41  }
0x7d: {  	v47 =	vld [tilespmem:s26+$0x480];
	[tilespmem:s26+$0x410] =	vst v19;
	v19 =	vmul.f32 v42, v41  }
0x7e: {  	v48 =	vld [tilespmem:s26+$0x490];
	[tilespmem:s26+$0x420] =	vst v18;
	v18 =	vmul.f32 v43, v41  }
0x7f: {  	v49 =	vld [tilespmem:s26+$0x4A0];
	[tilespmem:s26+$0x430] =	vst v19;
	v19 =	vmul.f32 v44, v41  }
0x80: {  	v51 =	vld [tilespmem:s26+$0x4B0];
	v50 =	vperm.xlane v17, v7;
	[tilespmem:s26+$0x440] =	vst v18;
	v18 =	vmul.f32 v45, v41  }
0x81: {  	v52 =	vld [tilespmem:s26+$0x4C0];
	[tilespmem:s26+$0x450] =	vst v19;
	v19 =	vmul.f32 v46, v41  }
0x82: {  	v53 =	vld [tilespmem:s26+$0x4D0];
	[tilespmem:s26+$0x460] =	vst v18;
	v18 =	vmul.f32 v47, v50  }
0x83: {  	v54 =	vld [tilespmem:s26+$0x4E0];
	[tilespmem:s26+$0x470] =	vst v19;
	v19 =	vmul.f32 v48, v50  }
0x84: {  	v55 =	vld [tilespmem:s26+$0x4F0];
	[tilespmem:s26+$0x480] =	vst v18;
	v18 =	vmul.f32 v49, v50  }
0x85: {  	v56 =	vld [tilespmem:s26+$0x500];
	[tilespmem:s26+$0x490] =	vst v19;
	v19 =	vmul.f32 v51, v50  }
0x86: {  	v57 =	vld [tilespmem:s26+$0x510];
	[tilespmem:s26+$0x4A0] =	vst v18;
	v18 =	vmul.f32 v52, v50  }
0x87: {  	v58 =	vld [tilespmem:s26+$0x520];
	[tilespmem:s26+$0x4B0] =	vst v19;
	v19 =	vmul.f32 v53, v50  }
0x88: {  	v60 =	vld [tilespmem:s26+$0x530];
	v59 =	vperm.xlane v17, v8;
	[tilespmem:s26+$0x4C0] =	vst v18;
	v18 =	vmul.f32 v54, v50  }
0x89: {  	v61 =	vld [tilespmem:s26+$0x540];
	[tilespmem:s26+$0x4D0] =	vst v19;
	v19 =	vmul.f32 v55, v50  }
0x8a: {  	v62 =	vld [tilespmem:s26+$0x550];
	[tilespmem:s26+$0x4E0] =	vst v18;
	v18 =	vmul.f32 v56, v59  }
0x8b: {  	v63 =	vld [tilespmem:s26+$0x560];
	[tilespmem:s26+$0x4F0] =	vst v19;
	v19 =	vmul.f32 v57, v59  }
0x8c: {  	v28 =	vld [tilespmem:s26+$0x570];
	[tilespmem:s26+$0x500] =	vst v18;
	v18 =	vmul.f32 v58, v59  }
0x8d: {  	v29 =	vld [tilespmem:s26+$0x580];
	[tilespmem:s26+$0x510] =	vst v19;
	v19 =	vmul.f32 v60, v59  }
0x8e: {  	v30 =	vld [tilespmem:s26+$0x590];
	[tilespmem:s26+$0x520] =	vst v18;
	v18 =	vmul.f32 v61, v59  }
0x8f: {  	v31 =	vld [tilespmem:s26+$0x5A0];
	[tilespmem:s26+$0x530] =	vst v19;
	v19 =	vmul.f32 v62, v59  }
0x90: {  	v33 =	vld [tilespmem:s26+$0x5B0];
	v32 =	vperm.xlane v17, v9;
	[tilespmem:s26+$0x540] =	vst v18;
	v18 =	vmul.f32 v63, v59  }
0x91: {  	v34 =	vld [tilespmem:s26+$0x5C0];
	[tilespmem:s26+$0x550] =	vst v19;
	v19 =	vmul.f32 v28, v59  }
0x92: {  	v35 =	vld [tilespmem:s26+$0x5D0];
	[tilespmem:s26+$0x560] =	vst v18;
	v18 =	vmul.f32 v29, v32  }
0x93: {  	v36 =	vld [tilespmem:s26+$0x5E0];
	[tilespmem:s26+$0x570] =	vst v19;
	v19 =	vmul.f32 v30, v32  }
0x94: {  	v37 =	vld [tilespmem:s26+$0x5F0];
	[tilespmem:s26+$0x580] =	vst v18;
	v18 =	vmul.f32 v31, v32  }
0x95: {  	v38 =	vld [tilespmem:s26+$0x600];
	[tilespmem:s26+$0x590] =	vst v19;
	v19 =	vmul.f32 v33, v32  }
0x96: {  	v39 =	vld [tilespmem:s26+$0x610];
	[tilespmem:s26+$0x5A0] =	vst v18;
	v18 =	vmul.f32 v34, v32  }
0x97: {  	v40 =	vld [tilespmem:s26+$0x620];
	[tilespmem:s26+$0x5B0] =	vst v19;
	v19 =	vmul.f32 v35, v32  }
0x98: {  	v42 =	vld [tilespmem:s26+$0x630];
	v41 =	vperm.xlane v17, v10;
	[tilespmem:s26+$0x5C0] =	vst v18;
	v18 =	vmul.f32 v36, v32  }
0x99: {  	v43 =	vld [tilespmem:s26+$0x640];
	[tilespmem:s26+$0x5D0] =	vst v19;
	v19 =	vmul.f32 v37, v32  }
0x9a: {  	v44 =	vld [tilespmem:s26+$0x650];
	[tilespmem:s26+$0x5E0] =	vst v18;
	v18 =	vmul.f32 v38, v41  }
0x9b: {  	v45 =	vld [tilespmem:s26+$0x660];
	[tilespmem:s26+$0x5F0] =	vst v19;
	v19 =	vmul.f32 v39, v41  }
0x9c: {  	v46 =	vld [tilespmem:s26+$0x670];
	[tilespmem:s26+$0x600] =	vst v18;
	v18 =	vmul.f32 v40, v41  }
0x9d: {  	v47 =	vld [tilespmem:s26+$0x680];
	[tilespmem:s26+$0x610] =	vst v19;
	v19 =	vmul.f32 v42, v41  }
0x9e: {  	v48 =	vld [tilespmem:s26+$0x690];
	[tilespmem:s26+$0x620] =	vst v18;
	v18 =	vmul.f32 v43, v41  }
0x9f: {  	v49 =	vld [tilespmem:s26+$0x6A0];
	[tilespmem:s26+$0x630] =	vst v19;
	v19 =	vmul.f32 v44, v41  }
0xa0: {  	v51 =	vld [tilespmem:s26+$0x6B0];
	v50 =	vperm.xlane v17, v11;
	[tilespmem:s26+$0x640] =	vst v18;
	v18 =	vmul.f32 v45, v41  }
0xa1: {  	v52 =	vld [tilespmem:s26+$0x6C0];
	[tilespmem:s26+$0x650] =	vst v19;
	v19 =	vmul.f32 v46, v41  }
0xa2: {  	v53 =	vld [tilespmem:s26+$0x6D0];
	[tilespmem:s26+$0x660] =	vst v18;
	v18 =	vmul.f32 v47, v50  }
0xa3: {  	v54 =	vld [tilespmem:s26+$0x6E0];
	[tilespmem:s26+$0x670] =	vst v19;
	v19 =	vmul.f32 v48, v50  }
0xa4: {  	v55 =	vld [tilespmem:s26+$0x6F0];
	[tilespmem:s26+$0x680] =	vst v18;
	v18 =	vmul.f32 v49, v50  }
0xa5: {  	v56 =	vld [tilespmem:s26+$0x700];
	[tilespmem:s26+$0x690] =	vst v19;
	v19 =	vmul.f32 v51, v50  }
0xa6: {  	v57 =	vld [tilespmem:s26+$0x710];
	[tilespmem:s26+$0x6A0] =	vst v18;
	v18 =	vmul.f32 v52, v50  }
0xa7: {  	v58 =	vld [tilespmem:s26+$0x720];
	[tilespmem:s26+$0x6B0] =	vst v19;
	v19 =	vmul.f32 v53, v50  }
0xa8: {  	v60 =	vld [tilespmem:s26+$0x730];
	v59 =	vperm.xlane v17, v12;
	[tilespmem:s26+$0x6C0] =	vst v18;
	v18 =	vmul.f32 v54, v50  }
0xa9: {  	v61 =	vld [tilespmem:s26+$0x740];
	[tilespmem:s26+$0x6D0] =	vst v19;
	v19 =	vmul.f32 v55, v50  }
0xaa: {  	v62 =	vld [tilespmem:s26+$0x750];
	[tilespmem:s26+$0x6E0] =	vst v18;
	v18 =	vmul.f32 v56, v59  }
0xab: {  	v63 =	vld [tilespmem:s26+$0x760];
	[tilespmem:s26+$0x6F0] =	vst v19;
	v19 =	vmul.f32 v57, v59  }
0xac: {  	v28 =	vld [tilespmem:s26+$0x770];
	[tilespmem:s26+$0x700] =	vst v18;
	v18 =	vmul.f32 v58, v59  }
0xad: {  	v29 =	vld [tilespmem:s26+$0x780];
	[tilespmem:s26+$0x710] =	vst v19;
	v19 =	vmul.f32 v60, v59  }
0xae: {  	v30 =	vld [tilespmem:s26+$0x790];
	[tilespmem:s26+$0x720] =	vst v18;
	v18 =	vmul.f32 v61, v59  }
0xaf: {  	v31 =	vld [tilespmem:s26+$0x7A0];
	[tilespmem:s26+$0x730] =	vst v19;
	v19 =	vmul.f32 v62, v59  }
0xb0: {  	v33 =	vld [tilespmem:s26+$0x7B0];
	v32 =	vperm.xlane v17, v13;
	[tilespmem:s26+$0x740] =	vst v18;
	v18 =	vmul.f32 v63, v59  }
0xb1: {  	v34 =	vld [tilespmem:s26+$0x7C0];
	[tilespmem:s26+$0x750] =	vst v19;
	v19 =	vmul.f32 v28, v59  }
0xb2: {  	v35 =	vld [tilespmem:s26+$0x7D0];
	[tilespmem:s26+$0x760] =	vst v18;
	v18 =	vmul.f32 v29, v32  }
0xb3: {  	v36 =	vld [tilespmem:s26+$0x7E0];
	[tilespmem:s26+$0x770] =	vst v19;
	v19 =	vmul.f32 v30, v32  }
0xb4: {  	v37 =	vld [tilespmem:s26+$0x7F0];
	[tilespmem:s26+$0x780] =	vst v18;
	v18 =	vmul.f32 v31, v32  }
0xb5: {  	v38 =	vld [tilespmem:s26+$0x800];
	[tilespmem:s26+$0x790] =	vst v19;
	v19 =	vmul.f32 v33, v32  }
0xb6: {  	v39 =	vld [tilespmem:s26+$0x810];
	[tilespmem:s26+$0x7A0] =	vst v18;
	v18 =	vmul.f32 v34, v32  }
0xb7: {  	v40 =	vld [tilespmem:s26+$0x820];
	[tilespmem:s26+$0x7B0] =	vst v19;
	v19 =	vmul.f32 v35, v32  }
0xb8: {  	v42 =	vld [tilespmem:s26+$0x830];
	v41 =	vperm.xlane v17, v14;
	[tilespmem:s26+$0x7C0] =	vst v18;
	v18 =	vmul.f32 v36, v32  }
0xb9: {  	v43 =	vld [tilespmem:s26+$0x840];
	[tilespmem:s26+$0x7D0] =	vst v19;
	v19 =	vmul.f32 v37, v32  }
0xba: {  	v44 =	vld [tilespmem:s26+$0x850];
	[tilespmem:s26+$0x7E0] =	vst v18;
	v18 =	vmul.f32 v38, v41  }
0xbb: {  	v45 =	vld [tilespmem:s26+$0x860];
	[tilespmem:s26+$0x7F0] =	vst v19;
	v19 =	vmul.f32 v39, v41  }
0xbc: {  	v46 =	vld [tilespmem:s26+$0x870];
	[tilespmem:s26+$0x800] =	vst v18;
	v18 =	vmul.f32 v40, v41  }
0xbd: {  	v47 =	vld [tilespmem:s26+$0x880];
	[tilespmem:s26+$0x810] =	vst v19;
	v19 =	vmul.f32 v42, v41  }
0xbe: {  	v48 =	vld [tilespmem:s26+$0x890];
	[tilespmem:s26+$0x820] =	vst v18;
	v18 =	vmul.f32 v43, v41  }
0xbf: {  	v49 =	vld [tilespmem:s26+$0x8A0];
	[tilespmem:s26+$0x830] =	vst v19;
	v19 =	vmul.f32 v44, v41  }
0xc0: {  	v51 =	vld [tilespmem:s26+$0x8B0];
	v50 =	vperm.xlane v17, v15;
	[tilespmem:s26+$0x840] =	vst v18;
	v18 =	vmul.f32 v45, v41  }
0xc1: {  	v52 =	vld [tilespmem:s26+$0x8C0];
	[tilespmem:s26+$0x850] =	vst v19;
	v19 =	vmul.f32 v46, v41  }
0xc2: {  	v53 =	vld [tilespmem:s26+$0x8D0];
	[tilespmem:s26+$0x860] =	vst v18;
	v18 =	vmul.f32 v47, v50  }
0xc3: {  	v54 =	vld [tilespmem:s26+$0x8E0];
	[tilespmem:s26+$0x870] =	vst v19;
	v19 =	vmul.f32 v48, v50  }
0xc4: {  	v55 =	vld [tilespmem:s26+$0x8F0];
	[tilespmem:s26+$0x880] =	vst v18;
	v18 =	vmul.f32 v49, v50  }
0xc5: {  	v56 =	vld [tilespmem:s26+$0x900];
	[tilespmem:s26+$0x890] =	vst v19;
	v19 =	vmul.f32 v51, v50  }
0xc6: {  	v57 =	vld [tilespmem:s26+$0x910];
	[tilespmem:s26+$0x8A0] =	vst v18;
	v18 =	vmul.f32 v52, v50  }
0xc7: {  	v58 =	vld [tilespmem:s26+$0x920];
	[tilespmem:s26+$0x8B0] =	vst v19;
	v19 =	vmul.f32 v53, v50  }
0xc8: {  	v17 =	vperm.xlane v17, v16;
	v59 =	vld [tilespmem:s26+$0x930];
	[tilespmem:s26+$0x8C0] =	vst v18;
	v18 =	vmul.f32 v54, v50  }
0xc9: {  	v60 =	vld [tilespmem:s26+$0x940];
	[tilespmem:s26+$0x8D0] =	vst v19;
	v19 =	vmul.f32 v55, v50  }
0xca: {  	v61 =	vld [tilespmem:s26+$0x950];
	[tilespmem:s26+$0x8E0] =	vst v18;
	v18 =	vmul.f32 v56, v17  }
0xcb: {  	v62 =	vld [tilespmem:s26+$0x960];
	[tilespmem:s26+$0x8F0] =	vst v19;
	v19 =	vmul.f32 v57, v17  }
0xcc: {  	v63 =	vld [tilespmem:s26+$0x970];
	[tilespmem:s26+$0x900] =	vst v18;
	v18 =	vmul.f32 v58, v17  }
0xcd: {  	[tilespmem:s26+$0x910] =	vst v19;
	v19 =	vmul.f32 v59, v17  }
0xce: {  	p0 =	sne.s32 s25, $0x7;
	[tilespmem:s26+$0x920] =	vst v18;
	v18 =	vmul.f32 v60, v17  }
.Ltmp1:
0xcf: {  	[tilespmem:s26+$0x930] =	vst v19;
	v19 =	vmul.f32 v61, v17;
	(pc) =	sbr.rel @p0 .LBB2_5-.Ltmp1, $4  }
0xd0: {  	[tilespmem:s26+$0x940] =	vst v18;
	v18 =	vmul.f32 v62, v17  }
0xd1: {  	[tilespmem:s26+$0x950] =	vst v19;
	v17 =	vmul.f32 v63, v17  }
0xd2: {  	[tilespmem:s26+$0x960] =	vst v18  }
0xd3: {  	s25 =	sadd.s32 $0x1, s25;
	[tilespmem:s26+$0x970] =	vst v17  }
0xd4: {  	s24 =	sadd.s32 $0x1, s24  }
0xd5: {  	p0 =	sne.s32 s24, $0x4F  }
.Ltmp2:
0xd6: {  	_ = 	snop;
	(pc) =	sbr.rel @p0 .LBB2_4-.Ltmp2, $4  }
0xd7: {  	[spmem:s1] =	stream.indirect.scatter.add.f32 [tilespmem:s16], [sflag:$0x2], $0x80, s18, s18, $0xb8;
	[tilespmem:$0x18180] =	vst v63  }
0xd8: {  	_ =	swait.ge [sflag:s17], $0x4000  }
0xd9: {  	[sflag:s17] =	ssyncset.done $0x0  }
0xda: {  	[sflag:s17] =	ssyncadd.s32 $0xFFFFC000  }
0xdb: {  	s3 =	sadd.s32 $0x1, s3  }
0xdc: {  	p0 =	sne.s32 s3, s11  }
.Ltmp3:
0xdd: {  	[bflag:$0x0] =	sbarrier.arrive $0xFFFF;
	(pc) =	sbr.rel @p0 .LBB2_1-.Ltmp3, $4  }
0xde: {  	[hbm:s10], [sflag:s21] =	dma.local [spmem:s22], $0x2800  }
0xdf: {  	_ =	swait.ge [sflag:s17], $0x2800  }
0xe0: {  	[sflag:s17] =	ssyncset.done $0x0  }
0xe1: {  	[sflag:s17] =	ssyncadd.s32 $0xFFFFD800  }
0xe2: {  	_ =	sfence.sel $0x180000  }
0xe3: {  	[bflag:$0x0] =	sbarrier.arrive $0xFFFF  }
0xe4: {  	p0 =	sne.s32 s2, $0x0;
	_ =	strace $0x9000004A  }
0xe5: {  	s0 =	sadd.s32 @!p0 $0x100000, s0;
	[bflag:$0x2] =	sbarrier.arrive $0xFFFF  }
0xe6: {  	[sflag:s0] =	ssyncadd.tile.s32 @!p0 $0x1;
	_ =	shalt  }
.Lfunc_end2:
_tile_overlayer_lowered:
.L_overlay_start_2:
0xe7: {  	(tag) =	ssettag $0x2  }
0xe8: {  	s0 =	rddreg [dreg:$0x0];
	s2 =	stileid.u32  }
0xe9: {  	s1 =	rddreg [dreg:$0x1];
	p0 =	sne.s32 s2, $0x0  }
0xea: {  	s3 =	rddreg [dreg:$0x2];
	[bflag:$0x3] =	sbarrier.arrive $0xFFFF;
	s2 =	simm.s32 @!p0 $0x1C02  }
0xeb: {  	[timem:s3], [sflag:s2] =	dma.local @!p0 [hbm:s0], s1  }
0xec: {  	s0 =	simm.s32 @!p0 $0x2  }
0xed: {  	_ =	swait.ge @!p0 [sflag:s0], s1  }
0xee: {  	s1 =	ssub.s32 @!p0 $0x0, s1;
	[sflag:s0] =	ssyncset.done @!p0 $0x0  }
0xef: {  	[sflag:s0] =	ssyncadd.s32 @!p0 s1  }
0xf0: {  	[bflag:$0x3] =	sbarrier.arrive $0xFFFF  }
0xf1: {  	_ =	shalt  }

</sc_bundles>
